<compile_context>
chip_gen: v7x
topology: tpu7x:2x2x1
jax: 0.10.2.dev20260603
libtpu: 0.0.44.dev20260713+nightly
codegen_flags: <defaults>
</compile_context>

<pallas_src>
import jax
import jax.numpy as jnp
from jax import lax
from jax.experimental import pallas as pl
from jax.experimental.pallas import tpu as pltpu
from jax.experimental.pallas import tpu_sc as plsc

N_TOK = 4096
D_IN = 1024
D_LAT = 32768
D_OUT = 2048
K_TOP = 64
K_AUX = 256

TB = 1024
LB = 512
NI = N_TOK // TB
NJ = D_LAT // LB

NWORK = 32
ROWS_PER_W = N_TOK // NWORK
NVREG_ROW = D_LAT // 16
NVREG_HIST = 4096 // 16

_MIN_I32 = -2**31



def _encoder_body(x_ref, w_ref, b_ref, pre_ref, mu_ref, std_ref, nnz_ref, xn_s):
    j = pl.program_id(1)

    @pl.when(j == 0)
    def _():
        xb = x_ref[...]
        m = jnp.mean(xb, axis=1, keepdims=True)
        xc = xb - m
        m2 = jnp.mean(xc, axis=1, keepdims=True)
        var = jnp.sum((xc - m2) * (xc - m2), axis=1, keepdims=True) / (D_IN - 1)
        s = jnp.sqrt(var)
        xn_s[...] = xc / (s + 1e-5)
        mu_ref[...] = m
        std_ref[...] = s
        nnz_ref[...] = jnp.zeros_like(nnz_ref)

    p = jnp.dot(xn_s[...], w_ref[...], preferred_element_type=jnp.float32)
    p = p + b_ref[...]
    pre_ref[...] = p
    nnz_ref[...] += jnp.sum((p != 0.0).astype(jnp.float32), axis=1, keepdims=True)


def _encoder(x, W_enc, b_enc):
    return pl.pallas_call(
        _encoder_body,
        grid=(NI, NJ),
        in_specs=[
            pl.BlockSpec((TB, D_IN), lambda i, j: (i, 0)),
            pl.BlockSpec((D_IN, LB), lambda i, j: (0, j)),
            pl.BlockSpec((1, LB), lambda i, j: (0, j)),
        ],
        out_specs=[
            pl.BlockSpec((TB, LB), lambda i, j: (i, j)),
            pl.BlockSpec((TB, 1), lambda i, j: (i, 0)),
            pl.BlockSpec((TB, 1), lambda i, j: (i, 0)),
            pl.BlockSpec((TB, 1), lambda i, j: (i, 0)),
        ],
        out_shape=[
            jax.ShapeDtypeStruct((N_TOK, D_LAT), jnp.float32),
            jax.ShapeDtypeStruct((N_TOK, 1), jnp.float32),
            jax.ShapeDtypeStruct((N_TOK, 1), jnp.float32),
            jax.ShapeDtypeStruct((N_TOK, 1), jnp.float32),
        ],
        scratch_shapes=[pltpu.VMEM((TB, D_IN), jnp.float32)],
    )(x, W_enc, b_enc.reshape(1, D_LAT))



def _f32_to_ordered_u32(v):
    s = plsc.bitcast(v, jnp.int32)
    m = lax.shift_right_arithmetic(s, 31)
    return s ^ (m | _MIN_I32)


def _ordered_u32_to_f32(u):
    pos = u < 0
    s = jnp.where(pos, u ^ _MIN_I32, ~u)
    return plsc.bitcast(s, jnp.float32)


UNROLL = 8
NGRP = 4
HIST_N = NGRP * 4096
CAP = 2048


def _topk_body(pre_hbm, t64_hbm, t256_hbm, row_a, row_b, cand_v,
               hist_v, t64_v, t256_v, sem_a, sem_b):
    nc = 2
    wid = lax.axis_index("s") * nc + lax.axis_index("c")
    base = wid * ROWS_PER_W
    lanes = lax.iota(jnp.int32, 16)
    ones = jnp.ones((16,), jnp.int32)
    zeros = jnp.zeros((16,), jnp.int32)

    lane_base = lanes * CAP

    def select_in_bucket(cand_v, off_vec, bkt, rank):
        off_c = jnp.minimum(off_vec, CAP)
        nv = jnp.max(off_c)
        rank_spl = lax.broadcast(rank, (16,))

        def bit_step(b, carry):
            p, r = carry
            bi = 19 - b
            tgt = lax.shift_right_logical(p, bi) | 1

            def cnt_step(t, acc):
                uvec = plsc.load_gather(cand_v, [lane_base + t])
                valid = t < off_c
                hit = jnp.logical_and(
                    lax.shift_right_logical(uvec, bi) == tgt, valid)
                return acc + plsc.all_reduce_population_count(hit)

            c1 = lax.fori_loop(0, nv, cnt_step, jnp.zeros((16,), jnp.int32))
            take = r <= c1
            p = jnp.where(take, p | lax.shift_left(jnp.int32(1), bi), p)
            r = jnp.where(take, r, r - c1)
            return p, r

        p0 = lax.broadcast(lax.shift_left(bkt, 20), (16,))
        p, _ = lax.fori_loop(0, 20, bit_step, (p0, rank_spl))
        return p

    grp_off = lax.shift_left(jnp.bitwise_and(lanes, NGRP - 1), 12)

    def process_row(row_v, rr):
        @plsc.parallel_loop(0, HIST_N // 16, unroll=UNROLL)
        def _zero(t):
            hist_v[pl.ds(t * 16, 16)] = zeros

        @plsc.parallel_loop(0, NVREG_ROW, unroll=UNROLL)
        def _hist(t):
            v = row_v[pl.ds(t * 16, 16)]
            u = _f32_to_ordered_u32(v)
            b = lax.shift_right_logical(u, 20) | grp_off
            plsc.addupdate_scatter(hist_v, [b], ones)

        def scan_step(t, carry):
            acc, b64, c64, b256, c256 = carry
            for k in range(4):
                tt = t * 4 + k
                h = hist_v[pl.ds(tt * 16, 16)]
                for g in range(1, NGRP):
                    h = h + hist_v[pl.ds(g * 4096 + tt * 16, 16)]
                incl = acc + plsc.cumsum(h)
                sfx1 = D_LAT - incl
                sfx = sfx1 + h
                ids = tt * 16 + lanes

                def upd(kk, bk, ck):
                    bk = jnp.maximum(bk, jnp.where(sfx >= kk, ids, -1))
                    ck = jnp.maximum(ck, jnp.where(sfx1 < kk, sfx1, 0))
                    return bk, ck

                b64, c64 = upd(K_TOP, b64, c64)
                b256, c256 = upd(K_AUX, b256, c256)
                acc = acc + jnp.sum(h)
            return acc, b64, c64, b256, c256

        init = (jnp.int32(0), jnp.full((16,), -1, jnp.int32),
                jnp.zeros((16,), jnp.int32), jnp.full((16,), -1, jnp.int32),
                jnp.zeros((16,), jnp.int32))
        _, b64v, c64v, b256v, c256v = lax.fori_loop(
            0, NVREG_HIST // 4, scan_step, init)
        b64 = jnp.max(b64v)
        c64 = jnp.max(c64v)
        b256 = jnp.max(b256v)
        c256 = jnp.max(c256v)

        @plsc.parallel_loop(0, NVREG_ROW, unroll=UNROLL,
                            carry=jnp.zeros((16,), jnp.int32))
        def o_v(t, o):
            v = row_v[pl.ds(t * 16, 16)]
            u = _f32_to_ordered_u32(v)
            b = lax.shift_right_logical(u, 20)
            m = jnp.logical_or(b == b64, b == b256)
            idx = lane_base + jnp.minimum(o, CAP - 1)
            plsc.store_scatter(cand_v, [idx], u, mask=m)
            return o + m.astype(jnp.int32)

        p64 = select_in_bucket(cand_v, o_v, b64, K_TOP - c64)
        p256 = select_in_bucket(cand_v, o_v, b256, K_AUX - c256)

        chunk = lax.shift_right_logical(rr, 4)
        lane = rr & 15

        def store_t(t_v, p):
            tv = _ordered_u32_to_f32(p)
            old = t_v[pl.ds(chunk * 16, 16)]
            t_v[pl.ds(chunk * 16, 16)] = jnp.where(lanes == lane, tv, old)

        store_t(t64_v, p64)
        store_t(t256_v, p256)

    def copy_row(rr, dst, sem):
        return pltpu.make_async_copy(pre_hbm.at[base + rr], dst, sem)

    copy_row(0, row_a, sem_a).start()

    def pair_body(q, _):
        r0 = 2 * q
        copy_row(r0, row_a, sem_a).wait()
        copy_row(jnp.minimum(r0 + 1, ROWS_PER_W - 1), row_b, sem_b).start()
        process_row(row_a, r0)
        copy_row(r0 + 1, row_b, sem_b).wait()
        copy_row(jnp.minimum(r0 + 2, ROWS_PER_W - 1), row_a, sem_a).start()
        process_row(row_b, r0 + 1)
        return 0

    lax.fori_loop(0, ROWS_PER_W // 2, pair_body, 0)
    copy_row(ROWS_PER_W - 1, row_a, sem_a).wait()
    pltpu.sync_copy(t64_v, t64_hbm.at[pl.ds(base, ROWS_PER_W)])
    pltpu.sync_copy(t256_v, t256_hbm.at[pl.ds(base, ROWS_PER_W)])


def _topk_thresholds(preact):
    mesh = plsc.VectorSubcoreMesh(core_axis_name="c", subcore_axis_name="s")
    f = pl.kernel(
        _topk_body,
        out_type=[
            jax.ShapeDtypeStruct((N_TOK,), jnp.float32),
            jax.ShapeDtypeStruct((N_TOK,), jnp.float32),
        ],
        mesh=mesh,
        scratch_types=[
            pltpu.VMEM((D_LAT,), jnp.float32),
            pltpu.VMEM((D_LAT,), jnp.float32),
            pltpu.VMEM((16 * CAP,), jnp.int32),
            pltpu.VMEM((HIST_N,), jnp.int32),
            pltpu.VMEM((ROWS_PER_W,), jnp.float32),
            pltpu.VMEM((ROWS_PER_W,), jnp.float32),
            pltpu.SemaphoreType.DMA,
            pltpu.SemaphoreType.DMA,
        ],
        compiler_params=pltpu.CompilerParams(needs_layout_passes=False),
    )
    return f(preact)



def _decode_body(pre_ref, w_ref, bd_ref, t64_ref, t256_ref, mu_ref, std_ref,
                 feat_ref, out_ref, dead_ref):
    j = pl.program_id(1)
    p = pre_ref[...]
    relu = jnp.maximum(p, 0.0)
    feat = jnp.where(p >= t64_ref[...], relu, 0.0)
    dead = jnp.where(p >= t256_ref[...], relu, 0.0)
    feat_ref[...] = feat

    @pl.when(j == 0)
    def _():
        out_ref[...] = jnp.zeros_like(out_ref)
        dead_ref[...] = jnp.zeros_like(dead_ref)

    w = w_ref[...]
    out_ref[...] += jnp.dot(feat.astype(jnp.bfloat16), w,
                            preferred_element_type=jnp.float32)
    dead_ref[...] += jnp.dot(dead.astype(jnp.bfloat16), w,
                             preferred_element_type=jnp.float32)

    @pl.when(j == NJ - 1)
    def _():
        s = std_ref[...]
        m = mu_ref[...]
        bd = bd_ref[...]
        out_ref[...] = (out_ref[...] + bd) * s + m
        dead_ref[...] = (dead_ref[...] + bd) * s + m


def _decode(preact, W_dec16, b_dec, t64, t256, mu, std):
    return pl.pallas_call(
        _decode_body,
        grid=(NI, NJ),
        in_specs=[
            pl.BlockSpec((TB, LB), lambda i, j: (i, j)),
            pl.BlockSpec((LB, D_OUT), lambda i, j: (j, 0)),
            pl.BlockSpec((1, D_OUT), lambda i, j: (0, 0)),
            pl.BlockSpec((TB, 1), lambda i, j: (i, 0)),
            pl.BlockSpec((TB, 1), lambda i, j: (i, 0)),
            pl.BlockSpec((TB, 1), lambda i, j: (i, 0)),
            pl.BlockSpec((TB, 1), lambda i, j: (i, 0)),
        ],
        out_specs=[
            pl.BlockSpec((TB, LB), lambda i, j: (i, j)),
            pl.BlockSpec((TB, D_OUT), lambda i, j: (i, 0)),
            pl.BlockSpec((TB, D_OUT), lambda i, j: (i, 0)),
        ],
        out_shape=[
            jax.ShapeDtypeStruct((N_TOK, D_LAT), jnp.float32),
            jax.ShapeDtypeStruct((N_TOK, D_OUT), jnp.float32),
            jax.ShapeDtypeStruct((N_TOK, D_OUT), jnp.float32),
        ],
        compiler_params=pltpu.CompilerParams(
            vmem_limit_bytes=100 * 1024 * 1024),
    )(preact, W_dec16, b_dec.reshape(1, D_OUT), t64.reshape(N_TOK, 1),
      t256.reshape(N_TOK, 1), mu, std)



def kernel(x, W_enc, b_enc, W_dec, b_dec):
    preact, mu, std, nnz = _encoder(x, W_enc, b_enc)
    t64, t256 = _topk_thresholds(preact)
    features, out, dead = _decode(preact, W_dec.astype(jnp.bfloat16), b_dec,
                                  t64, t256, mu, std)
    num_dead = jnp.mean(nnz)
    return features, out, dead, num_dead

# --- scband reference (transcript-rebuilt; emitter-appended) ---
"""Pipeline reference for scband-gcc-79293686219267 (READ-ONLY COPY).

The authoritative reference and input builder live on the scoring server;
editing this copy changes nothing except your own understanding.
"""

import jax, jax.numpy as jnp
import numpy as np

INPUT_DIMS = 1024
NUM_BLOCKS = 2
EXPANSION = 32
TOPK = 64
AUXK = 256
DEAD_THR = 0
GCC_DIMS = INPUT_DIMS * EXPANSION
OUT_DIMS = INPUT_DIMS * NUM_BLOCKS
N_TOK = 4096


def setup_inputs(seed: int = 0) -> dict:
    key = jax.random.key(seed)
    k1, k2, k3 = jax.random.split(key, 3)
    x = jax.random.normal(k1, (N_TOK, INPUT_DIMS), dtype=jnp.float32)
    # kaiming_uniform_ with a=sqrt(5): bound = 1/sqrt(fan_in), fan_in = dim 1 of torch tensor
    be = float(np.sqrt(1.0 / GCC_DIMS))
    W_enc = jax.random.uniform(k2, (INPUT_DIMS, GCC_DIMS), minval=-be, maxval=be, dtype=jnp.float32)
    bd = float(np.sqrt(1.0 / OUT_DIMS))
    W_dec = jax.random.uniform(k3, (GCC_DIMS, OUT_DIMS), minval=-bd, maxval=bd, dtype=jnp.float32)
    b_enc = jnp.zeros((GCC_DIMS,), jnp.float32)
    b_dec = jnp.zeros((OUT_DIMS,), jnp.float32)
    return {"x": x, "W_enc": W_enc, "b_enc": b_enc, "W_dec": W_dec, "b_dec": b_dec}


def _LN(x, eps=1e-5):
    mu = jnp.mean(x, axis=-1, keepdims=True)
    xc = x - mu
    std = jnp.std(xc, axis=-1, ddof=1, keepdims=True)  # torch std is unbiased
    return xc / (std + eps), mu, std


def reference(x, W_enc, b_enc, W_dec, b_dec):
    xn, mu, std = _LN(x)
    preact = xn @ W_enc + b_enc
    rows = jnp.arange(preact.shape[0])[:, None]
    # topk branch
    vals, idx = jax.lax.top_k(preact, TOPK)
    vals = jax.nn.relu(vals)
    xs = jnp.zeros_like(preact).at[rows, idx].set(vals)
    # stats_last_nonzero buffer update (starts at zeros)
    stats0 = jnp.zeros((GCC_DIMS,), jnp.int32)
    all_zero = jnp.all(xs == 0, axis=0).astype(jnp.int32)
    stats = stats0 * all_zero + 1
    dead_mask = (stats > DEAD_THR).astype(preact.dtype)
    auxk_acts = preact * dead_mask
    num_dead = jnp.mean(jnp.sum(auxk_acts != 0, axis=-1).astype(jnp.float32))
    dvals, didx = jax.lax.top_k(auxk_acts, AUXK)
    top_dead_acts = jnp.zeros_like(auxk_acts).at[rows, didx].set(dvals)
    top_dead_acts = jax.nn.relu(top_dead_acts)
    features = jax.nn.relu(xs)
    out = (features @ W_dec + b_dec) * std + mu
    dead_acts_recon = (top_dead_acts @ W_dec + b_dec) * std + mu
    return features, out, dead_acts_recon, num_dead

if __name__ == "__main__":
    import jax
    _d = setup_inputs()
    print(jax.jit(kernel)(*tuple(_d.values())))

</pallas_src>

<mosaic_0001>
#map = affine_map<(d0, d1) -> (0, 0)>
#map1 = affine_map<(d0, d1) -> (0)>
module attributes {stable_mosaic.version = 14 : i64} {
  func.func @_topk_body(%arg0: i32, %arg1: i32, %arg2: memref<4096x32768xf32, #tpu.memory_space<hbm>>, %arg3: memref<4096xf32, #tpu.memory_space<hbm>>, %arg4: memref<4096xf32, #tpu.memory_space<hbm>>, %arg5: memref<32768xf32, #tpu.memory_space<vmem>>, %arg6: memref<32768xf32, #tpu.memory_space<vmem>>, %arg7: memref<32768xi32, #tpu.memory_space<vmem>>, %arg8: memref<16384xi32, #tpu.memory_space<vmem>>, %arg9: memref<128xf32, #tpu.memory_space<vmem>>, %arg10: memref<128xf32, #tpu.memory_space<vmem>>, %arg11: memref<!tpu.dma_semaphore, #tpu.memory_space<semaphore_mem>>, %arg12: memref<!tpu.dma_semaphore, #tpu.memory_space<semaphore_mem>>) attributes {dimension_semantics = [#tpu.dimension_semantics<core_parallel>, #tpu.dimension_semantics<subcore_parallel>], iteration_bounds = array<i64: 2, 16>, scalar_prefetch = 0 : i64, scratch_operands = 8 : i64, tpu.core_type = #tpu.core_type<sc_vector_subcore>, window_params = [{transform_indices = #map}, {transform_indices = #map1}, {transform_indices = #map1}]} {
    %mul3A = arith.constant 2 : i32
    %mul3A_0 = arith.muli %arg1, %mul3A : i32
    %add3A = arith.addi %mul3A_0, %arg0 : i32
    %mul3A_1 = arith.constant 128 : i32
    %mul3A_2 = arith.muli %add3A, %mul3A_1 : i32
    %iota3A = tpu.iota {dimensions = array<i32: 0>} : vector<16xi32>
    %broadcast_in_dim3A = arith.constant 1 : i32
    %broadcast_in_dim3A_3 = vector.broadcast %broadcast_in_dim3A : i32 to vector<16xi32>
    %broadcast_in_dim3A_4 = arith.constant 0 : i32
    %broadcast_in_dim3A_5 = vector.broadcast %broadcast_in_dim3A_4 : i32 to vector<16xi32>
    %mul3A_6 = arith.constant 2048 : i32
    %mul3A_7 = vector.broadcast %mul3A_6 : i32 to vector<16xi32>
    %mul3A_8 = arith.muli %iota3A, %mul3A_7 : vector<16xi32>
    %and3A = arith.constant 3 : i32
    %and3A_9 = vector.broadcast %and3A : i32 to vector<16xi32>
    %and3A_10 = arith.andi %iota3A, %and3A_9 : vector<16xi32>
    %shift_left3A = arith.constant 12 : i32
    %shift_left3A_11 = vector.broadcast %shift_left3A : i32 to vector<16xi32>
    %shift_left3A_12 = arith.shli %and3A_10, %shift_left3A_11 : vector<16xi32>
    %add3A_13 = arith.constant 0 : i32
    %add3A_14 = arith.addi %mul3A_2, %add3A_13 : i32
    %dma_start3A = arith.constant 0 : i32
    %dma_start3A_15 = tpu.memref_slice %arg2[%add3A_14, %dma_start3A] : memref<4096x32768xf32, #tpu.memory_space<hbm>> -> memref<1x32768xf32, #tpu.memory_space<hbm>>
    %dma_start3A_16 = tpu.memref_squeeze %dma_start3A_15 : memref<1x32768xf32, #tpu.memory_space<hbm>> -> memref<32768xf32, #tpu.memory_space<hbm>>
    %dma_start3A_17 = arith.constant 0 : i32
    %dma_start3A_18 = tpu.memref_slice %arg2[%add3A_14, %dma_start3A_17] : memref<4096x32768xf32, #tpu.memory_space<hbm>> -> memref<1x32768xf32, #tpu.memory_space<hbm>>
    %dma_start3A_19 = tpu.memref_squeeze %dma_start3A_18 : memref<1x32768xf32, #tpu.memory_space<hbm>> -> memref<32768xf32, #tpu.memory_space<hbm>>
    tpu.enqueue_dma source(%dma_start3A_19 : memref<32768xf32, #tpu.memory_space<hbm>>) target(%arg5 : memref<32768xf32, #tpu.memory_space<vmem>>) target_semaphore(%arg11 : memref<!tpu.dma_semaphore, #tpu.memory_space<semaphore_mem>>)
    %scan3A = arith.constant 0 : i32
    %scan3A_20 = arith.constant 0 : i32
    %scan3A_21 = arith.constant 64 : i32
    %scan3A_22 = arith.addi %scan3A_20, %scan3A_21 : i32
    %scan3A_23 = arith.constant 1 : i32
    %scan3A_24 = scf.for %scan3A_33 = %scan3A_20 to %scan3A_22 step %scan3A_23 iter_args(%scan3A_34 = %scan3A) -> (i32)  : i32 {
      %mul3A_35 = arith.constant 2 : i32
      %mul3A_36 = arith.muli %mul3A_35, %scan3A_33 : i32
      %add3A_37 = arith.addi %mul3A_2, %mul3A_36 : i32
      %dma_wait3A_38 = arith.constant 0 : i32
      %dma_wait3A_39 = tpu.memref_slice %arg2[%add3A_37, %dma_wait3A_38] : memref<4096x32768xf32, #tpu.memory_space<hbm>> -> memref<1x32768xf32, #tpu.memory_space<hbm>>
      %dma_wait3A_40 = tpu.memref_squeeze %dma_wait3A_39 : memref<1x32768xf32, #tpu.memory_space<hbm>> -> memref<32768xf32, #tpu.memory_space<hbm>>
      %dma_wait3A_41 = arith.constant 0 : i32
      %dma_wait3A_42 = tpu.memref_slice %arg2[%add3A_37, %dma_wait3A_41] : memref<4096x32768xf32, #tpu.memory_space<hbm>> -> memref<1x32768xf32, #tpu.memory_space<hbm>>
      %dma_wait3A_43 = tpu.memref_squeeze %dma_wait3A_42 : memref<1x32768xf32, #tpu.memory_space<hbm>> -> memref<32768xf32, #tpu.memory_space<hbm>>
      tpu.wait_dma2 semaphore(%arg11 : memref<!tpu.dma_semaphore, #tpu.memory_space<semaphore_mem>>) src(%dma_wait3A_43 : memref<32768xf32, #tpu.memory_space<hbm>>) dst(%arg5 : memref<32768xf32, #tpu.memory_space<vmem>>)
      %add3A_44 = arith.constant 1 : i32
      %add3A_45 = arith.addi %mul3A_36, %add3A_44 : i32
      %min3A = arith.constant 127 : i32
      %min3A_46 = arith.minsi %add3A_45, %min3A : i32
      %add3A_47 = arith.addi %mul3A_2, %min3A_46 : i32
      %dma_start3A_48 = arith.constant 0 : i32
      %dma_start3A_49 = tpu.memref_slice %arg2[%add3A_47, %dma_start3A_48] : memref<4096x32768xf32, #tpu.memory_space<hbm>> -> memref<1x32768xf32, #tpu.memory_space<hbm>>
      %dma_start3A_50 = tpu.memref_squeeze %dma_start3A_49 : memref<1x32768xf32, #tpu.memory_space<hbm>> -> memref<32768xf32, #tpu.memory_space<hbm>>
      %dma_start3A_51 = arith.constant 0 : i32
      %dma_start3A_52 = tpu.memref_slice %arg2[%add3A_47, %dma_start3A_51] : memref<4096x32768xf32, #tpu.memory_space<hbm>> -> memref<1x32768xf32, #tpu.memory_space<hbm>>
      %dma_start3A_53 = tpu.memref_squeeze %dma_start3A_52 : memref<1x32768xf32, #tpu.memory_space<hbm>> -> memref<32768xf32, #tpu.memory_space<hbm>>
      tpu.enqueue_dma source(%dma_start3A_53 : memref<32768xf32, #tpu.memory_space<hbm>>) target(%arg6 : memref<32768xf32, #tpu.memory_space<vmem>>) target_semaphore(%arg12 : memref<!tpu.dma_semaphore, #tpu.memory_space<semaphore_mem>>)
      %parallel_loop3A = arith.constant 0 : i32
      %parallel_loop3A_54 = arith.constant 1024 : i32
      %parallel_loop3A_55 = arith.constant 1 : i32
      scf.for %parallel_loop3A_367 = %parallel_loop3A to %parallel_loop3A_54 step %parallel_loop3A_55  : i32 {
        %parallel_loop3A_368 = arith.constant 16 : i32
        %parallel_loop3A_369 = arith.muli %parallel_loop3A_367, %parallel_loop3A_368 : i32
        %parallel_loop3A_370 = arith.index_cast %parallel_loop3A_369 : i32 to index
        %parallel_loop3A_371 = tpu.vector_load %arg8[%parallel_loop3A_370] {strides = array<i32>} : memref<16384xi32, #tpu.memory_space<vmem>>, vector<16xi32>,
        tpu.vector_store %arg8[%parallel_loop3A_370], %broadcast_in_dim3A_5 {strides = array<i32>} : memref<16384xi32, #tpu.memory_space<vmem>>, vector<16xi32>,
      } {sc.loop_unroll_factor = 8 : i64, sc.parallel_access}
      %parallel_loop3A_56 = arith.constant 0 : i32
      %parallel_loop3A_57 = arith.constant 2048 : i32
      %parallel_loop3A_58 = arith.constant 1 : i32
      scf.for %parallel_loop3A_367 = %parallel_loop3A_56 to %parallel_loop3A_57 step %parallel_loop3A_58  : i32 {
        %parallel_loop3A_368 = arith.constant 16 : i32
        %parallel_loop3A_369 = arith.muli %parallel_loop3A_367, %parallel_loop3A_368 : i32
        %parallel_loop3A_370 = arith.index_cast %parallel_loop3A_369 : i32 to index
        %parallel_loop3A_371 = tpu.vector_load %arg5[%parallel_loop3A_370] {strides = array<i32>} : memref<32768xf32, #tpu.memory_space<vmem>>, vector<16xf32>,
        %parallel_loop3A_372 = vector.bitcast %parallel_loop3A_371 : vector<16xf32> to vector<16xi32>
        %parallel_loop3A_373 = arith.constant 31 : i32
        %parallel_loop3A_374 = vector.broadcast %parallel_loop3A_373 : i32 to vector<16xi32>
        %parallel_loop3A_375 = arith.shrsi %parallel_loop3A_372, %parallel_loop3A_374 : vector<16xi32>
        %parallel_loop3A_376 = arith.constant -2147483648 : i32
        %parallel_loop3A_377 = vector.broadcast %parallel_loop3A_376 : i32 to vector<16xi32>
        %parallel_loop3A_378 = arith.ori %parallel_loop3A_375, %parallel_loop3A_377 : vector<16xi32>
        %parallel_loop3A_379 = arith.xori %parallel_loop3A_372, %parallel_loop3A_378 : vector<16xi32>
        %parallel_loop3A_380 = arith.constant 20 : i32
        %parallel_loop3A_381 = vector.broadcast %parallel_loop3A_380 : i32 to vector<16xi32>
        %parallel_loop3A_382 = arith.shrui %parallel_loop3A_379, %parallel_loop3A_381 : vector<16xi32>
        %parallel_loop3A_383 = arith.ori %parallel_loop3A_382, %shift_left3A_12 : vector<16xi32>
        tpu.vector_store_idx %arg8[%parallel_loop3A_383], %broadcast_in_dim3A_3 {add = true} : memref<16384xi32, #tpu.memory_space<vmem>>[vector<16xi32>], vector<16xi32>,
      } {sc.loop_unroll_factor = 8 : i64, sc.parallel_access}
      %broadcast_in_dim3A_59 = arith.constant -1 : i32
      %broadcast_in_dim3A_60 = vector.broadcast %broadcast_in_dim3A_59 : i32 to vector<16xi32>
      %broadcast_in_dim3A_61 = arith.constant 0 : i32
      %broadcast_in_dim3A_62 = vector.broadcast %broadcast_in_dim3A_61 : i32 to vector<16xi32>
      %broadcast_in_dim3A_63 = arith.constant -1 : i32
      %broadcast_in_dim3A_64 = vector.broadcast %broadcast_in_dim3A_63 : i32 to vector<16xi32>
      %broadcast_in_dim3A_65 = arith.constant 0 : i32
      %broadcast_in_dim3A_66 = vector.broadcast %broadcast_in_dim3A_65 : i32 to vector<16xi32>
      %scan3A_67 = arith.constant 0 : i32
      %scan3A_68 = arith.constant 0 : i32
      %scan3A_69 = arith.constant 64 : i32
      %scan3A_70 = arith.addi %scan3A_68, %scan3A_69 : i32
      %scan3A_71 = arith.constant 1 : i32
      %scan3A_72:5 = scf.for %scan3A_367 = %scan3A_68 to %scan3A_70 step %scan3A_71 iter_args(%scan3A_368 = %scan3A_67, %scan3A_369 = %broadcast_in_dim3A_60, %scan3A_370 = %broadcast_in_dim3A_62, %scan3A_371 = %broadcast_in_dim3A_64, %scan3A_372 = %broadcast_in_dim3A_66) -> (i32, vector<16xi32>, vector<16xi32>, vector<16xi32>, vector<16xi32>)  : i32 {
        %mul3A_373 = arith.constant 4 : i32
        %mul3A_374 = arith.muli %scan3A_367, %mul3A_373 : i32
        %add3A_375 = arith.constant 0 : i32
        %add3A_376 = arith.addi %mul3A_374, %add3A_375 : i32
        %mul3A_377 = arith.constant 16 : i32
        %mul3A_378 = arith.muli %add3A_376, %mul3A_377 : i32
        %get3A_379 = arith.index_cast %mul3A_378 : i32 to index
        %get3A_380 = tpu.vector_load %arg8[%get3A_379] {strides = array<i32>} : memref<16384xi32, #tpu.memory_space<vmem>>, vector<16xi32>,
        %mul3A_381 = arith.constant 16 : i32
        %mul3A_382 = arith.muli %add3A_376, %mul3A_381 : i32
        %add3A_383 = arith.constant 4096 : i32
        %add3A_384 = arith.addi %add3A_383, %mul3A_382 : i32
        %get3A_385 = arith.index_cast %add3A_384 : i32 to index
        %get3A_386 = tpu.vector_load %arg8[%get3A_385] {strides = array<i32>} : memref<16384xi32, #tpu.memory_space<vmem>>, vector<16xi32>,
        %add3A_387 = arith.addi %get3A_380, %get3A_386 : vector<16xi32>
        %mul3A_388 = arith.constant 16 : i32
        %mul3A_389 = arith.muli %add3A_376, %mul3A_388 : i32
        %add3A_390 = arith.constant 8192 : i32
        %add3A_391 = arith.addi %add3A_390, %mul3A_389 : i32
        %get3A_392 = arith.index_cast %add3A_391 : i32 to index
        %get3A_393 = tpu.vector_load %arg8[%get3A_392] {strides = array<i32>} : memref<16384xi32, #tpu.memory_space<vmem>>, vector<16xi32>,
        %add3A_394 = arith.addi %add3A_387, %get3A_393 : vector<16xi32>
        %mul3A_395 = arith.constant 16 : i32
        %mul3A_396 = arith.muli %add3A_376, %mul3A_395 : i32
        %add3A_397 = arith.constant 12288 : i32
        %add3A_398 = arith.addi %add3A_397, %mul3A_396 : i32
        %get3A_399 = arith.index_cast %add3A_398 : i32 to index
        %get3A_400 = tpu.vector_load %arg8[%get3A_399] {strides = array<i32>} : memref<16384xi32, #tpu.memory_space<vmem>>, vector<16xi32>,
        %add3A_401 = arith.addi %add3A_394, %get3A_400 : vector<16xi32>
        %broadcast_in_dim3A_402 = arith.constant true
        %broadcast_in_dim3A_403 = vector.broadcast %broadcast_in_dim3A_402 : i1 to vector<16xi1>
        %masked_cumsum3A = tpu.scan <sum>, %add3A_401 masked %broadcast_in_dim3A_403 : vector<16xi32>, vector<16xi1> -> vector<16xi32>
        %add3A_404 = vector.broadcast %scan3A_368 : i32 to vector<16xi32>
        %add3A_405 = arith.addi %add3A_404, %masked_cumsum3A : vector<16xi32>
        %sub3A_406 = arith.constant 32768 : i32
        %sub3A_407 = vector.broadcast %sub3A_406 : i32 to vector<16xi32>
        %sub3A_408 = arith.subi %sub3A_407, %add3A_405 : vector<16xi32>
        %add3A_409 = arith.addi %sub3A_408, %add3A_401 : vector<16xi32>
        %mul3A_410 = arith.constant 16 : i32
        %mul3A_411 = arith.muli %add3A_376, %mul3A_410 : i32
        %add3A_412 = vector.broadcast %mul3A_411 : i32 to vector<16xi32>
        %add3A_413 = arith.addi %add3A_412, %iota3A : vector<16xi32>
        %ge3A = arith.constant 64 : i32
        %ge3A_414 = vector.broadcast %ge3A : i32 to vector<16xi32>
        %ge3A_415 = arith.cmpi sge, %add3A_409, %ge3A_414 : vector<16xi32>
        %jit3A = arith.constant -1 : i32
        %broadcast_in_dim3A_416 = vector.broadcast %jit3A : i32 to vector<16xi32>
        %select_n3A_417 = arith.select %ge3A_415, %add3A_413, %broadcast_in_dim3A_416 : vector<16xi1>, vector<16xi32>
        %max3A = arith.maxsi %scan3A_369, %select_n3A_417 : vector<16xi32>
        %lt3A_418 = arith.constant 64 : i32
        %lt3A_419 = vector.broadcast %lt3A_418 : i32 to vector<16xi32>
        %lt3A_420 = arith.cmpi slt, %sub3A_408, %lt3A_419 : vector<16xi32>
        %jit3A_421 = arith.constant 0 : i32
        %broadcast_in_dim3A_422 = vector.broadcast %jit3A_421 : i32 to vector<16xi32>
        %select_n3A_423 = arith.select %lt3A_420, %sub3A_408, %broadcast_in_dim3A_422 : vector<16xi1>, vector<16xi32>
        %max3A_424 = arith.maxsi %scan3A_370, %select_n3A_423 : vector<16xi32>
        %ge3A_425 = arith.constant 256 : i32
        %ge3A_426 = vector.broadcast %ge3A_425 : i32 to vector<16xi32>
        %ge3A_427 = arith.cmpi sge, %add3A_409, %ge3A_426 : vector<16xi32>
        %jit3A_428 = arith.constant -1 : i32
        %broadcast_in_dim3A_429 = vector.broadcast %jit3A_428 : i32 to vector<16xi32>
        %select_n3A_430 = arith.select %ge3A_427, %add3A_413, %broadcast_in_dim3A_429 : vector<16xi1>, vector<16xi32>
        %max3A_431 = arith.maxsi %scan3A_371, %select_n3A_430 : vector<16xi32>
        %lt3A_432 = arith.constant 256 : i32
        %lt3A_433 = vector.broadcast %lt3A_432 : i32 to vector<16xi32>
        %lt3A_434 = arith.cmpi slt, %sub3A_408, %lt3A_433 : vector<16xi32>
        %jit3A_435 = arith.constant 0 : i32
        %broadcast_in_dim3A_436 = vector.broadcast %jit3A_435 : i32 to vector<16xi32>
        %select_n3A_437 = arith.select %lt3A_434, %sub3A_408, %broadcast_in_dim3A_436 : vector<16xi1>, vector<16xi32>
        %max3A_438 = arith.maxsi %scan3A_372, %select_n3A_437 : vector<16xi32>
        %reduce_sum3A = arith.constant true
        %reduce_sum3A_439 = vector.broadcast %reduce_sum3A : i1 to vector<16xi1>
        %reduce_sum3A_440 = tpu.scan <sum>, %add3A_401 masked %reduce_sum3A_439 : vector<16xi32>, vector<16xi1> -> vector<16xi32>
        %reduce_sum3A_441 = vector.extract %reduce_sum3A_440[15] : i32 from vector<16xi32>
        %add3A_442 = arith.addi %scan3A_368, %reduce_sum3A_441 : i32
        %mul3A_443 = arith.constant 4 : i32
        %mul3A_444 = arith.muli %scan3A_367, %mul3A_443 : i32
        %add3A_445 = arith.constant 1 : i32
        %add3A_446 = arith.addi %mul3A_444, %add3A_445 : i32
        %mul3A_447 = arith.constant 16 : i32
        %mul3A_448 = arith.muli %add3A_446, %mul3A_447 : i32
        %get3A_449 = arith.index_cast %mul3A_448 : i32 to index
        %get3A_450 = tpu.vector_load %arg8[%get3A_449] {strides = array<i32>} : memref<16384xi32, #tpu.memory_space<vmem>>, vector<16xi32>,
        %mul3A_451 = arith.constant 16 : i32
        %mul3A_452 = arith.muli %add3A_446, %mul3A_451 : i32
        %add3A_453 = arith.constant 4096 : i32
        %add3A_454 = arith.addi %add3A_453, %mul3A_452 : i32
        %get3A_455 = arith.index_cast %add3A_454 : i32 to index
        %get3A_456 = tpu.vector_load %arg8[%get3A_455] {strides = array<i32>} : memref<16384xi32, #tpu.memory_space<vmem>>, vector<16xi32>,
        %add3A_457 = arith.addi %get3A_450, %get3A_456 : vector<16xi32>
        %mul3A_458 = arith.constant 16 : i32
        %mul3A_459 = arith.muli %add3A_446, %mul3A_458 : i32
        %add3A_460 = arith.constant 8192 : i32
        %add3A_461 = arith.addi %add3A_460, %mul3A_459 : i32
        %get3A_462 = arith.index_cast %add3A_461 : i32 to index
        %get3A_463 = tpu.vector_load %arg8[%get3A_462] {strides = array<i32>} : memref<16384xi32, #tpu.memory_space<vmem>>, vector<16xi32>,
        %add3A_464 = arith.addi %add3A_457, %get3A_463 : vector<16xi32>
        %mul3A_465 = arith.constant 16 : i32
        %mul3A_466 = arith.muli %add3A_446, %mul3A_465 : i32
        %add3A_467 = arith.constant 12288 : i32
        %add3A_468 = arith.addi %add3A_467, %mul3A_466 : i32
        %get3A_469 = arith.index_cast %add3A_468 : i32 to index
        %get3A_470 = tpu.vector_load %arg8[%get3A_469] {strides = array<i32>} : memref<16384xi32, #tpu.memory_space<vmem>>, vector<16xi32>,
        %add3A_471 = arith.addi %add3A_464, %get3A_470 : vector<16xi32>
        %broadcast_in_dim3A_472 = arith.constant true
        %broadcast_in_dim3A_473 = vector.broadcast %broadcast_in_dim3A_472 : i1 to vector<16xi1>
        %masked_cumsum3A_474 = tpu.scan <sum>, %add3A_471 masked %broadcast_in_dim3A_473 : vector<16xi32>, vector<16xi1> -> vector<16xi32>
        %add3A_475 = vector.broadcast %add3A_442 : i32 to vector<16xi32>
        %add3A_476 = arith.addi %add3A_475, %masked_cumsum3A_474 : vector<16xi32>
        %sub3A_477 = arith.constant 32768 : i32
        %sub3A_478 = vector.broadcast %sub3A_477 : i32 to vector<16xi32>
        %sub3A_479 = arith.subi %sub3A_478, %add3A_476 : vector<16xi32>
        %add3A_480 = arith.addi %sub3A_479, %add3A_471 : vector<16xi32>
        %mul3A_481 = arith.constant 16 : i32
        %mul3A_482 = arith.muli %add3A_446, %mul3A_481 : i32
        %add3A_483 = vector.broadcast %mul3A_482 : i32 to vector<16xi32>
        %add3A_484 = arith.addi %add3A_483, %iota3A : vector<16xi32>
        %ge3A_485 = arith.constant 64 : i32
        %ge3A_486 = vector.broadcast %ge3A_485 : i32 to vector<16xi32>
        %ge3A_487 = arith.cmpi sge, %add3A_480, %ge3A_486 : vector<16xi32>
        %jit3A_488 = arith.constant -1 : i32
        %broadcast_in_dim3A_489 = vector.broadcast %jit3A_488 : i32 to vector<16xi32>
        %select_n3A_490 = arith.select %ge3A_487, %add3A_484, %broadcast_in_dim3A_489 : vector<16xi1>, vector<16xi32>
        %max3A_491 = arith.maxsi %max3A, %select_n3A_490 : vector<16xi32>
        %lt3A_492 = arith.constant 64 : i32
        %lt3A_493 = vector.broadcast %lt3A_492 : i32 to vector<16xi32>
        %lt3A_494 = arith.cmpi slt, %sub3A_479, %lt3A_493 : vector<16xi32>
        %jit3A_495 = arith.constant 0 : i32
        %broadcast_in_dim3A_496 = vector.broadcast %jit3A_495 : i32 to vector<16xi32>
        %select_n3A_497 = arith.select %lt3A_494, %sub3A_479, %broadcast_in_dim3A_496 : vector<16xi1>, vector<16xi32>
        %max3A_498 = arith.maxsi %max3A_424, %select_n3A_497 : vector<16xi32>
        %ge3A_499 = arith.constant 256 : i32
        %ge3A_500 = vector.broadcast %ge3A_499 : i32 to vector<16xi32>
        %ge3A_501 = arith.cmpi sge, %add3A_480, %ge3A_500 : vector<16xi32>
        %jit3A_502 = arith.constant -1 : i32
        %broadcast_in_dim3A_503 = vector.broadcast %jit3A_502 : i32 to vector<16xi32>
        %select_n3A_504 = arith.select %ge3A_501, %add3A_484, %broadcast_in_dim3A_503 : vector<16xi1>, vector<16xi32>
        %max3A_505 = arith.maxsi %max3A_431, %select_n3A_504 : vector<16xi32>
        %lt3A_506 = arith.constant 256 : i32
        %lt3A_507 = vector.broadcast %lt3A_506 : i32 to vector<16xi32>
        %lt3A_508 = arith.cmpi slt, %sub3A_479, %lt3A_507 : vector<16xi32>
        %jit3A_509 = arith.constant 0 : i32
        %broadcast_in_dim3A_510 = vector.broadcast %jit3A_509 : i32 to vector<16xi32>
        %select_n3A_511 = arith.select %lt3A_508, %sub3A_479, %broadcast_in_dim3A_510 : vector<16xi1>, vector<16xi32>
        %max3A_512 = arith.maxsi %max3A_438, %select_n3A_511 : vector<16xi32>
        %reduce_sum3A_513 = arith.constant true
        %reduce_sum3A_514 = vector.broadcast %reduce_sum3A_513 : i1 to vector<16xi1>
        %reduce_sum3A_515 = tpu.scan <sum>, %add3A_471 masked %reduce_sum3A_514 : vector<16xi32>, vector<16xi1> -> vector<16xi32>
        %reduce_sum3A_516 = vector.extract %reduce_sum3A_515[15] : i32 from vector<16xi32>
        %add3A_517 = arith.addi %add3A_442, %reduce_sum3A_516 : i32
        %mul3A_518 = arith.constant 4 : i32
        %mul3A_519 = arith.muli %scan3A_367, %mul3A_518 : i32
        %add3A_520 = arith.constant 2 : i32
        %add3A_521 = arith.addi %mul3A_519, %add3A_520 : i32
        %mul3A_522 = arith.constant 16 : i32
        %mul3A_523 = arith.muli %add3A_521, %mul3A_522 : i32
        %get3A_524 = arith.index_cast %mul3A_523 : i32 to index
        %get3A_525 = tpu.vector_load %arg8[%get3A_524] {strides = array<i32>} : memref<16384xi32, #tpu.memory_space<vmem>>, vector<16xi32>,
        %mul3A_526 = arith.constant 16 : i32
        %mul3A_527 = arith.muli %add3A_521, %mul3A_526 : i32
        %add3A_528 = arith.constant 4096 : i32
        %add3A_529 = arith.addi %add3A_528, %mul3A_527 : i32
        %get3A_530 = arith.index_cast %add3A_529 : i32 to index
        %get3A_531 = tpu.vector_load %arg8[%get3A_530] {strides = array<i32>} : memref<16384xi32, #tpu.memory_space<vmem>>, vector<16xi32>,
        %add3A_532 = arith.addi %get3A_525, %get3A_531 : vector<16xi32>
        %mul3A_533 = arith.constant 16 : i32
        %mul3A_534 = arith.muli %add3A_521, %mul3A_533 : i32
        %add3A_535 = arith.constant 8192 : i32
        %add3A_536 = arith.addi %add3A_535, %mul3A_534 : i32
        %get3A_537 = arith.index_cast %add3A_536 : i32 to index
        %get3A_538 = tpu.vector_load %arg8[%get3A_537] {strides = array<i32>} : memref<16384xi32, #tpu.memory_space<vmem>>, vector<16xi32>,
        %add3A_539 = arith.addi %add3A_532, %get3A_538 : vector<16xi32>
        %mul3A_540 = arith.constant 16 : i32
        %mul3A_541 = arith.muli %add3A_521, %mul3A_540 : i32
        %add3A_542 = arith.constant 12288 : i32
        %add3A_543 = arith.addi %add3A_542, %mul3A_541 : i32
        %get3A_544 = arith.index_cast %add3A_543 : i32 to index
        %get3A_545 = tpu.vector_load %arg8[%get3A_544] {strides = array<i32>} : memref<16384xi32, #tpu.memory_space<vmem>>, vector<16xi32>,
        %add3A_546 = arith.addi %add3A_539, %get3A_545 : vector<16xi32>
        %broadcast_in_dim3A_547 = arith.constant true
        %broadcast_in_dim3A_548 = vector.broadcast %broadcast_in_dim3A_547 : i1 to vector<16xi1>
        %masked_cumsum3A_549 = tpu.scan <sum>, %add3A_546 masked %broadcast_in_dim3A_548 : vector<16xi32>, vector<16xi1> -> vector<16xi32>
        %add3A_550 = vector.broadcast %add3A_517 : i32 to vector<16xi32>
        %add3A_551 = arith.addi %add3A_550, %masked_cumsum3A_549 : vector<16xi32>
        %sub3A_552 = arith.constant 32768 : i32
        %sub3A_553 = vector.broadcast %sub3A_552 : i32 to vector<16xi32>
        %sub3A_554 = arith.subi %sub3A_553, %add3A_551 : vector<16xi32>
        %add3A_555 = arith.addi %sub3A_554, %add3A_546 : vector<16xi32>
        %mul3A_556 = arith.constant 16 : i32
        %mul3A_557 = arith.muli %add3A_521, %mul3A_556 : i32
        %add3A_558 = vector.broadcast %mul3A_557 : i32 to vector<16xi32>
        %add3A_559 = arith.addi %add3A_558, %iota3A : vector<16xi32>
        %ge3A_560 = arith.constant 64 : i32
        %ge3A_561 = vector.broadcast %ge3A_560 : i32 to vector<16xi32>
        %ge3A_562 = arith.cmpi sge, %add3A_555, %ge3A_561 : vector<16xi32>
        %jit3A_563 = arith.constant -1 : i32
        %broadcast_in_dim3A_564 = vector.broadcast %jit3A_563 : i32 to vector<16xi32>
        %select_n3A_565 = arith.select %ge3A_562, %add3A_559, %broadcast_in_dim3A_564 : vector<16xi1>, vector<16xi32>
        %max3A_566 = arith.maxsi %max3A_491, %select_n3A_565 : vector<16xi32>
        %lt3A_567 = arith.constant 64 : i32
        %lt3A_568 = vector.broadcast %lt3A_567 : i32 to vector<16xi32>
        %lt3A_569 = arith.cmpi slt, %sub3A_554, %lt3A_568 : vector<16xi32>
        %jit3A_570 = arith.constant 0 : i32
        %broadcast_in_dim3A_571 = vector.broadcast %jit3A_570 : i32 to vector<16xi32>
        %select_n3A_572 = arith.select %lt3A_569, %sub3A_554, %broadcast_in_dim3A_571 : vector<16xi1>, vector<16xi32>
        %max3A_573 = arith.maxsi %max3A_498, %select_n3A_572 : vector<16xi32>
        %ge3A_574 = arith.constant 256 : i32
        %ge3A_575 = vector.broadcast %ge3A_574 : i32 to vector<16xi32>
        %ge3A_576 = arith.cmpi sge, %add3A_555, %ge3A_575 : vector<16xi32>
        %jit3A_577 = arith.constant -1 : i32
        %broadcast_in_dim3A_578 = vector.broadcast %jit3A_577 : i32 to vector<16xi32>
        %select_n3A_579 = arith.select %ge3A_576, %add3A_559, %broadcast_in_dim3A_578 : vector<16xi1>, vector<16xi32>
        %max3A_580 = arith.maxsi %max3A_505, %select_n3A_579 : vector<16xi32>
        %lt3A_581 = arith.constant 256 : i32
        %lt3A_582 = vector.broadcast %lt3A_581 : i32 to vector<16xi32>
        %lt3A_583 = arith.cmpi slt, %sub3A_554, %lt3A_582 : vector<16xi32>
        %jit3A_584 = arith.constant 0 : i32
        %broadcast_in_dim3A_585 = vector.broadcast %jit3A_584 : i32 to vector<16xi32>
        %select_n3A_586 = arith.select %lt3A_583, %sub3A_554, %broadcast_in_dim3A_585 : vector<16xi1>, vector<16xi32>
        %max3A_587 = arith.maxsi %max3A_512, %select_n3A_586 : vector<16xi32>
        %reduce_sum3A_588 = arith.constant true
        %reduce_sum3A_589 = vector.broadcast %reduce_sum3A_588 : i1 to vector<16xi1>
        %reduce_sum3A_590 = tpu.scan <sum>, %add3A_546 masked %reduce_sum3A_589 : vector<16xi32>, vector<16xi1> -> vector<16xi32>
        %reduce_sum3A_591 = vector.extract %reduce_sum3A_590[15] : i32 from vector<16xi32>
        %add3A_592 = arith.addi %add3A_517, %reduce_sum3A_591 : i32
        %mul3A_593 = arith.constant 4 : i32
        %mul3A_594 = arith.muli %scan3A_367, %mul3A_593 : i32
        %add3A_595 = arith.constant 3 : i32
        %add3A_596 = arith.addi %mul3A_594, %add3A_595 : i32
        %mul3A_597 = arith.constant 16 : i32
        %mul3A_598 = arith.muli %add3A_596, %mul3A_597 : i32
        %get3A_599 = arith.index_cast %mul3A_598 : i32 to index
        %get3A_600 = tpu.vector_load %arg8[%get3A_599] {strides = array<i32>} : memref<16384xi32, #tpu.memory_space<vmem>>, vector<16xi32>,
        %mul3A_601 = arith.constant 16 : i32
        %mul3A_602 = arith.muli %add3A_596, %mul3A_601 : i32
        %add3A_603 = arith.constant 4096 : i32
        %add3A_604 = arith.addi %add3A_603, %mul3A_602 : i32
        %get3A_605 = arith.index_cast %add3A_604 : i32 to index
        %get3A_606 = tpu.vector_load %arg8[%get3A_605] {strides = array<i32>} : memref<16384xi32, #tpu.memory_space<vmem>>, vector<16xi32>,
        %add3A_607 = arith.addi %get3A_600, %get3A_606 : vector<16xi32>
        %mul3A_608 = arith.constant 16 : i32
        %mul3A_609 = arith.muli %add3A_596, %mul3A_608 : i32
        %add3A_610 = arith.constant 8192 : i32
        %add3A_611 = arith.addi %add3A_610, %mul3A_609 : i32
        %get3A_612 = arith.index_cast %add3A_611 : i32 to index
        %get3A_613 = tpu.vector_load %arg8[%get3A_612] {strides = array<i32>} : memref<16384xi32, #tpu.memory_space<vmem>>, vector<16xi32>,
        %add3A_614 = arith.addi %add3A_607, %get3A_613 : vector<16xi32>
        %mul3A_615 = arith.constant 16 : i32
        %mul3A_616 = arith.muli %add3A_596, %mul3A_615 : i32
        %add3A_617 = arith.constant 12288 : i32
        %add3A_618 = arith.addi %add3A_617, %mul3A_616 : i32
        %get3A_619 = arith.index_cast %add3A_618 : i32 to index
        %get3A_620 = tpu.vector_load %arg8[%get3A_619] {strides = array<i32>} : memref<16384xi32, #tpu.memory_space<vmem>>, vector<16xi32>,
        %add3A_621 = arith.addi %add3A_614, %get3A_620 : vector<16xi32>
        %broadcast_in_dim3A_622 = arith.constant true
        %broadcast_in_dim3A_623 = vector.broadcast %broadcast_in_dim3A_622 : i1 to vector<16xi1>
        %masked_cumsum3A_624 = tpu.scan <sum>, %add3A_621 masked %broadcast_in_dim3A_623 : vector<16xi32>, vector<16xi1> -> vector<16xi32>
        %add3A_625 = vector.broadcast %add3A_592 : i32 to vector<16xi32>
        %add3A_626 = arith.addi %add3A_625, %masked_cumsum3A_624 : vector<16xi32>
        %sub3A_627 = arith.constant 32768 : i32
        %sub3A_628 = vector.broadcast %sub3A_627 : i32 to vector<16xi32>
        %sub3A_629 = arith.subi %sub3A_628, %add3A_626 : vector<16xi32>
        %add3A_630 = arith.addi %sub3A_629, %add3A_621 : vector<16xi32>
        %mul3A_631 = arith.constant 16 : i32
        %mul3A_632 = arith.muli %add3A_596, %mul3A_631 : i32
        %add3A_633 = vector.broadcast %mul3A_632 : i32 to vector<16xi32>
        %add3A_634 = arith.addi %add3A_633, %iota3A : vector<16xi32>
        %ge3A_635 = arith.constant 64 : i32
        %ge3A_636 = vector.broadcast %ge3A_635 : i32 to vector<16xi32>
        %ge3A_637 = arith.cmpi sge, %add3A_630, %ge3A_636 : vector<16xi32>
        %jit3A_638 = arith.constant -1 : i32
        %broadcast_in_dim3A_639 = vector.broadcast %jit3A_638 : i32 to vector<16xi32>
        %select_n3A_640 = arith.select %ge3A_637, %add3A_634, %broadcast_in_dim3A_639 : vector<16xi1>, vector<16xi32>
        %max3A_641 = arith.maxsi %max3A_566, %select_n3A_640 : vector<16xi32>
        %lt3A_642 = arith.constant 64 : i32
        %lt3A_643 = vector.broadcast %lt3A_642 : i32 to vector<16xi32>
        %lt3A_644 = arith.cmpi slt, %sub3A_629, %lt3A_643 : vector<16xi32>
        %jit3A_645 = arith.constant 0 : i32
        %broadcast_in_dim3A_646 = vector.broadcast %jit3A_645 : i32 to vector<16xi32>
        %select_n3A_647 = arith.select %lt3A_644, %sub3A_629, %broadcast_in_dim3A_646 : vector<16xi1>, vector<16xi32>
        %max3A_648 = arith.maxsi %max3A_573, %select_n3A_647 : vector<16xi32>
        %ge3A_649 = arith.constant 256 : i32
        %ge3A_650 = vector.broadcast %ge3A_649 : i32 to vector<16xi32>
        %ge3A_651 = arith.cmpi sge, %add3A_630, %ge3A_650 : vector<16xi32>
        %jit3A_652 = arith.constant -1 : i32
        %broadcast_in_dim3A_653 = vector.broadcast %jit3A_652 : i32 to vector<16xi32>
        %select_n3A_654 = arith.select %ge3A_651, %add3A_634, %broadcast_in_dim3A_653 : vector<16xi1>, vector<16xi32>
        %max3A_655 = arith.maxsi %max3A_580, %select_n3A_654 : vector<16xi32>
        %lt3A_656 = arith.constant 256 : i32
        %lt3A_657 = vector.broadcast %lt3A_656 : i32 to vector<16xi32>
        %lt3A_658 = arith.cmpi slt, %sub3A_629, %lt3A_657 : vector<16xi32>
        %jit3A_659 = arith.constant 0 : i32
        %broadcast_in_dim3A_660 = vector.broadcast %jit3A_659 : i32 to vector<16xi32>
        %select_n3A_661 = arith.select %lt3A_658, %sub3A_629, %broadcast_in_dim3A_660 : vector<16xi1>, vector<16xi32>
        %max3A_662 = arith.maxsi %max3A_587, %select_n3A_661 : vector<16xi32>
        %reduce_sum3A_663 = arith.constant true
        %reduce_sum3A_664 = vector.broadcast %reduce_sum3A_663 : i1 to vector<16xi1>
        %reduce_sum3A_665 = tpu.scan <sum>, %add3A_621 masked %reduce_sum3A_664 : vector<16xi32>, vector<16xi1> -> vector<16xi32>
        %reduce_sum3A_666 = vector.extract %reduce_sum3A_665[15] : i32 from vector<16xi32>
        %add3A_667 = arith.addi %add3A_592, %reduce_sum3A_666 : i32
        scf.yield %add3A_667, %max3A_641, %max3A_648, %max3A_655, %max3A_662 : i32, vector<16xi32>, vector<16xi32>, vector<16xi32>, vector<16xi32>
      }
      %scan3A_73 = arith.constant 64 : i32
      %reduce_max3A = arith.constant true
      %reduce_max3A_74 = vector.broadcast %reduce_max3A : i1 to vector<16xi1>
      %reduce_max3A_75 = arith.constant -2147483648 : i32
      %reduce_max3A_76 = vector.broadcast %reduce_max3A_75 : i32 to vector<16xi32>
      %reduce_max3A_77 = arith.xori %scan3A_72#1, %reduce_max3A_76 : vector<16xi32>
      %reduce_max3A_78 = tpu.scan <max>, %reduce_max3A_77 masked %reduce_max3A_74 : vector<16xi32>, vector<16xi1> -> vector<16xi32>
      %reduce_max3A_79 = arith.xori %reduce_max3A_78, %reduce_max3A_76 : vector<16xi32>
      %reduce_max3A_80 = vector.extract %reduce_max3A_79[15] : i32 from vector<16xi32>
      %reduce_max3A_81 = arith.constant true
      %reduce_max3A_82 = vector.broadcast %reduce_max3A_81 : i1 to vector<16xi1>
      %reduce_max3A_83 = arith.constant -2147483648 : i32
      %reduce_max3A_84 = vector.broadcast %reduce_max3A_83 : i32 to vector<16xi32>
      %reduce_max3A_85 = arith.xori %scan3A_72#2, %reduce_max3A_84 : vector<16xi32>
      %reduce_max3A_86 = tpu.scan <max>, %reduce_max3A_85 masked %reduce_max3A_82 : vector<16xi32>, vector<16xi1> -> vector<16xi32>
      %reduce_max3A_87 = arith.xori %reduce_max3A_86, %reduce_max3A_84 : vector<16xi32>
      %reduce_max3A_88 = vector.extract %reduce_max3A_87[15] : i32 from vector<16xi32>
      %reduce_max3A_89 = arith.constant true
      %reduce_max3A_90 = vector.broadcast %reduce_max3A_89 : i1 to vector<16xi1>
      %reduce_max3A_91 = arith.constant -2147483648 : i32
      %reduce_max3A_92 = vector.broadcast %reduce_max3A_91 : i32 to vector<16xi32>
      %reduce_max3A_93 = arith.xori %scan3A_72#3, %reduce_max3A_92 : vector<16xi32>
      %reduce_max3A_94 = tpu.scan <max>, %reduce_max3A_93 masked %reduce_max3A_90 : vector<16xi32>, vector<16xi1> -> vector<16xi32>
      %reduce_max3A_95 = arith.xori %reduce_max3A_94, %reduce_max3A_92 : vector<16xi32>
      %reduce_max3A_96 = vector.extract %reduce_max3A_95[15] : i32 from vector<16xi32>
      %reduce_max3A_97 = arith.constant true
      %reduce_max3A_98 = vector.broadcast %reduce_max3A_97 : i1 to vector<16xi1>
      %reduce_max3A_99 = arith.constant -2147483648 : i32
      %reduce_max3A_100 = vector.broadcast %reduce_max3A_99 : i32 to vector<16xi32>
      %reduce_max3A_101 = arith.xori %scan3A_72#4, %reduce_max3A_100 : vector<16xi32>
      %reduce_max3A_102 = tpu.scan <max>, %reduce_max3A_101 masked %reduce_max3A_98 : vector<16xi32>, vector<16xi1> -> vector<16xi32>
      %reduce_max3A_103 = arith.xori %reduce_max3A_102, %reduce_max3A_100 : vector<16xi32>
      %reduce_max3A_104 = vector.extract %reduce_max3A_103[15] : i32 from vector<16xi32>
      %broadcast_in_dim3A_105 = arith.constant 0 : i32
      %broadcast_in_dim3A_106 = vector.broadcast %broadcast_in_dim3A_105 : i32 to vector<16xi32>
      %parallel_loop3A_107 = arith.constant 0 : i32
      %parallel_loop3A_108 = arith.constant 2048 : i32
      %parallel_loop3A_109 = arith.constant 1 : i32
      %parallel_loop3A_110 = scf.for %parallel_loop3A_367 = %parallel_loop3A_107 to %parallel_loop3A_108 step %parallel_loop3A_109 iter_args(%parallel_loop3A_368 = %broadcast_in_dim3A_106) -> (vector<16xi32>)  : i32 {
        %parallel_loop3A_369 = arith.constant 16 : i32
        %parallel_loop3A_370 = arith.muli %parallel_loop3A_367, %parallel_loop3A_369 : i32
        %parallel_loop3A_371 = arith.index_cast %parallel_loop3A_370 : i32 to index
        %parallel_loop3A_372 = tpu.vector_load %arg5[%parallel_loop3A_371] {strides = array<i32>} : memref<32768xf32, #tpu.memory_space<vmem>>, vector<16xf32>,
        %parallel_loop3A_373 = vector.bitcast %parallel_loop3A_372 : vector<16xf32> to vector<16xi32>
        %parallel_loop3A_374 = arith.constant 31 : i32
        %parallel_loop3A_375 = vector.broadcast %parallel_loop3A_374 : i32 to vector<16xi32>
        %parallel_loop3A_376 = arith.shrsi %parallel_loop3A_373, %parallel_loop3A_375 : vector<16xi32>
        %parallel_loop3A_377 = arith.constant -2147483648 : i32
        %parallel_loop3A_378 = vector.broadcast %parallel_loop3A_377 : i32 to vector<16xi32>
        %parallel_loop3A_379 = arith.ori %parallel_loop3A_376, %parallel_loop3A_378 : vector<16xi32>
        %parallel_loop3A_380 = arith.xori %parallel_loop3A_373, %parallel_loop3A_379 : vector<16xi32>
        %parallel_loop3A_381 = arith.constant 20 : i32
        %parallel_loop3A_382 = vector.broadcast %parallel_loop3A_381 : i32 to vector<16xi32>
        %parallel_loop3A_383 = arith.shrui %parallel_loop3A_380, %parallel_loop3A_382 : vector<16xi32>
        %parallel_loop3A_384 = vector.broadcast %reduce_max3A_80 : i32 to vector<16xi32>
        %parallel_loop3A_385 = arith.cmpi eq, %parallel_loop3A_383, %parallel_loop3A_384 : vector<16xi32>
        %parallel_loop3A_386 = vector.broadcast %reduce_max3A_96 : i32 to vector<16xi32>
        %parallel_loop3A_387 = arith.cmpi eq, %parallel_loop3A_383, %parallel_loop3A_386 : vector<16xi32>
        %parallel_loop3A_388 = arith.ori %parallel_loop3A_385, %parallel_loop3A_387 : vector<16xi1>
        %parallel_loop3A_389 = arith.constant 2047 : i32
        %parallel_loop3A_390 = vector.broadcast %parallel_loop3A_389 : i32 to vector<16xi32>
        %parallel_loop3A_391 = arith.minsi %parallel_loop3A_368, %parallel_loop3A_390 : vector<16xi32>
        %parallel_loop3A_392 = arith.addi %mul3A_8, %parallel_loop3A_391 : vector<16xi32>
        tpu.vector_store_idx %arg7[%parallel_loop3A_392], %parallel_loop3A_380 masked %parallel_loop3A_388 : memref<32768xi32, #tpu.memory_space<vmem>>[vector<16xi32>], vector<16xi32>, vector<16xi1>
        %parallel_loop3A_393 = arith.extui %parallel_loop3A_388 : vector<16xi1> to vector<16xi32>
        %parallel_loop3A_394 = arith.addi %parallel_loop3A_368, %parallel_loop3A_393 : vector<16xi32>
        scf.yield %parallel_loop3A_394 : vector<16xi32>
      } {sc.loop_unroll_factor = 8 : i64, sc.parallel_access}
      %sub3A = arith.constant 64 : i32
      %sub3A_111 = arith.subi %sub3A, %reduce_max3A_88 : i32
      %min3A_112 = arith.constant 2048 : i32
      %min3A_113 = vector.broadcast %min3A_112 : i32 to vector<16xi32>
      %min3A_114 = arith.minsi %parallel_loop3A_110, %min3A_113 : vector<16xi32>
      %reduce_max3A_115 = arith.constant true
      %reduce_max3A_116 = vector.broadcast %reduce_max3A_115 : i1 to vector<16xi1>
      %reduce_max3A_117 = arith.constant -2147483648 : i32
      %reduce_max3A_118 = vector.broadcast %reduce_max3A_117 : i32 to vector<16xi32>
      %reduce_max3A_119 = arith.xori %min3A_114, %reduce_max3A_118 : vector<16xi32>
      %reduce_max3A_120 = tpu.scan <max>, %reduce_max3A_119 masked %reduce_max3A_116 : vector<16xi32>, vector<16xi1> -> vector<16xi32>
      %reduce_max3A_121 = arith.xori %reduce_max3A_120, %reduce_max3A_118 : vector<16xi32>
      %reduce_max3A_122 = vector.extract %reduce_max3A_121[15] : i32 from vector<16xi32>
      %broadcast_in_dim3A_123 = vector.broadcast %sub3A_111 : i32 to vector<16xi32>
      %shift_left3A_124 = arith.constant 20 : i32
      %shift_left3A_125 = arith.shli %reduce_max3A_80, %shift_left3A_124 : i32
      %broadcast_in_dim3A_126 = vector.broadcast %shift_left3A_125 : i32 to vector<16xi32>
      %scan3A_127 = arith.constant 0 : i32
      %scan3A_128 = arith.constant 20 : i32
      %scan3A_129 = arith.addi %scan3A_127, %scan3A_128 : i32
      %scan3A_130 = arith.constant 1 : i32
      %scan3A_131:2 = scf.for %scan3A_367 = %scan3A_127 to %scan3A_129 step %scan3A_130 iter_args(%scan3A_368 = %broadcast_in_dim3A_126, %scan3A_369 = %broadcast_in_dim3A_123) -> (vector<16xi32>, vector<16xi32>)  : i32 {
        %sub3A_370 = arith.constant 19 : i32
        %sub3A_371 = arith.subi %sub3A_370, %scan3A_367 : i32
        %shift_right_logical3A_372 = vector.broadcast %sub3A_371 : i32 to vector<16xi32>
        %shift_right_logical3A_373 = arith.shrui %scan3A_368, %shift_right_logical3A_372 : vector<16xi32>
        %or3A = arith.constant 1 : i32
        %or3A_374 = vector.broadcast %or3A : i32 to vector<16xi32>
        %or3A_375 = arith.ori %shift_right_logical3A_373, %or3A_374 : vector<16xi32>
        %broadcast_in_dim3A_376 = arith.constant 0 : i32
        %broadcast_in_dim3A_377 = vector.broadcast %broadcast_in_dim3A_376 : i32 to vector<16xi32>
        %while3A = arith.constant 0 : i32
        %while3A_378 = arith.subi %reduce_max3A_122, %while3A : i32
        %while3A_379 = arith.addi %while3A, %while3A_378 : i32
        %while3A_380 = arith.constant 1 : i32
        %while3A_381 = arith.divsi %while3A_378, %while3A_380 : i32
        %while3A_382 = arith.muli %while3A_381, %while3A_380 : i32
        %while3A_383 = arith.addi %while3A, %while3A_382 : i32
        %while3A_384 = arith.constant 1 : i32
        %while3A_385 = scf.for %while3A_395 = %while3A to %while3A_383 step %while3A_384 iter_args(%while3A_396 = %broadcast_in_dim3A_377) -> (vector<16xi32>)  : i32 {
          %add3A_397 = vector.broadcast %while3A_395 : i32 to vector<16xi32>
          %add3A_398 = arith.addi %mul3A_8, %add3A_397 : vector<16xi32>
          %gather3A = tpu.vector_load_idx %arg7[%add3A_398] : memref<32768xi32, #tpu.memory_space<vmem>>[vector<16xi32>], vector<16xi32>,
          %lt3A_399 = vector.broadcast %while3A_395 : i32 to vector<16xi32>
          %lt3A_400 = arith.cmpi slt, %lt3A_399, %min3A_114 : vector<16xi32>
          %shift_right_logical3A_401 = vector.broadcast %sub3A_371 : i32 to vector<16xi32>
          %shift_right_logical3A_402 = arith.shrui %gather3A, %shift_right_logical3A_401 : vector<16xi32>
          %eq3A_403 = arith.cmpi eq, %shift_right_logical3A_402, %or3A_375 : vector<16xi32>
          %and3A_404 = arith.andi %eq3A_403, %lt3A_400 : vector<16xi1>
          %all_reduce_population_count3A = tpu.all_reduce %and3A_404 {dim = 0 : i64, kind = #tpu.reduction_kind<sum>} : vector<16xi1> -> vector<16xi32>
          %add3A_405 = arith.addi %while3A_396, %all_reduce_population_count3A : vector<16xi32>
          scf.yield %add3A_405 : vector<16xi32>
        }
        %while3A_386 = arith.constant 1 : i32
        %while3A_387 = scf.for %while3A_395 = %while3A_383 to %while3A_379 step %while3A_386 iter_args(%while3A_396 = %while3A_385) -> (vector<16xi32>)  : i32 {
          %add3A_397 = vector.broadcast %while3A_395 : i32 to vector<16xi32>
          %add3A_398 = arith.addi %mul3A_8, %add3A_397 : vector<16xi32>
          %gather3A = tpu.vector_load_idx %arg7[%add3A_398] : memref<32768xi32, #tpu.memory_space<vmem>>[vector<16xi32>], vector<16xi32>,
          %lt3A_399 = vector.broadcast %while3A_395 : i32 to vector<16xi32>
          %lt3A_400 = arith.cmpi slt, %lt3A_399, %min3A_114 : vector<16xi32>
          %shift_right_logical3A_401 = vector.broadcast %sub3A_371 : i32 to vector<16xi32>
          %shift_right_logical3A_402 = arith.shrui %gather3A, %shift_right_logical3A_401 : vector<16xi32>
          %eq3A_403 = arith.cmpi eq, %shift_right_logical3A_402, %or3A_375 : vector<16xi32>
          %and3A_404 = arith.andi %eq3A_403, %lt3A_400 : vector<16xi1>
          %all_reduce_population_count3A = tpu.all_reduce %and3A_404 {dim = 0 : i64, kind = #tpu.reduction_kind<sum>} : vector<16xi1> -> vector<16xi32>
          %add3A_405 = arith.addi %while3A_396, %all_reduce_population_count3A : vector<16xi32>
          scf.yield %add3A_405 : vector<16xi32>
        }
        %le3A = arith.cmpi sle, %scan3A_369, %while3A_387 : vector<16xi32>
        %shift_left3A_388 = arith.constant 1 : i32
        %shift_left3A_389 = arith.shli %shift_left3A_388, %sub3A_371 : i32
        %or3A_390 = vector.broadcast %shift_left3A_389 : i32 to vector<16xi32>
        %or3A_391 = arith.ori %scan3A_368, %or3A_390 : vector<16xi32>
        %select_n3A_392 = arith.select %le3A, %or3A_391, %scan3A_368 : vector<16xi1>, vector<16xi32>
        %sub3A_393 = arith.subi %scan3A_369, %while3A_387 : vector<16xi32>
        %select_n3A_394 = arith.select %le3A, %scan3A_369, %sub3A_393 : vector<16xi1>, vector<16xi32>
        scf.yield %select_n3A_392, %select_n3A_394 : vector<16xi32>, vector<16xi32>
      }
      %scan3A_132 = arith.constant 20 : i32
      %sub3A_133 = arith.constant 256 : i32
      %sub3A_134 = arith.subi %sub3A_133, %reduce_max3A_104 : i32
      %min3A_135 = arith.constant 2048 : i32
      %min3A_136 = vector.broadcast %min3A_135 : i32 to vector<16xi32>
      %min3A_137 = arith.minsi %parallel_loop3A_110, %min3A_136 : vector<16xi32>
      %reduce_max3A_138 = arith.constant true
      %reduce_max3A_139 = vector.broadcast %reduce_max3A_138 : i1 to vector<16xi1>
      %reduce_max3A_140 = arith.constant -2147483648 : i32
      %reduce_max3A_141 = vector.broadcast %reduce_max3A_140 : i32 to vector<16xi32>
      %reduce_max3A_142 = arith.xori %min3A_137, %reduce_max3A_141 : vector<16xi32>
      %reduce_max3A_143 = tpu.scan <max>, %reduce_max3A_142 masked %reduce_max3A_139 : vector<16xi32>, vector<16xi1> -> vector<16xi32>
      %reduce_max3A_144 = arith.xori %reduce_max3A_143, %reduce_max3A_141 : vector<16xi32>
      %reduce_max3A_145 = vector.extract %reduce_max3A_144[15] : i32 from vector<16xi32>
      %broadcast_in_dim3A_146 = vector.broadcast %sub3A_134 : i32 to vector<16xi32>
      %shift_left3A_147 = arith.constant 20 : i32
      %shift_left3A_148 = arith.shli %reduce_max3A_96, %shift_left3A_147 : i32
      %broadcast_in_dim3A_149 = vector.broadcast %shift_left3A_148 : i32 to vector<16xi32>
      %scan3A_150 = arith.constant 0 : i32
      %scan3A_151 = arith.constant 20 : i32
      %scan3A_152 = arith.addi %scan3A_150, %scan3A_151 : i32
      %scan3A_153 = arith.constant 1 : i32
      %scan3A_154:2 = scf.for %scan3A_367 = %scan3A_150 to %scan3A_152 step %scan3A_153 iter_args(%scan3A_368 = %broadcast_in_dim3A_149, %scan3A_369 = %broadcast_in_dim3A_146) -> (vector<16xi32>, vector<16xi32>)  : i32 {
        %sub3A_370 = arith.constant 19 : i32
        %sub3A_371 = arith.subi %sub3A_370, %scan3A_367 : i32
        %shift_right_logical3A_372 = vector.broadcast %sub3A_371 : i32 to vector<16xi32>
        %shift_right_logical3A_373 = arith.shrui %scan3A_368, %shift_right_logical3A_372 : vector<16xi32>
        %or3A = arith.constant 1 : i32
        %or3A_374 = vector.broadcast %or3A : i32 to vector<16xi32>
        %or3A_375 = arith.ori %shift_right_logical3A_373, %or3A_374 : vector<16xi32>
        %broadcast_in_dim3A_376 = arith.constant 0 : i32
        %broadcast_in_dim3A_377 = vector.broadcast %broadcast_in_dim3A_376 : i32 to vector<16xi32>
        %while3A = arith.constant 0 : i32
        %while3A_378 = arith.subi %reduce_max3A_145, %while3A : i32
        %while3A_379 = arith.addi %while3A, %while3A_378 : i32
        %while3A_380 = arith.constant 1 : i32
        %while3A_381 = arith.divsi %while3A_378, %while3A_380 : i32
        %while3A_382 = arith.muli %while3A_381, %while3A_380 : i32
        %while3A_383 = arith.addi %while3A, %while3A_382 : i32
        %while3A_384 = arith.constant 1 : i32
        %while3A_385 = scf.for %while3A_395 = %while3A to %while3A_383 step %while3A_384 iter_args(%while3A_396 = %broadcast_in_dim3A_377) -> (vector<16xi32>)  : i32 {
          %add3A_397 = vector.broadcast %while3A_395 : i32 to vector<16xi32>
          %add3A_398 = arith.addi %mul3A_8, %add3A_397 : vector<16xi32>
          %gather3A = tpu.vector_load_idx %arg7[%add3A_398] : memref<32768xi32, #tpu.memory_space<vmem>>[vector<16xi32>], vector<16xi32>,
          %lt3A_399 = vector.broadcast %while3A_395 : i32 to vector<16xi32>
          %lt3A_400 = arith.cmpi slt, %lt3A_399, %min3A_137 : vector<16xi32>
          %shift_right_logical3A_401 = vector.broadcast %sub3A_371 : i32 to vector<16xi32>
          %shift_right_logical3A_402 = arith.shrui %gather3A, %shift_right_logical3A_401 : vector<16xi32>
          %eq3A_403 = arith.cmpi eq, %shift_right_logical3A_402, %or3A_375 : vector<16xi32>
          %and3A_404 = arith.andi %eq3A_403, %lt3A_400 : vector<16xi1>
          %all_reduce_population_count3A = tpu.all_reduce %and3A_404 {dim = 0 : i64, kind = #tpu.reduction_kind<sum>} : vector<16xi1> -> vector<16xi32>
          %add3A_405 = arith.addi %while3A_396, %all_reduce_population_count3A : vector<16xi32>
          scf.yield %add3A_405 : vector<16xi32>
        }
        %while3A_386 = arith.constant 1 : i32
        %while3A_387 = scf.for %while3A_395 = %while3A_383 to %while3A_379 step %while3A_386 iter_args(%while3A_396 = %while3A_385) -> (vector<16xi32>)  : i32 {
          %add3A_397 = vector.broadcast %while3A_395 : i32 to vector<16xi32>
          %add3A_398 = arith.addi %mul3A_8, %add3A_397 : vector<16xi32>
          %gather3A = tpu.vector_load_idx %arg7[%add3A_398] : memref<32768xi32, #tpu.memory_space<vmem>>[vector<16xi32>], vector<16xi32>,
          %lt3A_399 = vector.broadcast %while3A_395 : i32 to vector<16xi32>
          %lt3A_400 = arith.cmpi slt, %lt3A_399, %min3A_137 : vector<16xi32>
          %shift_right_logical3A_401 = vector.broadcast %sub3A_371 : i32 to vector<16xi32>
          %shift_right_logical3A_402 = arith.shrui %gather3A, %shift_right_logical3A_401 : vector<16xi32>
          %eq3A_403 = arith.cmpi eq, %shift_right_logical3A_402, %or3A_375 : vector<16xi32>
          %and3A_404 = arith.andi %eq3A_403, %lt3A_400 : vector<16xi1>
          %all_reduce_population_count3A = tpu.all_reduce %and3A_404 {dim = 0 : i64, kind = #tpu.reduction_kind<sum>} : vector<16xi1> -> vector<16xi32>
          %add3A_405 = arith.addi %while3A_396, %all_reduce_population_count3A : vector<16xi32>
          scf.yield %add3A_405 : vector<16xi32>
        }
        %le3A = arith.cmpi sle, %scan3A_369, %while3A_387 : vector<16xi32>
        %shift_left3A_388 = arith.constant 1 : i32
        %shift_left3A_389 = arith.shli %shift_left3A_388, %sub3A_371 : i32
        %or3A_390 = vector.broadcast %shift_left3A_389 : i32 to vector<16xi32>
        %or3A_391 = arith.ori %scan3A_368, %or3A_390 : vector<16xi32>
        %select_n3A_392 = arith.select %le3A, %or3A_391, %scan3A_368 : vector<16xi1>, vector<16xi32>
        %sub3A_393 = arith.subi %scan3A_369, %while3A_387 : vector<16xi32>
        %select_n3A_394 = arith.select %le3A, %scan3A_369, %sub3A_393 : vector<16xi1>, vector<16xi32>
        scf.yield %select_n3A_392, %select_n3A_394 : vector<16xi32>, vector<16xi32>
      }
      %scan3A_155 = arith.constant 20 : i32
      %shift_right_logical3A = arith.constant 4 : i32
      %shift_right_logical3A_156 = arith.shrui %mul3A_36, %shift_right_logical3A : i32
      %and3A_157 = arith.constant 15 : i32
      %and3A_158 = arith.andi %mul3A_36, %and3A_157 : i32
      %lt3A = arith.constant 0 : i32
      %lt3A_159 = vector.broadcast %lt3A : i32 to vector<16xi32>
      %lt3A_160 = arith.cmpi slt, %scan3A_131#0, %lt3A_159 : vector<16xi32>
      %xor3A = arith.constant -2147483648 : i32
      %xor3A_161 = vector.broadcast %xor3A : i32 to vector<16xi32>
      %xor3A_162 = arith.xori %scan3A_131#0, %xor3A_161 : vector<16xi32>
      %not3A = arith.constant dense<-1> : vector<16xi32>
      %not3A_163 = arith.xori %scan3A_131#0, %not3A : vector<16xi32>
      %select_n3A = arith.select %lt3A_160, %xor3A_162, %not3A_163 : vector<16xi1>, vector<16xi32>
      %bitcast3A = vector.bitcast %select_n3A : vector<16xi32> to vector<16xf32>
      %mul3A_164 = arith.constant 16 : i32
      %mul3A_165 = arith.muli %shift_right_logical3A_156, %mul3A_164 : i32
      %get3A = arith.index_cast %mul3A_165 : i32 to index
      %get3A_166 = tpu.vector_load %arg9[%get3A] {strides = array<i32>} : memref<128xf32, #tpu.memory_space<vmem>>, vector<16xf32>,
      %eq3A = vector.broadcast %and3A_158 : i32 to vector<16xi32>
      %eq3A_167 = arith.cmpi eq, %iota3A, %eq3A : vector<16xi32>
      %select_n3A_168 = arith.select %eq3A_167, %bitcast3A, %get3A_166 : vector<16xi1>, vector<16xf32>
      %mul3A_169 = arith.constant 16 : i32
      %mul3A_170 = arith.muli %shift_right_logical3A_156, %mul3A_169 : i32
      %swap3A = arith.index_cast %mul3A_170 : i32 to index
      %swap3A_171 = tpu.vector_load %arg9[%swap3A] {strides = array<i32>} : memref<128xf32, #tpu.memory_space<vmem>>, vector<16xf32>,
      tpu.vector_store %arg9[%swap3A], %select_n3A_168 {strides = array<i32>} : memref<128xf32, #tpu.memory_space<vmem>>, vector<16xf32>,
      %lt3A_172 = arith.constant 0 : i32
      %lt3A_173 = vector.broadcast %lt3A_172 : i32 to vector<16xi32>
      %lt3A_174 = arith.cmpi slt, %scan3A_154#0, %lt3A_173 : vector<16xi32>
      %xor3A_175 = arith.constant -2147483648 : i32
      %xor3A_176 = vector.broadcast %xor3A_175 : i32 to vector<16xi32>
      %xor3A_177 = arith.xori %scan3A_154#0, %xor3A_176 : vector<16xi32>
      %not3A_178 = arith.constant dense<-1> : vector<16xi32>
      %not3A_179 = arith.xori %scan3A_154#0, %not3A_178 : vector<16xi32>
      %select_n3A_180 = arith.select %lt3A_174, %xor3A_177, %not3A_179 : vector<16xi1>, vector<16xi32>
      %bitcast3A_181 = vector.bitcast %select_n3A_180 : vector<16xi32> to vector<16xf32>
      %mul3A_182 = arith.constant 16 : i32
      %mul3A_183 = arith.muli %shift_right_logical3A_156, %mul3A_182 : i32
      %get3A_184 = arith.index_cast %mul3A_183 : i32 to index
      %get3A_185 = tpu.vector_load %arg10[%get3A_184] {strides = array<i32>} : memref<128xf32, #tpu.memory_space<vmem>>, vector<16xf32>,
      %eq3A_186 = vector.broadcast %and3A_158 : i32 to vector<16xi32>
      %eq3A_187 = arith.cmpi eq, %iota3A, %eq3A_186 : vector<16xi32>
      %select_n3A_188 = arith.select %eq3A_187, %bitcast3A_181, %get3A_185 : vector<16xi1>, vector<16xf32>
      %mul3A_189 = arith.constant 16 : i32
      %mul3A_190 = arith.muli %shift_right_logical3A_156, %mul3A_189 : i32
      %swap3A_191 = arith.index_cast %mul3A_190 : i32 to index
      %swap3A_192 = tpu.vector_load %arg10[%swap3A_191] {strides = array<i32>} : memref<128xf32, #tpu.memory_space<vmem>>, vector<16xf32>,
      tpu.vector_store %arg10[%swap3A_191], %select_n3A_188 {strides = array<i32>} : memref<128xf32, #tpu.memory_space<vmem>>, vector<16xf32>,
      %add3A_193 = arith.constant 1 : i32
      %add3A_194 = arith.addi %mul3A_36, %add3A_193 : i32
      %add3A_195 = arith.addi %mul3A_2, %add3A_194 : i32
      %dma_wait3A_196 = arith.constant 0 : i32
      %dma_wait3A_197 = tpu.memref_slice %arg2[%add3A_195, %dma_wait3A_196] : memref<4096x32768xf32, #tpu.memory_space<hbm>> -> memref<1x32768xf32, #tpu.memory_space<hbm>>
      %dma_wait3A_198 = tpu.memref_squeeze %dma_wait3A_197 : memref<1x32768xf32, #tpu.memory_space<hbm>> -> memref<32768xf32, #tpu.memory_space<hbm>>
      %dma_wait3A_199 = arith.constant 0 : i32
      %dma_wait3A_200 = tpu.memref_slice %arg2[%add3A_195, %dma_wait3A_199] : memref<4096x32768xf32, #tpu.memory_space<hbm>> -> memref<1x32768xf32, #tpu.memory_space<hbm>>
      %dma_wait3A_201 = tpu.memref_squeeze %dma_wait3A_200 : memref<1x32768xf32, #tpu.memory_space<hbm>> -> memref<32768xf32, #tpu.memory_space<hbm>>
      tpu.wait_dma2 semaphore(%arg12 : memref<!tpu.dma_semaphore, #tpu.memory_space<semaphore_mem>>) src(%dma_wait3A_201 : memref<32768xf32, #tpu.memory_space<hbm>>) dst(%arg6 : memref<32768xf32, #tpu.memory_space<vmem>>)
      %add3A_202 = arith.constant 2 : i32
      %add3A_203 = arith.addi %mul3A_36, %add3A_202 : i32
      %min3A_204 = arith.constant 127 : i32
      %min3A_205 = arith.minsi %add3A_203, %min3A_204 : i32
      %add3A_206 = arith.addi %mul3A_2, %min3A_205 : i32
      %dma_start3A_207 = arith.constant 0 : i32
      %dma_start3A_208 = tpu.memref_slice %arg2[%add3A_206, %dma_start3A_207] : memref<4096x32768xf32, #tpu.memory_space<hbm>> -> memref<1x32768xf32, #tpu.memory_space<hbm>>
      %dma_start3A_209 = tpu.memref_squeeze %dma_start3A_208 : memref<1x32768xf32, #tpu.memory_space<hbm>> -> memref<32768xf32, #tpu.memory_space<hbm>>
      %dma_start3A_210 = arith.constant 0 : i32
      %dma_start3A_211 = tpu.memref_slice %arg2[%add3A_206, %dma_start3A_210] : memref<4096x32768xf32, #tpu.memory_space<hbm>> -> memref<1x32768xf32, #tpu.memory_space<hbm>>
      %dma_start3A_212 = tpu.memref_squeeze %dma_start3A_211 : memref<1x32768xf32, #tpu.memory_space<hbm>> -> memref<32768xf32, #tpu.memory_space<hbm>>
      tpu.enqueue_dma source(%dma_start3A_212 : memref<32768xf32, #tpu.memory_space<hbm>>) target(%arg5 : memref<32768xf32, #tpu.memory_space<vmem>>) target_semaphore(%arg11 : memref<!tpu.dma_semaphore, #tpu.memory_space<semaphore_mem>>)
      %add3A_213 = arith.constant 1 : i32
      %add3A_214 = arith.addi %mul3A_36, %add3A_213 : i32
      %parallel_loop3A_215 = arith.constant 0 : i32
      %parallel_loop3A_216 = arith.constant 1024 : i32
      %parallel_loop3A_217 = arith.constant 1 : i32
      scf.for %parallel_loop3A_367 = %parallel_loop3A_215 to %parallel_loop3A_216 step %parallel_loop3A_217  : i32 {
        %parallel_loop3A_368 = arith.constant 16 : i32
        %parallel_loop3A_369 = arith.muli %parallel_loop3A_367, %parallel_loop3A_368 : i32
        %parallel_loop3A_370 = arith.index_cast %parallel_loop3A_369 : i32 to index
        %parallel_loop3A_371 = tpu.vector_load %arg8[%parallel_loop3A_370] {strides = array<i32>} : memref<16384xi32, #tpu.memory_space<vmem>>, vector<16xi32>,
        tpu.vector_store %arg8[%parallel_loop3A_370], %broadcast_in_dim3A_5 {strides = array<i32>} : memref<16384xi32, #tpu.memory_space<vmem>>, vector<16xi32>,
      } {sc.loop_unroll_factor = 8 : i64, sc.parallel_access}
      %parallel_loop3A_218 = arith.constant 0 : i32
      %parallel_loop3A_219 = arith.constant 2048 : i32
      %parallel_loop3A_220 = arith.constant 1 : i32
      scf.for %parallel_loop3A_367 = %parallel_loop3A_218 to %parallel_loop3A_219 step %parallel_loop3A_220  : i32 {
        %parallel_loop3A_368 = arith.constant 16 : i32
        %parallel_loop3A_369 = arith.muli %parallel_loop3A_367, %parallel_loop3A_368 : i32
        %parallel_loop3A_370 = arith.index_cast %parallel_loop3A_369 : i32 to index
        %parallel_loop3A_371 = tpu.vector_load %arg6[%parallel_loop3A_370] {strides = array<i32>} : memref<32768xf32, #tpu.memory_space<vmem>>, vector<16xf32>,
        %parallel_loop3A_372 = vector.bitcast %parallel_loop3A_371 : vector<16xf32> to vector<16xi32>
        %parallel_loop3A_373 = arith.constant 31 : i32
        %parallel_loop3A_374 = vector.broadcast %parallel_loop3A_373 : i32 to vector<16xi32>
        %parallel_loop3A_375 = arith.shrsi %parallel_loop3A_372, %parallel_loop3A_374 : vector<16xi32>
        %parallel_loop3A_376 = arith.constant -2147483648 : i32
        %parallel_loop3A_377 = vector.broadcast %parallel_loop3A_376 : i32 to vector<16xi32>
        %parallel_loop3A_378 = arith.ori %parallel_loop3A_375, %parallel_loop3A_377 : vector<16xi32>
        %parallel_loop3A_379 = arith.xori %parallel_loop3A_372, %parallel_loop3A_378 : vector<16xi32>
        %parallel_loop3A_380 = arith.constant 20 : i32
        %parallel_loop3A_381 = vector.broadcast %parallel_loop3A_380 : i32 to vector<16xi32>
        %parallel_loop3A_382 = arith.shrui %parallel_loop3A_379, %parallel_loop3A_381 : vector<16xi32>
        %parallel_loop3A_383 = arith.ori %parallel_loop3A_382, %shift_left3A_12 : vector<16xi32>
        tpu.vector_store_idx %arg8[%parallel_loop3A_383], %broadcast_in_dim3A_3 {add = true} : memref<16384xi32, #tpu.memory_space<vmem>>[vector<16xi32>], vector<16xi32>,
      } {sc.loop_unroll_factor = 8 : i64, sc.parallel_access}
      %broadcast_in_dim3A_221 = arith.constant -1 : i32
      %broadcast_in_dim3A_222 = vector.broadcast %broadcast_in_dim3A_221 : i32 to vector<16xi32>
      %broadcast_in_dim3A_223 = arith.constant 0 : i32
      %broadcast_in_dim3A_224 = vector.broadcast %broadcast_in_dim3A_223 : i32 to vector<16xi32>
      %broadcast_in_dim3A_225 = arith.constant -1 : i32
      %broadcast_in_dim3A_226 = vector.broadcast %broadcast_in_dim3A_225 : i32 to vector<16xi32>
      %broadcast_in_dim3A_227 = arith.constant 0 : i32
      %broadcast_in_dim3A_228 = vector.broadcast %broadcast_in_dim3A_227 : i32 to vector<16xi32>
      %scan3A_229 = arith.constant 0 : i32
      %scan3A_230 = arith.constant 0 : i32
      %scan3A_231 = arith.constant 64 : i32
      %scan3A_232 = arith.addi %scan3A_230, %scan3A_231 : i32
      %scan3A_233 = arith.constant 1 : i32
      %scan3A_234:5 = scf.for %scan3A_367 = %scan3A_230 to %scan3A_232 step %scan3A_233 iter_args(%scan3A_368 = %scan3A_229, %scan3A_369 = %broadcast_in_dim3A_222, %scan3A_370 = %broadcast_in_dim3A_224, %scan3A_371 = %broadcast_in_dim3A_226, %scan3A_372 = %broadcast_in_dim3A_228) -> (i32, vector<16xi32>, vector<16xi32>, vector<16xi32>, vector<16xi32>)  : i32 {
        %mul3A_373 = arith.constant 4 : i32
        %mul3A_374 = arith.muli %scan3A_367, %mul3A_373 : i32
        %add3A_375 = arith.constant 0 : i32
        %add3A_376 = arith.addi %mul3A_374, %add3A_375 : i32
        %mul3A_377 = arith.constant 16 : i32
        %mul3A_378 = arith.muli %add3A_376, %mul3A_377 : i32
        %get3A_379 = arith.index_cast %mul3A_378 : i32 to index
        %get3A_380 = tpu.vector_load %arg8[%get3A_379] {strides = array<i32>} : memref<16384xi32, #tpu.memory_space<vmem>>, vector<16xi32>,
        %mul3A_381 = arith.constant 16 : i32
        %mul3A_382 = arith.muli %add3A_376, %mul3A_381 : i32
        %add3A_383 = arith.constant 4096 : i32
        %add3A_384 = arith.addi %add3A_383, %mul3A_382 : i32
        %get3A_385 = arith.index_cast %add3A_384 : i32 to index
        %get3A_386 = tpu.vector_load %arg8[%get3A_385] {strides = array<i32>} : memref<16384xi32, #tpu.memory_space<vmem>>, vector<16xi32>,
        %add3A_387 = arith.addi %get3A_380, %get3A_386 : vector<16xi32>
        %mul3A_388 = arith.constant 16 : i32
        %mul3A_389 = arith.muli %add3A_376, %mul3A_388 : i32
        %add3A_390 = arith.constant 8192 : i32
        %add3A_391 = arith.addi %add3A_390, %mul3A_389 : i32
        %get3A_392 = arith.index_cast %add3A_391 : i32 to index
        %get3A_393 = tpu.vector_load %arg8[%get3A_392] {strides = array<i32>} : memref<16384xi32, #tpu.memory_space<vmem>>, vector<16xi32>,
        %add3A_394 = arith.addi %add3A_387, %get3A_393 : vector<16xi32>
        %mul3A_395 = arith.constant 16 : i32
        %mul3A_396 = arith.muli %add3A_376, %mul3A_395 : i32
        %add3A_397 = arith.constant 12288 : i32
        %add3A_398 = arith.addi %add3A_397, %mul3A_396 : i32
        %get3A_399 = arith.index_cast %add3A_398 : i32 to index
        %get3A_400 = tpu.vector_load %arg8[%get3A_399] {strides = array<i32>} : memref<16384xi32, #tpu.memory_space<vmem>>, vector<16xi32>,
        %add3A_401 = arith.addi %add3A_394, %get3A_400 : vector<16xi32>
        %broadcast_in_dim3A_402 = arith.constant true
        %broadcast_in_dim3A_403 = vector.broadcast %broadcast_in_dim3A_402 : i1 to vector<16xi1>
        %masked_cumsum3A = tpu.scan <sum>, %add3A_401 masked %broadcast_in_dim3A_403 : vector<16xi32>, vector<16xi1> -> vector<16xi32>
        %add3A_404 = vector.broadcast %scan3A_368 : i32 to vector<16xi32>
        %add3A_405 = arith.addi %add3A_404, %masked_cumsum3A : vector<16xi32>
        %sub3A_406 = arith.constant 32768 : i32
        %sub3A_407 = vector.broadcast %sub3A_406 : i32 to vector<16xi32>
        %sub3A_408 = arith.subi %sub3A_407, %add3A_405 : vector<16xi32>
        %add3A_409 = arith.addi %sub3A_408, %add3A_401 : vector<16xi32>
        %mul3A_410 = arith.constant 16 : i32
        %mul3A_411 = arith.muli %add3A_376, %mul3A_410 : i32
        %add3A_412 = vector.broadcast %mul3A_411 : i32 to vector<16xi32>
        %add3A_413 = arith.addi %add3A_412, %iota3A : vector<16xi32>
        %ge3A = arith.constant 64 : i32
        %ge3A_414 = vector.broadcast %ge3A : i32 to vector<16xi32>
        %ge3A_415 = arith.cmpi sge, %add3A_409, %ge3A_414 : vector<16xi32>
        %jit3A = arith.constant -1 : i32
        %broadcast_in_dim3A_416 = vector.broadcast %jit3A : i32 to vector<16xi32>
        %select_n3A_417 = arith.select %ge3A_415, %add3A_413, %broadcast_in_dim3A_416 : vector<16xi1>, vector<16xi32>
        %max3A = arith.maxsi %scan3A_369, %select_n3A_417 : vector<16xi32>
        %lt3A_418 = arith.constant 64 : i32
        %lt3A_419 = vector.broadcast %lt3A_418 : i32 to vector<16xi32>
        %lt3A_420 = arith.cmpi slt, %sub3A_408, %lt3A_419 : vector<16xi32>
        %jit3A_421 = arith.constant 0 : i32
        %broadcast_in_dim3A_422 = vector.broadcast %jit3A_421 : i32 to vector<16xi32>
        %select_n3A_423 = arith.select %lt3A_420, %sub3A_408, %broadcast_in_dim3A_422 : vector<16xi1>, vector<16xi32>
        %max3A_424 = arith.maxsi %scan3A_370, %select_n3A_423 : vector<16xi32>
        %ge3A_425 = arith.constant 256 : i32
        %ge3A_426 = vector.broadcast %ge3A_425 : i32 to vector<16xi32>
        %ge3A_427 = arith.cmpi sge, %add3A_409, %ge3A_426 : vector<16xi32>
        %jit3A_428 = arith.constant -1 : i32
        %broadcast_in_dim3A_429 = vector.broadcast %jit3A_428 : i32 to vector<16xi32>
        %select_n3A_430 = arith.select %ge3A_427, %add3A_413, %broadcast_in_dim3A_429 : vector<16xi1>, vector<16xi32>
        %max3A_431 = arith.maxsi %scan3A_371, %select_n3A_430 : vector<16xi32>
        %lt3A_432 = arith.constant 256 : i32
        %lt3A_433 = vector.broadcast %lt3A_432 : i32 to vector<16xi32>
        %lt3A_434 = arith.cmpi slt, %sub3A_408, %lt3A_433 : vector<16xi32>
        %jit3A_435 = arith.constant 0 : i32
        %broadcast_in_dim3A_436 = vector.broadcast %jit3A_435 : i32 to vector<16xi32>
        %select_n3A_437 = arith.select %lt3A_434, %sub3A_408, %broadcast_in_dim3A_436 : vector<16xi1>, vector<16xi32>
        %max3A_438 = arith.maxsi %scan3A_372, %select_n3A_437 : vector<16xi32>
        %reduce_sum3A = arith.constant true
        %reduce_sum3A_439 = vector.broadcast %reduce_sum3A : i1 to vector<16xi1>
        %reduce_sum3A_440 = tpu.scan <sum>, %add3A_401 masked %reduce_sum3A_439 : vector<16xi32>, vector<16xi1> -> vector<16xi32>
        %reduce_sum3A_441 = vector.extract %reduce_sum3A_440[15] : i32 from vector<16xi32>
        %add3A_442 = arith.addi %scan3A_368, %reduce_sum3A_441 : i32
        %mul3A_443 = arith.constant 4 : i32
        %mul3A_444 = arith.muli %scan3A_367, %mul3A_443 : i32
        %add3A_445 = arith.constant 1 : i32
        %add3A_446 = arith.addi %mul3A_444, %add3A_445 : i32
        %mul3A_447 = arith.constant 16 : i32
        %mul3A_448 = arith.muli %add3A_446, %mul3A_447 : i32
        %get3A_449 = arith.index_cast %mul3A_448 : i32 to index
        %get3A_450 = tpu.vector_load %arg8[%get3A_449] {strides = array<i32>} : memref<16384xi32, #tpu.memory_space<vmem>>, vector<16xi32>,
        %mul3A_451 = arith.constant 16 : i32
        %mul3A_452 = arith.muli %add3A_446, %mul3A_451 : i32
        %add3A_453 = arith.constant 4096 : i32
        %add3A_454 = arith.addi %add3A_453, %mul3A_452 : i32
        %get3A_455 = arith.index_cast %add3A_454 : i32 to index
        %get3A_456 = tpu.vector_load %arg8[%get3A_455] {strides = array<i32>} : memref<16384xi32, #tpu.memory_space<vmem>>, vector<16xi32>,
        %add3A_457 = arith.addi %get3A_450, %get3A_456 : vector<16xi32>
        %mul3A_458 = arith.constant 16 : i32
        %mul3A_459 = arith.muli %add3A_446, %mul3A_458 : i32
        %add3A_460 = arith.constant 8192 : i32
        %add3A_461 = arith.addi %add3A_460, %mul3A_459 : i32
        %get3A_462 = arith.index_cast %add3A_461 : i32 to index
        %get3A_463 = tpu.vector_load %arg8[%get3A_462] {strides = array<i32>} : memref<16384xi32, #tpu.memory_space<vmem>>, vector<16xi32>,
        %add3A_464 = arith.addi %add3A_457, %get3A_463 : vector<16xi32>
        %mul3A_465 = arith.constant 16 : i32
        %mul3A_466 = arith.muli %add3A_446, %mul3A_465 : i32
        %add3A_467 = arith.constant 12288 : i32
        %add3A_468 = arith.addi %add3A_467, %mul3A_466 : i32
        %get3A_469 = arith.index_cast %add3A_468 : i32 to index
        %get3A_470 = tpu.vector_load %arg8[%get3A_469] {strides = array<i32>} : memref<16384xi32, #tpu.memory_space<vmem>>, vector<16xi32>,
        %add3A_471 = arith.addi %add3A_464, %get3A_470 : vector<16xi32>
        %broadcast_in_dim3A_472 = arith.constant true
        %broadcast_in_dim3A_473 = vector.broadcast %broadcast_in_dim3A_472 : i1 to vector<16xi1>
        %masked_cumsum3A_474 = tpu.scan <sum>, %add3A_471 masked %broadcast_in_dim3A_473 : vector<16xi32>, vector<16xi1> -> vector<16xi32>
        %add3A_475 = vector.broadcast %add3A_442 : i32 to vector<16xi32>
        %add3A_476 = arith.addi %add3A_475, %masked_cumsum3A_474 : vector<16xi32>
        %sub3A_477 = arith.constant 32768 : i32
        %sub3A_478 = vector.broadcast %sub3A_477 : i32 to vector<16xi32>
        %sub3A_479 = arith.subi %sub3A_478, %add3A_476 : vector<16xi32>
        %add3A_480 = arith.addi %sub3A_479, %add3A_471 : vector<16xi32>
        %mul3A_481 = arith.constant 16 : i32
        %mul3A_482 = arith.muli %add3A_446, %mul3A_481 : i32
        %add3A_483 = vector.broadcast %mul3A_482 : i32 to vector<16xi32>
        %add3A_484 = arith.addi %add3A_483, %iota3A : vector<16xi32>
        %ge3A_485 = arith.constant 64 : i32
        %ge3A_486 = vector.broadcast %ge3A_485 : i32 to vector<16xi32>
        %ge3A_487 = arith.cmpi sge, %add3A_480, %ge3A_486 : vector<16xi32>
        %jit3A_488 = arith.constant -1 : i32
        %broadcast_in_dim3A_489 = vector.broadcast %jit3A_488 : i32 to vector<16xi32>
        %select_n3A_490 = arith.select %ge3A_487, %add3A_484, %broadcast_in_dim3A_489 : vector<16xi1>, vector<16xi32>
        %max3A_491 = arith.maxsi %max3A, %select_n3A_490 : vector<16xi32>
        %lt3A_492 = arith.constant 64 : i32
        %lt3A_493 = vector.broadcast %lt3A_492 : i32 to vector<16xi32>
        %lt3A_494 = arith.cmpi slt, %sub3A_479, %lt3A_493 : vector<16xi32>
        %jit3A_495 = arith.constant 0 : i32
        %broadcast_in_dim3A_496 = vector.broadcast %jit3A_495 : i32 to vector<16xi32>
        %select_n3A_497 = arith.select %lt3A_494, %sub3A_479, %broadcast_in_dim3A_496 : vector<16xi1>, vector<16xi32>
        %max3A_498 = arith.maxsi %max3A_424, %select_n3A_497 : vector<16xi32>
        %ge3A_499 = arith.constant 256 : i32
        %ge3A_500 = vector.broadcast %ge3A_499 : i32 to vector<16xi32>
        %ge3A_501 = arith.cmpi sge, %add3A_480, %ge3A_500 : vector<16xi32>
        %jit3A_502 = arith.constant -1 : i32
        %broadcast_in_dim3A_503 = vector.broadcast %jit3A_502 : i32 to vector<16xi32>
        %select_n3A_504 = arith.select %ge3A_501, %add3A_484, %broadcast_in_dim3A_503 : vector<16xi1>, vector<16xi32>
        %max3A_505 = arith.maxsi %max3A_431, %select_n3A_504 : vector<16xi32>
        %lt3A_506 = arith.constant 256 : i32
        %lt3A_507 = vector.broadcast %lt3A_506 : i32 to vector<16xi32>
        %lt3A_508 = arith.cmpi slt, %sub3A_479, %lt3A_507 : vector<16xi32>
        %jit3A_509 = arith.constant 0 : i32
        %broadcast_in_dim3A_510 = vector.broadcast %jit3A_509 : i32 to vector<16xi32>
        %select_n3A_511 = arith.select %lt3A_508, %sub3A_479, %broadcast_in_dim3A_510 : vector<16xi1>, vector<16xi32>
        %max3A_512 = arith.maxsi %max3A_438, %select_n3A_511 : vector<16xi32>
        %reduce_sum3A_513 = arith.constant true
        %reduce_sum3A_514 = vector.broadcast %reduce_sum3A_513 : i1 to vector<16xi1>
        %reduce_sum3A_515 = tpu.scan <sum>, %add3A_471 masked %reduce_sum3A_514 : vector<16xi32>, vector<16xi1> -> vector<16xi32>
        %reduce_sum3A_516 = vector.extract %reduce_sum3A_515[15] : i32 from vector<16xi32>
        %add3A_517 = arith.addi %add3A_442, %reduce_sum3A_516 : i32
        %mul3A_518 = arith.constant 4 : i32
        %mul3A_519 = arith.muli %scan3A_367, %mul3A_518 : i32
        %add3A_520 = arith.constant 2 : i32
        %add3A_521 = arith.addi %mul3A_519, %add3A_520 : i32
        %mul3A_522 = arith.constant 16 : i32
        %mul3A_523 = arith.muli %add3A_521, %mul3A_522 : i32
        %get3A_524 = arith.index_cast %mul3A_523 : i32 to index
        %get3A_525 = tpu.vector_load %arg8[%get3A_524] {strides = array<i32>} : memref<16384xi32, #tpu.memory_space<vmem>>, vector<16xi32>,
        %mul3A_526 = arith.constant 16 : i32
        %mul3A_527 = arith.muli %add3A_521, %mul3A_526 : i32
        %add3A_528 = arith.constant 4096 : i32
        %add3A_529 = arith.addi %add3A_528, %mul3A_527 : i32
        %get3A_530 = arith.index_cast %add3A_529 : i32 to index
        %get3A_531 = tpu.vector_load %arg8[%get3A_530] {strides = array<i32>} : memref<16384xi32, #tpu.memory_space<vmem>>, vector<16xi32>,
        %add3A_532 = arith.addi %get3A_525, %get3A_531 : vector<16xi32>
        %mul3A_533 = arith.constant 16 : i32
        %mul3A_534 = arith.muli %add3A_521, %mul3A_533 : i32
        %add3A_535 = arith.constant 8192 : i32
        %add3A_536 = arith.addi %add3A_535, %mul3A_534 : i32
        %get3A_537 = arith.index_cast %add3A_536 : i32 to index
        %get3A_538 = tpu.vector_load %arg8[%get3A_537] {strides = array<i32>} : memref<16384xi32, #tpu.memory_space<vmem>>, vector<16xi32>,
        %add3A_539 = arith.addi %add3A_532, %get3A_538 : vector<16xi32>
        %mul3A_540 = arith.constant 16 : i32
        %mul3A_541 = arith.muli %add3A_521, %mul3A_540 : i32
        %add3A_542 = arith.constant 12288 : i32
        %add3A_543 = arith.addi %add3A_542, %mul3A_541 : i32
        %get3A_544 = arith.index_cast %add3A_543 : i32 to index
        %get3A_545 = tpu.vector_load %arg8[%get3A_544] {strides = array<i32>} : memref<16384xi32, #tpu.memory_space<vmem>>, vector<16xi32>,
        %add3A_546 = arith.addi %add3A_539, %get3A_545 : vector<16xi32>
        %broadcast_in_dim3A_547 = arith.constant true
        %broadcast_in_dim3A_548 = vector.broadcast %broadcast_in_dim3A_547 : i1 to vector<16xi1>
        %masked_cumsum3A_549 = tpu.scan <sum>, %add3A_546 masked %broadcast_in_dim3A_548 : vector<16xi32>, vector<16xi1> -> vector<16xi32>
        %add3A_550 = vector.broadcast %add3A_517 : i32 to vector<16xi32>
        %add3A_551 = arith.addi %add3A_550, %masked_cumsum3A_549 : vector<16xi32>
        %sub3A_552 = arith.constant 32768 : i32
        %sub3A_553 = vector.broadcast %sub3A_552 : i32 to vector<16xi32>
        %sub3A_554 = arith.subi %sub3A_553, %add3A_551 : vector<16xi32>
        %add3A_555 = arith.addi %sub3A_554, %add3A_546 : vector<16xi32>
        %mul3A_556 = arith.constant 16 : i32
        %mul3A_557 = arith.muli %add3A_521, %mul3A_556 : i32
        %add3A_558 = vector.broadcast %mul3A_557 : i32 to vector<16xi32>
        %add3A_559 = arith.addi %add3A_558, %iota3A : vector<16xi32>
        %ge3A_560 = arith.constant 64 : i32
        %ge3A_561 = vector.broadcast %ge3A_560 : i32 to vector<16xi32>
        %ge3A_562 = arith.cmpi sge, %add3A_555, %ge3A_561 : vector<16xi32>
        %jit3A_563 = arith.constant -1 : i32
        %broadcast_in_dim3A_564 = vector.broadcast %jit3A_563 : i32 to vector<16xi32>
        %select_n3A_565 = arith.select %ge3A_562, %add3A_559, %broadcast_in_dim3A_564 : vector<16xi1>, vector<16xi32>
        %max3A_566 = arith.maxsi %max3A_491, %select_n3A_565 : vector<16xi32>
        %lt3A_567 = arith.constant 64 : i32
        %lt3A_568 = vector.broadcast %lt3A_567 : i32 to vector<16xi32>
        %lt3A_569 = arith.cmpi slt, %sub3A_554, %lt3A_568 : vector<16xi32>
        %jit3A_570 = arith.constant 0 : i32
        %broadcast_in_dim3A_571 = vector.broadcast %jit3A_570 : i32 to vector<16xi32>
        %select_n3A_572 = arith.select %lt3A_569, %sub3A_554, %broadcast_in_dim3A_571 : vector<16xi1>, vector<16xi32>
        %max3A_573 = arith.maxsi %max3A_498, %select_n3A_572 : vector<16xi32>
        %ge3A_574 = arith.constant 256 : i32
        %ge3A_575 = vector.broadcast %ge3A_574 : i32 to vector<16xi32>
        %ge3A_576 = arith.cmpi sge, %add3A_555, %ge3A_575 : vector<16xi32>
        %jit3A_577 = arith.constant -1 : i32
        %broadcast_in_dim3A_578 = vector.broadcast %jit3A_577 : i32 to vector<16xi32>
        %select_n3A_579 = arith.select %ge3A_576, %add3A_559, %broadcast_in_dim3A_578 : vector<16xi1>, vector<16xi32>
        %max3A_580 = arith.maxsi %max3A_505, %select_n3A_579 : vector<16xi32>
        %lt3A_581 = arith.constant 256 : i32
        %lt3A_582 = vector.broadcast %lt3A_581 : i32 to vector<16xi32>
        %lt3A_583 = arith.cmpi slt, %sub3A_554, %lt3A_582 : vector<16xi32>
        %jit3A_584 = arith.constant 0 : i32
        %broadcast_in_dim3A_585 = vector.broadcast %jit3A_584 : i32 to vector<16xi32>
        %select_n3A_586 = arith.select %lt3A_583, %sub3A_554, %broadcast_in_dim3A_585 : vector<16xi1>, vector<16xi32>
        %max3A_587 = arith.maxsi %max3A_512, %select_n3A_586 : vector<16xi32>
        %reduce_sum3A_588 = arith.constant true
        %reduce_sum3A_589 = vector.broadcast %reduce_sum3A_588 : i1 to vector<16xi1>
        %reduce_sum3A_590 = tpu.scan <sum>, %add3A_546 masked %reduce_sum3A_589 : vector<16xi32>, vector<16xi1> -> vector<16xi32>
        %reduce_sum3A_591 = vector.extract %reduce_sum3A_590[15] : i32 from vector<16xi32>
        %add3A_592 = arith.addi %add3A_517, %reduce_sum3A_591 : i32
        %mul3A_593 = arith.constant 4 : i32
        %mul3A_594 = arith.muli %scan3A_367, %mul3A_593 : i32
        %add3A_595 = arith.constant 3 : i32
        %add3A_596 = arith.addi %mul3A_594, %add3A_595 : i32
        %mul3A_597 = arith.constant 16 : i32
        %mul3A_598 = arith.muli %add3A_596, %mul3A_597 : i32
        %get3A_599 = arith.index_cast %mul3A_598 : i32 to index
        %get3A_600 = tpu.vector_load %arg8[%get3A_599] {strides = array<i32>} : memref<16384xi32, #tpu.memory_space<vmem>>, vector<16xi32>,
        %mul3A_601 = arith.constant 16 : i32
        %mul3A_602 = arith.muli %add3A_596, %mul3A_601 : i32
        %add3A_603 = arith.constant 4096 : i32
        %add3A_604 = arith.addi %add3A_603, %mul3A_602 : i32
        %get3A_605 = arith.index_cast %add3A_604 : i32 to index
        %get3A_606 = tpu.vector_load %arg8[%get3A_605] {strides = array<i32>} : memref<16384xi32, #tpu.memory_space<vmem>>, vector<16xi32>,
        %add3A_607 = arith.addi %get3A_600, %get3A_606 : vector<16xi32>
        %mul3A_608 = arith.constant 16 : i32
        %mul3A_609 = arith.muli %add3A_596, %mul3A_608 : i32
        %add3A_610 = arith.constant 8192 : i32
        %add3A_611 = arith.addi %add3A_610, %mul3A_609 : i32
        %get3A_612 = arith.index_cast %add3A_611 : i32 to index
        %get3A_613 = tpu.vector_load %arg8[%get3A_612] {strides = array<i32>} : memref<16384xi32, #tpu.memory_space<vmem>>, vector<16xi32>,
        %add3A_614 = arith.addi %add3A_607, %get3A_613 : vector<16xi32>
        %mul3A_615 = arith.constant 16 : i32
        %mul3A_616 = arith.muli %add3A_596, %mul3A_615 : i32
        %add3A_617 = arith.constant 12288 : i32
        %add3A_618 = arith.addi %add3A_617, %mul3A_616 : i32
        %get3A_619 = arith.index_cast %add3A_618 : i32 to index
        %get3A_620 = tpu.vector_load %arg8[%get3A_619] {strides = array<i32>} : memref<16384xi32, #tpu.memory_space<vmem>>, vector<16xi32>,
        %add3A_621 = arith.addi %add3A_614, %get3A_620 : vector<16xi32>
        %broadcast_in_dim3A_622 = arith.constant true
        %broadcast_in_dim3A_623 = vector.broadcast %broadcast_in_dim3A_622 : i1 to vector<16xi1>
        %masked_cumsum3A_624 = tpu.scan <sum>, %add3A_621 masked %broadcast_in_dim3A_623 : vector<16xi32>, vector<16xi1> -> vector<16xi32>
        %add3A_625 = vector.broadcast %add3A_592 : i32 to vector<16xi32>
        %add3A_626 = arith.addi %add3A_625, %masked_cumsum3A_624 : vector<16xi32>
        %sub3A_627 = arith.constant 32768 : i32
        %sub3A_628 = vector.broadcast %sub3A_627 : i32 to vector<16xi32>
        %sub3A_629 = arith.subi %sub3A_628, %add3A_626 : vector<16xi32>
        %add3A_630 = arith.addi %sub3A_629, %add3A_621 : vector<16xi32>
        %mul3A_631 = arith.constant 16 : i32
        %mul3A_632 = arith.muli %add3A_596, %mul3A_631 : i32
        %add3A_633 = vector.broadcast %mul3A_632 : i32 to vector<16xi32>
        %add3A_634 = arith.addi %add3A_633, %iota3A : vector<16xi32>
        %ge3A_635 = arith.constant 64 : i32
        %ge3A_636 = vector.broadcast %ge3A_635 : i32 to vector<16xi32>
        %ge3A_637 = arith.cmpi sge, %add3A_630, %ge3A_636 : vector<16xi32>
        %jit3A_638 = arith.constant -1 : i32
        %broadcast_in_dim3A_639 = vector.broadcast %jit3A_638 : i32 to vector<16xi32>
        %select_n3A_640 = arith.select %ge3A_637, %add3A_634, %broadcast_in_dim3A_639 : vector<16xi1>, vector<16xi32>
        %max3A_641 = arith.maxsi %max3A_566, %select_n3A_640 : vector<16xi32>
        %lt3A_642 = arith.constant 64 : i32
        %lt3A_643 = vector.broadcast %lt3A_642 : i32 to vector<16xi32>
        %lt3A_644 = arith.cmpi slt, %sub3A_629, %lt3A_643 : vector<16xi32>
        %jit3A_645 = arith.constant 0 : i32
        %broadcast_in_dim3A_646 = vector.broadcast %jit3A_645 : i32 to vector<16xi32>
        %select_n3A_647 = arith.select %lt3A_644, %sub3A_629, %broadcast_in_dim3A_646 : vector<16xi1>, vector<16xi32>
        %max3A_648 = arith.maxsi %max3A_573, %select_n3A_647 : vector<16xi32>
        %ge3A_649 = arith.constant 256 : i32
        %ge3A_650 = vector.broadcast %ge3A_649 : i32 to vector<16xi32>
        %ge3A_651 = arith.cmpi sge, %add3A_630, %ge3A_650 : vector<16xi32>
        %jit3A_652 = arith.constant -1 : i32
        %broadcast_in_dim3A_653 = vector.broadcast %jit3A_652 : i32 to vector<16xi32>
        %select_n3A_654 = arith.select %ge3A_651, %add3A_634, %broadcast_in_dim3A_653 : vector<16xi1>, vector<16xi32>
        %max3A_655 = arith.maxsi %max3A_580, %select_n3A_654 : vector<16xi32>
        %lt3A_656 = arith.constant 256 : i32
        %lt3A_657 = vector.broadcast %lt3A_656 : i32 to vector<16xi32>
        %lt3A_658 = arith.cmpi slt, %sub3A_629, %lt3A_657 : vector<16xi32>
        %jit3A_659 = arith.constant 0 : i32
        %broadcast_in_dim3A_660 = vector.broadcast %jit3A_659 : i32 to vector<16xi32>
        %select_n3A_661 = arith.select %lt3A_658, %sub3A_629, %broadcast_in_dim3A_660 : vector<16xi1>, vector<16xi32>
        %max3A_662 = arith.maxsi %max3A_587, %select_n3A_661 : vector<16xi32>
        %reduce_sum3A_663 = arith.constant true
        %reduce_sum3A_664 = vector.broadcast %reduce_sum3A_663 : i1 to vector<16xi1>
        %reduce_sum3A_665 = tpu.scan <sum>, %add3A_621 masked %reduce_sum3A_664 : vector<16xi32>, vector<16xi1> -> vector<16xi32>
        %reduce_sum3A_666 = vector.extract %reduce_sum3A_665[15] : i32 from vector<16xi32>
        %add3A_667 = arith.addi %add3A_592, %reduce_sum3A_666 : i32
        scf.yield %add3A_667, %max3A_641, %max3A_648, %max3A_655, %max3A_662 : i32, vector<16xi32>, vector<16xi32>, vector<16xi32>, vector<16xi32>
      }
      %scan3A_235 = arith.constant 64 : i32
      %reduce_max3A_236 = arith.constant true
      %reduce_max3A_237 = vector.broadcast %reduce_max3A_236 : i1 to vector<16xi1>
      %reduce_max3A_238 = arith.constant -2147483648 : i32
      %reduce_max3A_239 = vector.broadcast %reduce_max3A_238 : i32 to vector<16xi32>
      %reduce_max3A_240 = arith.xori %scan3A_234#1, %reduce_max3A_239 : vector<16xi32>
      %reduce_max3A_241 = tpu.scan <max>, %reduce_max3A_240 masked %reduce_max3A_237 : vector<16xi32>, vector<16xi1> -> vector<16xi32>
      %reduce_max3A_242 = arith.xori %reduce_max3A_241, %reduce_max3A_239 : vector<16xi32>
      %reduce_max3A_243 = vector.extract %reduce_max3A_242[15] : i32 from vector<16xi32>
      %reduce_max3A_244 = arith.constant true
      %reduce_max3A_245 = vector.broadcast %reduce_max3A_244 : i1 to vector<16xi1>
      %reduce_max3A_246 = arith.constant -2147483648 : i32
      %reduce_max3A_247 = vector.broadcast %reduce_max3A_246 : i32 to vector<16xi32>
      %reduce_max3A_248 = arith.xori %scan3A_234#2, %reduce_max3A_247 : vector<16xi32>
      %reduce_max3A_249 = tpu.scan <max>, %reduce_max3A_248 masked %reduce_max3A_245 : vector<16xi32>, vector<16xi1> -> vector<16xi32>
      %reduce_max3A_250 = arith.xori %reduce_max3A_249, %reduce_max3A_247 : vector<16xi32>
      %reduce_max3A_251 = vector.extract %reduce_max3A_250[15] : i32 from vector<16xi32>
      %reduce_max3A_252 = arith.constant true
      %reduce_max3A_253 = vector.broadcast %reduce_max3A_252 : i1 to vector<16xi1>
      %reduce_max3A_254 = arith.constant -2147483648 : i32
      %reduce_max3A_255 = vector.broadcast %reduce_max3A_254 : i32 to vector<16xi32>
      %reduce_max3A_256 = arith.xori %scan3A_234#3, %reduce_max3A_255 : vector<16xi32>
      %reduce_max3A_257 = tpu.scan <max>, %reduce_max3A_256 masked %reduce_max3A_253 : vector<16xi32>, vector<16xi1> -> vector<16xi32>
      %reduce_max3A_258 = arith.xori %reduce_max3A_257, %reduce_max3A_255 : vector<16xi32>
      %reduce_max3A_259 = vector.extract %reduce_max3A_258[15] : i32 from vector<16xi32>
      %reduce_max3A_260 = arith.constant true
      %reduce_max3A_261 = vector.broadcast %reduce_max3A_260 : i1 to vector<16xi1>
      %reduce_max3A_262 = arith.constant -2147483648 : i32
      %reduce_max3A_263 = vector.broadcast %reduce_max3A_262 : i32 to vector<16xi32>
      %reduce_max3A_264 = arith.xori %scan3A_234#4, %reduce_max3A_263 : vector<16xi32>
      %reduce_max3A_265 = tpu.scan <max>, %reduce_max3A_264 masked %reduce_max3A_261 : vector<16xi32>, vector<16xi1> -> vector<16xi32>
      %reduce_max3A_266 = arith.xori %reduce_max3A_265, %reduce_max3A_263 : vector<16xi32>
      %reduce_max3A_267 = vector.extract %reduce_max3A_266[15] : i32 from vector<16xi32>
      %broadcast_in_dim3A_268 = arith.constant 0 : i32
      %broadcast_in_dim3A_269 = vector.broadcast %broadcast_in_dim3A_268 : i32 to vector<16xi32>
      %parallel_loop3A_270 = arith.constant 0 : i32
      %parallel_loop3A_271 = arith.constant 2048 : i32
      %parallel_loop3A_272 = arith.constant 1 : i32
      %parallel_loop3A_273 = scf.for %parallel_loop3A_367 = %parallel_loop3A_270 to %parallel_loop3A_271 step %parallel_loop3A_272 iter_args(%parallel_loop3A_368 = %broadcast_in_dim3A_269) -> (vector<16xi32>)  : i32 {
        %parallel_loop3A_369 = arith.constant 16 : i32
        %parallel_loop3A_370 = arith.muli %parallel_loop3A_367, %parallel_loop3A_369 : i32
        %parallel_loop3A_371 = arith.index_cast %parallel_loop3A_370 : i32 to index
        %parallel_loop3A_372 = tpu.vector_load %arg6[%parallel_loop3A_371] {strides = array<i32>} : memref<32768xf32, #tpu.memory_space<vmem>>, vector<16xf32>,
        %parallel_loop3A_373 = vector.bitcast %parallel_loop3A_372 : vector<16xf32> to vector<16xi32>
        %parallel_loop3A_374 = arith.constant 31 : i32
        %parallel_loop3A_375 = vector.broadcast %parallel_loop3A_374 : i32 to vector<16xi32>
        %parallel_loop3A_376 = arith.shrsi %parallel_loop3A_373, %parallel_loop3A_375 : vector<16xi32>
        %parallel_loop3A_377 = arith.constant -2147483648 : i32
        %parallel_loop3A_378 = vector.broadcast %parallel_loop3A_377 : i32 to vector<16xi32>
        %parallel_loop3A_379 = arith.ori %parallel_loop3A_376, %parallel_loop3A_378 : vector<16xi32>
        %parallel_loop3A_380 = arith.xori %parallel_loop3A_373, %parallel_loop3A_379 : vector<16xi32>
        %parallel_loop3A_381 = arith.constant 20 : i32
        %parallel_loop3A_382 = vector.broadcast %parallel_loop3A_381 : i32 to vector<16xi32>
        %parallel_loop3A_383 = arith.shrui %parallel_loop3A_380, %parallel_loop3A_382 : vector<16xi32>
        %parallel_loop3A_384 = vector.broadcast %reduce_max3A_243 : i32 to vector<16xi32>
        %parallel_loop3A_385 = arith.cmpi eq, %parallel_loop3A_383, %parallel_loop3A_384 : vector<16xi32>
        %parallel_loop3A_386 = vector.broadcast %reduce_max3A_259 : i32 to vector<16xi32>
        %parallel_loop3A_387 = arith.cmpi eq, %parallel_loop3A_383, %parallel_loop3A_386 : vector<16xi32>
        %parallel_loop3A_388 = arith.ori %parallel_loop3A_385, %parallel_loop3A_387 : vector<16xi1>
        %parallel_loop3A_389 = arith.constant 2047 : i32
        %parallel_loop3A_390 = vector.broadcast %parallel_loop3A_389 : i32 to vector<16xi32>
        %parallel_loop3A_391 = arith.minsi %parallel_loop3A_368, %parallel_loop3A_390 : vector<16xi32>
        %parallel_loop3A_392 = arith.addi %mul3A_8, %parallel_loop3A_391 : vector<16xi32>
        tpu.vector_store_idx %arg7[%parallel_loop3A_392], %parallel_loop3A_380 masked %parallel_loop3A_388 : memref<32768xi32, #tpu.memory_space<vmem>>[vector<16xi32>], vector<16xi32>, vector<16xi1>
        %parallel_loop3A_393 = arith.extui %parallel_loop3A_388 : vector<16xi1> to vector<16xi32>
        %parallel_loop3A_394 = arith.addi %parallel_loop3A_368, %parallel_loop3A_393 : vector<16xi32>
        scf.yield %parallel_loop3A_394 : vector<16xi32>
      } {sc.loop_unroll_factor = 8 : i64, sc.parallel_access}
      %sub3A_274 = arith.constant 64 : i32
      %sub3A_275 = arith.subi %sub3A_274, %reduce_max3A_251 : i32
      %min3A_276 = arith.constant 2048 : i32
      %min3A_277 = vector.broadcast %min3A_276 : i32 to vector<16xi32>
      %min3A_278 = arith.minsi %parallel_loop3A_273, %min3A_277 : vector<16xi32>
      %reduce_max3A_279 = arith.constant true
      %reduce_max3A_280 = vector.broadcast %reduce_max3A_279 : i1 to vector<16xi1>
      %reduce_max3A_281 = arith.constant -2147483648 : i32
      %reduce_max3A_282 = vector.broadcast %reduce_max3A_281 : i32 to vector<16xi32>
      %reduce_max3A_283 = arith.xori %min3A_278, %reduce_max3A_282 : vector<16xi32>
      %reduce_max3A_284 = tpu.scan <max>, %reduce_max3A_283 masked %reduce_max3A_280 : vector<16xi32>, vector<16xi1> -> vector<16xi32>
      %reduce_max3A_285 = arith.xori %reduce_max3A_284, %reduce_max3A_282 : vector<16xi32>
      %reduce_max3A_286 = vector.extract %reduce_max3A_285[15] : i32 from vector<16xi32>
      %broadcast_in_dim3A_287 = vector.broadcast %sub3A_275 : i32 to vector<16xi32>
      %shift_left3A_288 = arith.constant 20 : i32
      %shift_left3A_289 = arith.shli %reduce_max3A_243, %shift_left3A_288 : i32
      %broadcast_in_dim3A_290 = vector.broadcast %shift_left3A_289 : i32 to vector<16xi32>
      %scan3A_291 = arith.constant 0 : i32
      %scan3A_292 = arith.constant 20 : i32
      %scan3A_293 = arith.addi %scan3A_291, %scan3A_292 : i32
      %scan3A_294 = arith.constant 1 : i32
      %scan3A_295:2 = scf.for %scan3A_367 = %scan3A_291 to %scan3A_293 step %scan3A_294 iter_args(%scan3A_368 = %broadcast_in_dim3A_290, %scan3A_369 = %broadcast_in_dim3A_287) -> (vector<16xi32>, vector<16xi32>)  : i32 {
        %sub3A_370 = arith.constant 19 : i32
        %sub3A_371 = arith.subi %sub3A_370, %scan3A_367 : i32
        %shift_right_logical3A_372 = vector.broadcast %sub3A_371 : i32 to vector<16xi32>
        %shift_right_logical3A_373 = arith.shrui %scan3A_368, %shift_right_logical3A_372 : vector<16xi32>
        %or3A = arith.constant 1 : i32
        %or3A_374 = vector.broadcast %or3A : i32 to vector<16xi32>
        %or3A_375 = arith.ori %shift_right_logical3A_373, %or3A_374 : vector<16xi32>
        %broadcast_in_dim3A_376 = arith.constant 0 : i32
        %broadcast_in_dim3A_377 = vector.broadcast %broadcast_in_dim3A_376 : i32 to vector<16xi32>
        %while3A = arith.constant 0 : i32
        %while3A_378 = arith.subi %reduce_max3A_286, %while3A : i32
        %while3A_379 = arith.addi %while3A, %while3A_378 : i32
        %while3A_380 = arith.constant 1 : i32
        %while3A_381 = arith.divsi %while3A_378, %while3A_380 : i32
        %while3A_382 = arith.muli %while3A_381, %while3A_380 : i32
        %while3A_383 = arith.addi %while3A, %while3A_382 : i32
        %while3A_384 = arith.constant 1 : i32
        %while3A_385 = scf.for %while3A_395 = %while3A to %while3A_383 step %while3A_384 iter_args(%while3A_396 = %broadcast_in_dim3A_377) -> (vector<16xi32>)  : i32 {
          %add3A_397 = vector.broadcast %while3A_395 : i32 to vector<16xi32>
          %add3A_398 = arith.addi %mul3A_8, %add3A_397 : vector<16xi32>
          %gather3A = tpu.vector_load_idx %arg7[%add3A_398] : memref<32768xi32, #tpu.memory_space<vmem>>[vector<16xi32>], vector<16xi32>,
          %lt3A_399 = vector.broadcast %while3A_395 : i32 to vector<16xi32>
          %lt3A_400 = arith.cmpi slt, %lt3A_399, %min3A_278 : vector<16xi32>
          %shift_right_logical3A_401 = vector.broadcast %sub3A_371 : i32 to vector<16xi32>
          %shift_right_logical3A_402 = arith.shrui %gather3A, %shift_right_logical3A_401 : vector<16xi32>
          %eq3A_403 = arith.cmpi eq, %shift_right_logical3A_402, %or3A_375 : vector<16xi32>
          %and3A_404 = arith.andi %eq3A_403, %lt3A_400 : vector<16xi1>
          %all_reduce_population_count3A = tpu.all_reduce %and3A_404 {dim = 0 : i64, kind = #tpu.reduction_kind<sum>} : vector<16xi1> -> vector<16xi32>
          %add3A_405 = arith.addi %while3A_396, %all_reduce_population_count3A : vector<16xi32>
          scf.yield %add3A_405 : vector<16xi32>
        }
        %while3A_386 = arith.constant 1 : i32
        %while3A_387 = scf.for %while3A_395 = %while3A_383 to %while3A_379 step %while3A_386 iter_args(%while3A_396 = %while3A_385) -> (vector<16xi32>)  : i32 {
          %add3A_397 = vector.broadcast %while3A_395 : i32 to vector<16xi32>
          %add3A_398 = arith.addi %mul3A_8, %add3A_397 : vector<16xi32>
          %gather3A = tpu.vector_load_idx %arg7[%add3A_398] : memref<32768xi32, #tpu.memory_space<vmem>>[vector<16xi32>], vector<16xi32>,
          %lt3A_399 = vector.broadcast %while3A_395 : i32 to vector<16xi32>
          %lt3A_400 = arith.cmpi slt, %lt3A_399, %min3A_278 : vector<16xi32>
          %shift_right_logical3A_401 = vector.broadcast %sub3A_371 : i32 to vector<16xi32>
          %shift_right_logical3A_402 = arith.shrui %gather3A, %shift_right_logical3A_401 : vector<16xi32>
          %eq3A_403 = arith.cmpi eq, %shift_right_logical3A_402, %or3A_375 : vector<16xi32>
          %and3A_404 = arith.andi %eq3A_403, %lt3A_400 : vector<16xi1>
          %all_reduce_population_count3A = tpu.all_reduce %and3A_404 {dim = 0 : i64, kind = #tpu.reduction_kind<sum>} : vector<16xi1> -> vector<16xi32>
          %add3A_405 = arith.addi %while3A_396, %all_reduce_population_count3A : vector<16xi32>
          scf.yield %add3A_405 : vector<16xi32>
        }
        %le3A = arith.cmpi sle, %scan3A_369, %while3A_387 : vector<16xi32>
        %shift_left3A_388 = arith.constant 1 : i32
        %shift_left3A_389 = arith.shli %shift_left3A_388, %sub3A_371 : i32
        %or3A_390 = vector.broadcast %shift_left3A_389 : i32 to vector<16xi32>
        %or3A_391 = arith.ori %scan3A_368, %or3A_390 : vector<16xi32>
        %select_n3A_392 = arith.select %le3A, %or3A_391, %scan3A_368 : vector<16xi1>, vector<16xi32>
        %sub3A_393 = arith.subi %scan3A_369, %while3A_387 : vector<16xi32>
        %select_n3A_394 = arith.select %le3A, %scan3A_369, %sub3A_393 : vector<16xi1>, vector<16xi32>
        scf.yield %select_n3A_392, %select_n3A_394 : vector<16xi32>, vector<16xi32>
      }
      %scan3A_296 = arith.constant 20 : i32
      %sub3A_297 = arith.constant 256 : i32
      %sub3A_298 = arith.subi %sub3A_297, %reduce_max3A_267 : i32
      %min3A_299 = arith.constant 2048 : i32
      %min3A_300 = vector.broadcast %min3A_299 : i32 to vector<16xi32>
      %min3A_301 = arith.minsi %parallel_loop3A_273, %min3A_300 : vector<16xi32>
      %reduce_max3A_302 = arith.constant true
      %reduce_max3A_303 = vector.broadcast %reduce_max3A_302 : i1 to vector<16xi1>
      %reduce_max3A_304 = arith.constant -2147483648 : i32
      %reduce_max3A_305 = vector.broadcast %reduce_max3A_304 : i32 to vector<16xi32>
      %reduce_max3A_306 = arith.xori %min3A_301, %reduce_max3A_305 : vector<16xi32>
      %reduce_max3A_307 = tpu.scan <max>, %reduce_max3A_306 masked %reduce_max3A_303 : vector<16xi32>, vector<16xi1> -> vector<16xi32>
      %reduce_max3A_308 = arith.xori %reduce_max3A_307, %reduce_max3A_305 : vector<16xi32>
      %reduce_max3A_309 = vector.extract %reduce_max3A_308[15] : i32 from vector<16xi32>
      %broadcast_in_dim3A_310 = vector.broadcast %sub3A_298 : i32 to vector<16xi32>
      %shift_left3A_311 = arith.constant 20 : i32
      %shift_left3A_312 = arith.shli %reduce_max3A_259, %shift_left3A_311 : i32
      %broadcast_in_dim3A_313 = vector.broadcast %shift_left3A_312 : i32 to vector<16xi32>
      %scan3A_314 = arith.constant 0 : i32
      %scan3A_315 = arith.constant 20 : i32
      %scan3A_316 = arith.addi %scan3A_314, %scan3A_315 : i32
      %scan3A_317 = arith.constant 1 : i32
      %scan3A_318:2 = scf.for %scan3A_367 = %scan3A_314 to %scan3A_316 step %scan3A_317 iter_args(%scan3A_368 = %broadcast_in_dim3A_313, %scan3A_369 = %broadcast_in_dim3A_310) -> (vector<16xi32>, vector<16xi32>)  : i32 {
        %sub3A_370 = arith.constant 19 : i32
        %sub3A_371 = arith.subi %sub3A_370, %scan3A_367 : i32
        %shift_right_logical3A_372 = vector.broadcast %sub3A_371 : i32 to vector<16xi32>
        %shift_right_logical3A_373 = arith.shrui %scan3A_368, %shift_right_logical3A_372 : vector<16xi32>
        %or3A = arith.constant 1 : i32
        %or3A_374 = vector.broadcast %or3A : i32 to vector<16xi32>
        %or3A_375 = arith.ori %shift_right_logical3A_373, %or3A_374 : vector<16xi32>
        %broadcast_in_dim3A_376 = arith.constant 0 : i32
        %broadcast_in_dim3A_377 = vector.broadcast %broadcast_in_dim3A_376 : i32 to vector<16xi32>
        %while3A = arith.constant 0 : i32
        %while3A_378 = arith.subi %reduce_max3A_309, %while3A : i32
        %while3A_379 = arith.addi %while3A, %while3A_378 : i32
        %while3A_380 = arith.constant 1 : i32
        %while3A_381 = arith.divsi %while3A_378, %while3A_380 : i32
        %while3A_382 = arith.muli %while3A_381, %while3A_380 : i32
        %while3A_383 = arith.addi %while3A, %while3A_382 : i32
        %while3A_384 = arith.constant 1 : i32
        %while3A_385 = scf.for %while3A_395 = %while3A to %while3A_383 step %while3A_384 iter_args(%while3A_396 = %broadcast_in_dim3A_377) -> (vector<16xi32>)  : i32 {
          %add3A_397 = vector.broadcast %while3A_395 : i32 to vector<16xi32>
          %add3A_398 = arith.addi %mul3A_8, %add3A_397 : vector<16xi32>
          %gather3A = tpu.vector_load_idx %arg7[%add3A_398] : memref<32768xi32, #tpu.memory_space<vmem>>[vector<16xi32>], vector<16xi32>,
          %lt3A_399 = vector.broadcast %while3A_395 : i32 to vector<16xi32>
          %lt3A_400 = arith.cmpi slt, %lt3A_399, %min3A_301 : vector<16xi32>
          %shift_right_logical3A_401 = vector.broadcast %sub3A_371 : i32 to vector<16xi32>
          %shift_right_logical3A_402 = arith.shrui %gather3A, %shift_right_logical3A_401 : vector<16xi32>
          %eq3A_403 = arith.cmpi eq, %shift_right_logical3A_402, %or3A_375 : vector<16xi32>
          %and3A_404 = arith.andi %eq3A_403, %lt3A_400 : vector<16xi1>
          %all_reduce_population_count3A = tpu.all_reduce %and3A_404 {dim = 0 : i64, kind = #tpu.reduction_kind<sum>} : vector<16xi1> -> vector<16xi32>
          %add3A_405 = arith.addi %while3A_396, %all_reduce_population_count3A : vector<16xi32>
          scf.yield %add3A_405 : vector<16xi32>
        }
        %while3A_386 = arith.constant 1 : i32
        %while3A_387 = scf.for %while3A_395 = %while3A_383 to %while3A_379 step %while3A_386 iter_args(%while3A_396 = %while3A_385) -> (vector<16xi32>)  : i32 {
          %add3A_397 = vector.broadcast %while3A_395 : i32 to vector<16xi32>
          %add3A_398 = arith.addi %mul3A_8, %add3A_397 : vector<16xi32>
          %gather3A = tpu.vector_load_idx %arg7[%add3A_398] : memref<32768xi32, #tpu.memory_space<vmem>>[vector<16xi32>], vector<16xi32>,
          %lt3A_399 = vector.broadcast %while3A_395 : i32 to vector<16xi32>
          %lt3A_400 = arith.cmpi slt, %lt3A_399, %min3A_301 : vector<16xi32>
          %shift_right_logical3A_401 = vector.broadcast %sub3A_371 : i32 to vector<16xi32>
          %shift_right_logical3A_402 = arith.shrui %gather3A, %shift_right_logical3A_401 : vector<16xi32>
          %eq3A_403 = arith.cmpi eq, %shift_right_logical3A_402, %or3A_375 : vector<16xi32>
          %and3A_404 = arith.andi %eq3A_403, %lt3A_400 : vector<16xi1>
          %all_reduce_population_count3A = tpu.all_reduce %and3A_404 {dim = 0 : i64, kind = #tpu.reduction_kind<sum>} : vector<16xi1> -> vector<16xi32>
          %add3A_405 = arith.addi %while3A_396, %all_reduce_population_count3A : vector<16xi32>
          scf.yield %add3A_405 : vector<16xi32>
        }
        %le3A = arith.cmpi sle, %scan3A_369, %while3A_387 : vector<16xi32>
        %shift_left3A_388 = arith.constant 1 : i32
        %shift_left3A_389 = arith.shli %shift_left3A_388, %sub3A_371 : i32
        %or3A_390 = vector.broadcast %shift_left3A_389 : i32 to vector<16xi32>
        %or3A_391 = arith.ori %scan3A_368, %or3A_390 : vector<16xi32>
        %select_n3A_392 = arith.select %le3A, %or3A_391, %scan3A_368 : vector<16xi1>, vector<16xi32>
        %sub3A_393 = arith.subi %scan3A_369, %while3A_387 : vector<16xi32>
        %select_n3A_394 = arith.select %le3A, %scan3A_369, %sub3A_393 : vector<16xi1>, vector<16xi32>
        scf.yield %select_n3A_392, %select_n3A_394 : vector<16xi32>, vector<16xi32>
      }
      %scan3A_319 = arith.constant 20 : i32
      %shift_right_logical3A_320 = arith.constant 4 : i32
      %shift_right_logical3A_321 = arith.shrui %add3A_214, %shift_right_logical3A_320 : i32
      %and3A_322 = arith.constant 15 : i32
      %and3A_323 = arith.andi %add3A_214, %and3A_322 : i32
      %lt3A_324 = arith.constant 0 : i32
      %lt3A_325 = vector.broadcast %lt3A_324 : i32 to vector<16xi32>
      %lt3A_326 = arith.cmpi slt, %scan3A_295#0, %lt3A_325 : vector<16xi32>
      %xor3A_327 = arith.constant -2147483648 : i32
      %xor3A_328 = vector.broadcast %xor3A_327 : i32 to vector<16xi32>
      %xor3A_329 = arith.xori %scan3A_295#0, %xor3A_328 : vector<16xi32>
      %not3A_330 = arith.constant dense<-1> : vector<16xi32>
      %not3A_331 = arith.xori %scan3A_295#0, %not3A_330 : vector<16xi32>
      %select_n3A_332 = arith.select %lt3A_326, %xor3A_329, %not3A_331 : vector<16xi1>, vector<16xi32>
      %bitcast3A_333 = vector.bitcast %select_n3A_332 : vector<16xi32> to vector<16xf32>
      %mul3A_334 = arith.constant 16 : i32
      %mul3A_335 = arith.muli %shift_right_logical3A_321, %mul3A_334 : i32
      %get3A_336 = arith.index_cast %mul3A_335 : i32 to index
      %get3A_337 = tpu.vector_load %arg9[%get3A_336] {strides = array<i32>} : memref<128xf32, #tpu.memory_space<vmem>>, vector<16xf32>,
      %eq3A_338 = vector.broadcast %and3A_323 : i32 to vector<16xi32>
      %eq3A_339 = arith.cmpi eq, %iota3A, %eq3A_338 : vector<16xi32>
      %select_n3A_340 = arith.select %eq3A_339, %bitcast3A_333, %get3A_337 : vector<16xi1>, vector<16xf32>
      %mul3A_341 = arith.constant 16 : i32
      %mul3A_342 = arith.muli %shift_right_logical3A_321, %mul3A_341 : i32
      %swap3A_343 = arith.index_cast %mul3A_342 : i32 to index
      %swap3A_344 = tpu.vector_load %arg9[%swap3A_343] {strides = array<i32>} : memref<128xf32, #tpu.memory_space<vmem>>, vector<16xf32>,
      tpu.vector_store %arg9[%swap3A_343], %select_n3A_340 {strides = array<i32>} : memref<128xf32, #tpu.memory_space<vmem>>, vector<16xf32>,
      %lt3A_345 = arith.constant 0 : i32
      %lt3A_346 = vector.broadcast %lt3A_345 : i32 to vector<16xi32>
      %lt3A_347 = arith.cmpi slt, %scan3A_318#0, %lt3A_346 : vector<16xi32>
      %xor3A_348 = arith.constant -2147483648 : i32
      %xor3A_349 = vector.broadcast %xor3A_348 : i32 to vector<16xi32>
      %xor3A_350 = arith.xori %scan3A_318#0, %xor3A_349 : vector<16xi32>
      %not3A_351 = arith.constant dense<-1> : vector<16xi32>
      %not3A_352 = arith.xori %scan3A_318#0, %not3A_351 : vector<16xi32>
      %select_n3A_353 = arith.select %lt3A_347, %xor3A_350, %not3A_352 : vector<16xi1>, vector<16xi32>
      %bitcast3A_354 = vector.bitcast %select_n3A_353 : vector<16xi32> to vector<16xf32>
      %mul3A_355 = arith.constant 16 : i32
      %mul3A_356 = arith.muli %shift_right_logical3A_321, %mul3A_355 : i32
      %get3A_357 = arith.index_cast %mul3A_356 : i32 to index
      %get3A_358 = tpu.vector_load %arg10[%get3A_357] {strides = array<i32>} : memref<128xf32, #tpu.memory_space<vmem>>, vector<16xf32>,
      %eq3A_359 = vector.broadcast %and3A_323 : i32 to vector<16xi32>
      %eq3A_360 = arith.cmpi eq, %iota3A, %eq3A_359 : vector<16xi32>
      %select_n3A_361 = arith.select %eq3A_360, %bitcast3A_354, %get3A_358 : vector<16xi1>, vector<16xf32>
      %mul3A_362 = arith.constant 16 : i32
      %mul3A_363 = arith.muli %shift_right_logical3A_321, %mul3A_362 : i32
      %swap3A_364 = arith.index_cast %mul3A_363 : i32 to index
      %swap3A_365 = tpu.vector_load %arg10[%swap3A_364] {strides = array<i32>} : memref<128xf32, #tpu.memory_space<vmem>>, vector<16xf32>,
      tpu.vector_store %arg10[%swap3A_364], %select_n3A_361 {strides = array<i32>} : memref<128xf32, #tpu.memory_space<vmem>>, vector<16xf32>,
      %scan3A_366 = arith.constant 0 : i32
      scf.yield %scan3A_366 : i32
    }
    %scan3A_25 = arith.constant 64 : i32
    %add3A_26 = arith.constant 127 : i32
    %add3A_27 = arith.addi %mul3A_2, %add3A_26 : i32
    %dma_wait3A = arith.constant 0 : i32
    %dma_wait3A_28 = tpu.memref_slice %arg2[%add3A_27, %dma_wait3A] : memref<4096x32768xf32, #tpu.memory_space<hbm>> -> memref<1x32768xf32, #tpu.memory_space<hbm>>
    %dma_wait3A_29 = tpu.memref_squeeze %dma_wait3A_28 : memref<1x32768xf32, #tpu.memory_space<hbm>> -> memref<32768xf32, #tpu.memory_space<hbm>>
    %dma_wait3A_30 = arith.constant 0 : i32
    %dma_wait3A_31 = tpu.memref_slice %arg2[%add3A_27, %dma_wait3A_30] : memref<4096x32768xf32, #tpu.memory_space<hbm>> -> memref<1x32768xf32, #tpu.memory_space<hbm>>
    %dma_wait3A_32 = tpu.memref_squeeze %dma_wait3A_31 : memref<1x32768xf32, #tpu.memory_space<hbm>> -> memref<32768xf32, #tpu.memory_space<hbm>>
    tpu.wait_dma2 semaphore(%arg11 : memref<!tpu.dma_semaphore, #tpu.memory_space<semaphore_mem>>) src(%dma_wait3A_32 : memref<32768xf32, #tpu.memory_space<hbm>>) dst(%arg5 : memref<32768xf32, #tpu.memory_space<vmem>>)
    "tpu.region"() ({
      %run_scoped3A = tpu.sem_alloc : memref<!tpu.dma_semaphore, #tpu.memory_space<semaphore_mem>>
      %dma_start3A_33 = tpu.memref_slice %arg3[%mul3A_2] : memref<4096xf32, #tpu.memory_space<hbm>> -> memref<128xf32, #tpu.memory_space<hbm>>
      %dma_start3A_34 = tpu.memref_slice %arg3[%mul3A_2] : memref<4096xf32, #tpu.memory_space<hbm>> -> memref<128xf32, #tpu.memory_space<hbm>>
      tpu.enqueue_dma source(%arg9 : memref<128xf32, #tpu.memory_space<vmem>>) target(%dma_start3A_34 : memref<128xf32, #tpu.memory_space<hbm>>) target_semaphore(%run_scoped3A : memref<!tpu.dma_semaphore, #tpu.memory_space<semaphore_mem>>)
      %dma_wait3A_35 = tpu.memref_slice %arg3[%mul3A_2] : memref<4096xf32, #tpu.memory_space<hbm>> -> memref<128xf32, #tpu.memory_space<hbm>>
      %dma_wait3A_36 = tpu.memref_slice %arg3[%mul3A_2] : memref<4096xf32, #tpu.memory_space<hbm>> -> memref<128xf32, #tpu.memory_space<hbm>>
      tpu.wait_dma2 semaphore(%run_scoped3A : memref<!tpu.dma_semaphore, #tpu.memory_space<semaphore_mem>>) src(%arg9 : memref<128xf32, #tpu.memory_space<vmem>>) dst(%dma_wait3A_36 : memref<128xf32, #tpu.memory_space<hbm>>)
      tpu.yield
    }) : () -> ()
    "tpu.region"() ({
      %run_scoped3A = tpu.sem_alloc : memref<!tpu.dma_semaphore, #tpu.memory_space<semaphore_mem>>
      %dma_start3A_33 = tpu.memref_slice %arg4[%mul3A_2] : memref<4096xf32, #tpu.memory_space<hbm>> -> memref<128xf32, #tpu.memory_space<hbm>>
      %dma_start3A_34 = tpu.memref_slice %arg4[%mul3A_2] : memref<4096xf32, #tpu.memory_space<hbm>> -> memref<128xf32, #tpu.memory_space<hbm>>
      tpu.enqueue_dma source(%arg10 : memref<128xf32, #tpu.memory_space<vmem>>) target(%dma_start3A_34 : memref<128xf32, #tpu.memory_space<hbm>>) target_semaphore(%run_scoped3A : memref<!tpu.dma_semaphore, #tpu.memory_space<semaphore_mem>>)
      %dma_wait3A_35 = tpu.memref_slice %arg4[%mul3A_2] : memref<4096xf32, #tpu.memory_space<hbm>> -> memref<128xf32, #tpu.memory_space<hbm>>
      %dma_wait3A_36 = tpu.memref_slice %arg4[%mul3A_2] : memref<4096xf32, #tpu.memory_space<hbm>> -> memref<128xf32, #tpu.memory_space<hbm>>
      tpu.wait_dma2 semaphore(%run_scoped3A : memref<!tpu.dma_semaphore, #tpu.memory_space<semaphore_mem>>) src(%arg10 : memref<128xf32, #tpu.memory_space<vmem>>) dst(%dma_wait3A_36 : memref<128xf32, #tpu.memory_space<hbm>>)
      tpu.yield
    }) : () -> ()
    return
  }
}

module attributes {stable_mosaic.version = 14 : i64} {
  func.func @_encoder_body(%arg0: i32, %arg1: i32, %arg2: memref<1024x1024xf32, #tpu.memory_space<vmem>>, %arg3: memref<1024x512xf32, #tpu.memory_space<vmem>>, %arg4: memref<1x512xf32, #tpu.memory_space<vmem>>, %arg5: memref<1024x512xf32, #tpu.memory_space<vmem>>, %arg6: memref<1024x1xf32, #tpu.memory_space<vmem>>, %arg7: memref<1024x1xf32, #tpu.memory_space<vmem>>, %arg8: memref<1024x1xf32, #tpu.memory_space<vmem>>, %arg9: memref<1024x1024xf32, #tpu.memory_space<vmem>>) attributes {dimension_semantics = [#tpu.dimension_semantics<arbitrary>, #tpu.dimension_semantics<arbitrary>], iteration_bounds = array<i64: 4, 64>, scalar_prefetch = 0 : i64, scratch_operands = 1 : i64, tpu.core_type = #tpu.core_type<tc>, window_params = [{transform_indices = @transform_0, window_bounds = array<i64: 1024, 1024>}, {transform_indices = @transform_1, window_bounds = array<i64: 1024, 512>}, {transform_indices = @transform_2, window_bounds = array<i64: 1, 512>}, {transform_indices = @transform_3, window_bounds = array<i64: 1024, 512>}, {transform_indices = @transform_4, window_bounds = array<i64: 1024, 1>}, {transform_indices = @transform_5, window_bounds = array<i64: 1024, 1>}, {transform_indices = @transform_6, window_bounds = array<i64: 1024, 1>}]} {
    %eq3A = arith.constant 0 : i32
    %eq3A_0 = arith.cmpi eq, %arg1, %eq3A : i32
    %convert_element_type3A = arith.extui %eq3A_0 : i1 to i32
    %cond3A = arith.constant 0 : i32
    %cond3A_1 = arith.cmpi ne, %convert_element_type3A, %cond3A : i32
    scf.if %cond3A_1 {
      %get3A_26 = arith.constant 0 : index
      %get3A_27 = arith.constant 0 : index
      %get3A_28 = vector.load %arg2[%get3A_26, %get3A_27] : memref<1024x1024xf32, #tpu.memory_space<vmem>>, vector<1024x1024xf32>
      %reduce_sum3A_29 = arith.constant dense<0.000000e+00> : vector<1024xf32>
      %reduce_sum3A_30 = vector.multi_reduction <add>, %get3A_28, %reduce_sum3A_29 [1] : vector<1024x1024xf32> to vector<1024xf32>
      %broadcast_in_dim3A_31 = vector.shape_cast %reduce_sum3A_30 : vector<1024xf32> to vector<1024x1xf32>
      %div3A = arith.constant 1.024000e+03 : f32
      %div3A_32 = vector.broadcast %div3A : f32 to vector<1024x1xf32>
      %div3A_33 = arith.divf %broadcast_in_dim3A_31, %div3A_32 : vector<1024x1xf32>
      %sub3A = vector.broadcast %div3A_33 : vector<1024x1xf32> to vector<1024x1024xf32>
      %sub3A_34 = arith.subf %get3A_28, %sub3A : vector<1024x1024xf32>
      %reduce_sum3A_35 = arith.constant dense<0.000000e+00> : vector<1024xf32>
      %reduce_sum3A_36 = vector.multi_reduction <add>, %sub3A_34, %reduce_sum3A_35 [1] : vector<1024x1024xf32> to vector<1024xf32>
      %broadcast_in_dim3A_37 = vector.shape_cast %reduce_sum3A_36 : vector<1024xf32> to vector<1024x1xf32>
      %div3A_38 = arith.constant 1.024000e+03 : f32
      %div3A_39 = vector.broadcast %div3A_38 : f32 to vector<1024x1xf32>
      %div3A_40 = arith.divf %broadcast_in_dim3A_37, %div3A_39 : vector<1024x1xf32>
      %sub3A_41 = vector.broadcast %div3A_40 : vector<1024x1xf32> to vector<1024x1024xf32>
      %sub3A_42 = arith.subf %sub3A_34, %sub3A_41 : vector<1024x1024xf32>
      %sub3A_43 = vector.broadcast %div3A_40 : vector<1024x1xf32> to vector<1024x1024xf32>
      %sub3A_44 = arith.subf %sub3A_34, %sub3A_43 : vector<1024x1024xf32>
      %mul3A = arith.mulf %sub3A_42, %sub3A_44 : vector<1024x1024xf32>
      %reduce_sum3A_45 = arith.constant dense<0.000000e+00> : vector<1024xf32>
      %reduce_sum3A_46 = vector.multi_reduction <add>, %mul3A, %reduce_sum3A_45 [1] : vector<1024x1024xf32> to vector<1024xf32>
      %broadcast_in_dim3A_47 = vector.shape_cast %reduce_sum3A_46 : vector<1024xf32> to vector<1024x1xf32>
      %div3A_48 = arith.constant 1.023000e+03 : f32
      %div3A_49 = vector.broadcast %div3A_48 : f32 to vector<1024x1xf32>
      %div3A_50 = arith.divf %broadcast_in_dim3A_47, %div3A_49 : vector<1024x1xf32>
      %sqrt3A = math.sqrt %div3A_50 : vector<1024x1xf32>
      %add3A_51 = arith.constant 9.99999974E-6 : f32
      %add3A_52 = vector.broadcast %add3A_51 : f32 to vector<1024x1xf32>
      %add3A_53 = arith.addf %sqrt3A, %add3A_52 : vector<1024x1xf32>
      %div3A_54 = vector.broadcast %add3A_53 : vector<1024x1xf32> to vector<1024x1024xf32>
      %div3A_55 = arith.divf %sub3A_34, %div3A_54 : vector<1024x1024xf32>
      %swap3A_56 = arith.constant 0 : index
      %swap3A_57 = arith.constant 0 : index
      %swap3A_58 = vector.load %arg9[%swap3A_56, %swap3A_57] : memref<1024x1024xf32, #tpu.memory_space<vmem>>, vector<1024x1024xf32>
      tpu.vector_store %arg9[%swap3A_56, %swap3A_57], %div3A_55 {strides = array<i32>} : memref<1024x1024xf32, #tpu.memory_space<vmem>>, vector<1024x1024xf32>,
      %swap3A_59 = arith.constant 0 : index
      %swap3A_60 = arith.constant 0 : index
      %swap3A_61 = vector.load %arg6[%swap3A_59, %swap3A_60] : memref<1024x1xf32, #tpu.memory_space<vmem>>, vector<1024x1xf32>
      tpu.vector_store %arg6[%swap3A_59, %swap3A_60], %div3A_33 {strides = array<i32>} : memref<1024x1xf32, #tpu.memory_space<vmem>>, vector<1024x1xf32>,
      %swap3A_62 = arith.constant 0 : index
      %swap3A_63 = arith.constant 0 : index
      %swap3A_64 = vector.load %arg7[%swap3A_62, %swap3A_63] : memref<1024x1xf32, #tpu.memory_space<vmem>>, vector<1024x1xf32>
      tpu.vector_store %arg7[%swap3A_62, %swap3A_63], %sqrt3A {strides = array<i32>} : memref<1024x1xf32, #tpu.memory_space<vmem>>, vector<1024x1xf32>,
      %broadcast_in_dim3A_65 = arith.constant 0.000000e+00 : f32
      %broadcast_in_dim3A_66 = vector.broadcast %broadcast_in_dim3A_65 : f32 to vector<1024x1xf32>
      %swap3A_67 = arith.constant 0 : index
      %swap3A_68 = arith.constant 0 : index
      %swap3A_69 = vector.load %arg8[%swap3A_67, %swap3A_68] : memref<1024x1xf32, #tpu.memory_space<vmem>>, vector<1024x1xf32>
      tpu.vector_store %arg8[%swap3A_67, %swap3A_68], %broadcast_in_dim3A_66 {strides = array<i32>} : memref<1024x1xf32, #tpu.memory_space<vmem>>, vector<1024x1xf32>,
    } else {
    }
    %get3A = arith.constant 0 : index
    %get3A_2 = arith.constant 0 : index
    %get3A_3 = vector.load %arg9[%get3A, %get3A_2] : memref<1024x1024xf32, #tpu.memory_space<vmem>>, vector<1024x1024xf32>
    %get3A_4 = arith.constant 0 : index
    %get3A_5 = arith.constant 0 : index
    %get3A_6 = vector.load %arg3[%get3A_4, %get3A_5] : memref<1024x512xf32, #tpu.memory_space<vmem>>, vector<1024x512xf32>
    %dot_general3A = arith.constant dense<0.000000e+00> : vector<1024x512xf32>
    %dot_general3A_7 = tpu.matmul %get3A_3, %get3A_6, %dot_general3A {dimension_numbers = #tpu.dot_dimension_numbers<[1], [0], [0], [1], [0, 0, 1, 1], [], []>, transpose_lhs_hint = false} : vector<1024x1024xf32>, vector<1024x512xf32>, vector<1024x512xf32> -> vector<1024x512xf32>
    %get3A_8 = arith.constant 0 : index
    %get3A_9 = arith.constant 0 : index
    %get3A_10 = vector.load %arg4[%get3A_8, %get3A_9] : memref<1x512xf32, #tpu.memory_space<vmem>>, vector<1x512xf32>
    %add3A = vector.broadcast %get3A_10 : vector<1x512xf32> to vector<1024x512xf32>
    %add3A_11 = arith.addf %dot_general3A_7, %add3A : vector<1024x512xf32>
    %swap3A = arith.constant 0 : index
    %swap3A_12 = arith.constant 0 : index
    %swap3A_13 = vector.load %arg5[%swap3A, %swap3A_12] : memref<1024x512xf32, #tpu.memory_space<vmem>>, vector<1024x512xf32>
    tpu.vector_store %arg5[%swap3A, %swap3A_12], %add3A_11 {strides = array<i32>} : memref<1024x512xf32, #tpu.memory_space<vmem>>, vector<1024x512xf32>,
    %get3A_14 = arith.constant 0 : index
    %get3A_15 = arith.constant 0 : index
    %get3A_16 = vector.load %arg8[%get3A_14, %get3A_15] : memref<1024x1xf32, #tpu.memory_space<vmem>>, vector<1024x1xf32>
    %ne3A = arith.constant 0.000000e+00 : f32
    %ne3A_17 = vector.broadcast %ne3A : f32 to vector<1024x512xf32>
    %ne3A_18 = arith.cmpf one, %add3A_11, %ne3A_17 : vector<1024x512xf32>
    %convert_element_type3A_19 = arith.extui %ne3A_18 : vector<1024x512xi1> to vector<1024x512xi32>
    %convert_element_type3A_20 = arith.sitofp %convert_element_type3A_19 : vector<1024x512xi32> to vector<1024x512xf32>
    %reduce_sum3A = arith.constant dense<0.000000e+00> : vector<1024xf32>
    %reduce_sum3A_21 = vector.multi_reduction <add>, %convert_element_type3A_20, %reduce_sum3A [1] : vector<1024x512xf32> to vector<1024xf32>
    %broadcast_in_dim3A = vector.shape_cast %reduce_sum3A_21 : vector<1024xf32> to vector<1024x1xf32>
    %add3A_22 = arith.addf %get3A_16, %broadcast_in_dim3A : vector<1024x1xf32>
    %swap3A_23 = arith.constant 0 : index
    %swap3A_24 = arith.constant 0 : index
    %swap3A_25 = vector.load %arg8[%swap3A_23, %swap3A_24] : memref<1024x1xf32, #tpu.memory_space<vmem>>, vector<1024x1xf32>
    tpu.vector_store %arg8[%swap3A_23, %swap3A_24], %add3A_22 {strides = array<i32>} : memref<1024x1xf32, #tpu.memory_space<vmem>>, vector<1024x1xf32>,
    return
  }
  func.func @transform_0(%arg0: i32, %arg1: i32) -> (i32, i32) {
    %c0_i32 = arith.constant 0 : i32
    %c0_i32_0 = arith.constant 0 : i32
    return %arg0, %c0_i32 : i32, i32
  }
  func.func @transform_1(%arg0: i32, %arg1: i32) -> (i32, i32) {
    %c0_i32 = arith.constant 0 : i32
    %c0_i32_0 = arith.constant 0 : i32
    return %c0_i32, %arg1 : i32, i32
  }
  func.func @transform_2(%arg0: i32, %arg1: i32) -> (i32, i32) {
    %c0_i32 = arith.constant 0 : i32
    %c0_i32_0 = arith.constant 0 : i32
    return %c0_i32, %arg1 : i32, i32
  }
  func.func @transform_3(%arg0: i32, %arg1: i32) -> (i32, i32) {
    %c0_i32 = arith.constant 0 : i32
    return %arg0, %arg1 : i32, i32
  }
  func.func @transform_4(%arg0: i32, %arg1: i32) -> (i32, i32) {
    %c0_i32 = arith.constant 0 : i32
    %c0_i32_0 = arith.constant 0 : i32
    return %arg0, %c0_i32 : i32, i32
  }
  func.func @transform_5(%arg0: i32, %arg1: i32) -> (i32, i32) {
    %c0_i32 = arith.constant 0 : i32
    %c0_i32_0 = arith.constant 0 : i32
    return %arg0, %c0_i32 : i32, i32
  }
  func.func @transform_6(%arg0: i32, %arg1: i32) -> (i32, i32) {
    %c0_i32 = arith.constant 0 : i32
    %c0_i32_0 = arith.constant 0 : i32
    return %arg0, %c0_i32 : i32, i32
  }
}

module attributes {stable_mosaic.version = 14 : i64} {
  func.func @_decode_body(%arg0: i32, %arg1: i32, %arg2: memref<1024x512xf32, #tpu.memory_space<vmem>>, %arg3: memref<512x2048xbf16, #tpu.memory_space<vmem>>, %arg4: memref<1x2048xf32, #tpu.memory_space<vmem>>, %arg5: memref<1024x1xf32, #tpu.memory_space<vmem>>, %arg6: memref<1024x1xf32, #tpu.memory_space<vmem>>, %arg7: memref<1024x1xf32, #tpu.memory_space<vmem>>, %arg8: memref<1024x1xf32, #tpu.memory_space<vmem>>, %arg9: memref<1024x512xf32, #tpu.memory_space<vmem>>, %arg10: memref<1024x2048xf32, #tpu.memory_space<vmem>>, %arg11: memref<1024x2048xf32, #tpu.memory_space<vmem>>) attributes {dimension_semantics = [#tpu.dimension_semantics<arbitrary>, #tpu.dimension_semantics<arbitrary>], iteration_bounds = array<i64: 4, 64>, scalar_prefetch = 0 : i64, scratch_operands = 0 : i64, tpu.core_type = #tpu.core_type<tc>, window_params = [{transform_indices = @transform_0, window_bounds = array<i64: 1024, 512>}, {transform_indices = @transform_1, window_bounds = array<i64: 512, 2048>}, {pipeline_mode = #tpu.pipeline_mode<synchronous>, transform_indices = @transform_2, window_bounds = array<i64: 1, 2048>}, {transform_indices = @transform_3, window_bounds = array<i64: 1024, 1>}, {transform_indices = @transform_4, window_bounds = array<i64: 1024, 1>}, {transform_indices = @transform_5, window_bounds = array<i64: 1024, 1>}, {transform_indices = @transform_6, window_bounds = array<i64: 1024, 1>}, {transform_indices = @transform_7, window_bounds = array<i64: 1024, 512>}, {transform_indices = @transform_8, window_bounds = array<i64: 1024, 2048>}, {transform_indices = @transform_9, window_bounds = array<i64: 1024, 2048>}]} {
    %get3A = arith.constant 0 : index
    %get3A_0 = arith.constant 0 : index
    %get3A_1 = vector.load %arg2[%get3A, %get3A_0] : memref<1024x512xf32, #tpu.memory_space<vmem>>, vector<1024x512xf32>
    %max3A = arith.constant 0.000000e+00 : f32
    %max3A_2 = vector.broadcast %max3A : f32 to vector<1024x512xf32>
    %max3A_3 = arith.maximumf %get3A_1, %max3A_2 : vector<1024x512xf32>
    %get3A_4 = arith.constant 0 : index
    %get3A_5 = arith.constant 0 : index
    %get3A_6 = vector.load %arg5[%get3A_4, %get3A_5] : memref<1024x1xf32, #tpu.memory_space<vmem>>, vector<1024x1xf32>
    %ge3A = vector.broadcast %get3A_6 : vector<1024x1xf32> to vector<1024x512xf32>
    %ge3A_7 = arith.cmpf oge, %get3A_1, %ge3A : vector<1024x512xf32>
    %jit3A = arith.constant 0.000000e+00 : f32
    %broadcast_in_dim3A = vector.broadcast %jit3A : f32 to vector<1024x512xf32>
    %select_n3A = arith.select %ge3A_7, %max3A_3, %broadcast_in_dim3A : vector<1024x512xi1>, vector<1024x512xf32>
    %get3A_8 = arith.constant 0 : index
    %get3A_9 = arith.constant 0 : index
    %get3A_10 = vector.load %arg6[%get3A_8, %get3A_9] : memref<1024x1xf32, #tpu.memory_space<vmem>>, vector<1024x1xf32>
    %ge3A_11 = vector.broadcast %get3A_10 : vector<1024x1xf32> to vector<1024x512xf32>
    %ge3A_12 = arith.cmpf oge, %get3A_1, %ge3A_11 : vector<1024x512xf32>
    %jit3A_13 = arith.constant 0.000000e+00 : f32
    %broadcast_in_dim3A_14 = vector.broadcast %jit3A_13 : f32 to vector<1024x512xf32>
    %select_n3A_15 = arith.select %ge3A_12, %max3A_3, %broadcast_in_dim3A_14 : vector<1024x512xi1>, vector<1024x512xf32>
    %swap3A = arith.constant 0 : index
    %swap3A_16 = arith.constant 0 : index
    %swap3A_17 = vector.load %arg9[%swap3A, %swap3A_16] : memref<1024x512xf32, #tpu.memory_space<vmem>>, vector<1024x512xf32>
    tpu.vector_store %arg9[%swap3A, %swap3A_16], %select_n3A {strides = array<i32>} : memref<1024x512xf32, #tpu.memory_space<vmem>>, vector<1024x512xf32>,
    %eq3A = arith.constant 0 : i32
    %eq3A_18 = arith.cmpi eq, %arg1, %eq3A : i32
    %convert_element_type3A = arith.extui %eq3A_18 : i1 to i32
    %cond3A = arith.constant 0 : i32
    %cond3A_19 = arith.cmpi ne, %convert_element_type3A, %cond3A : i32
    scf.if %cond3A_19 {
      %broadcast_in_dim3A_46 = arith.constant 0.000000e+00 : f32
      %broadcast_in_dim3A_47 = vector.broadcast %broadcast_in_dim3A_46 : f32 to vector<1024x2048xf32>
      %swap3A_48 = arith.constant 0 : index
      %swap3A_49 = arith.constant 0 : index
      %swap3A_50 = vector.load %arg10[%swap3A_48, %swap3A_49] : memref<1024x2048xf32, #tpu.memory_space<vmem>>, vector<1024x2048xf32>
      tpu.vector_store %arg10[%swap3A_48, %swap3A_49], %broadcast_in_dim3A_47 {strides = array<i32>} : memref<1024x2048xf32, #tpu.memory_space<vmem>>, vector<1024x2048xf32>,
      %broadcast_in_dim3A_51 = arith.constant 0.000000e+00 : f32
      %broadcast_in_dim3A_52 = vector.broadcast %broadcast_in_dim3A_51 : f32 to vector<1024x2048xf32>
      %swap3A_53 = arith.constant 0 : index
      %swap3A_54 = arith.constant 0 : index
      %swap3A_55 = vector.load %arg11[%swap3A_53, %swap3A_54] : memref<1024x2048xf32, #tpu.memory_space<vmem>>, vector<1024x2048xf32>
      tpu.vector_store %arg11[%swap3A_53, %swap3A_54], %broadcast_in_dim3A_52 {strides = array<i32>} : memref<1024x2048xf32, #tpu.memory_space<vmem>>, vector<1024x2048xf32>,
    } else {
    }
    %get3A_20 = arith.constant 0 : index
    %get3A_21 = arith.constant 0 : index
    %get3A_22 = vector.load %arg3[%get3A_20, %get3A_21] : memref<512x2048xbf16, #tpu.memory_space<vmem>>, vector<512x2048xbf16>
    %get3A_23 = arith.constant 0 : index
    %get3A_24 = arith.constant 0 : index
    %get3A_25 = vector.load %arg10[%get3A_23, %get3A_24] : memref<1024x2048xf32, #tpu.memory_space<vmem>>, vector<1024x2048xf32>
    %convert_element_type3A_26 = arith.truncf %select_n3A : vector<1024x512xf32> to vector<1024x512xbf16>
    %dot_general3A = arith.constant dense<0.000000e+00> : vector<1024x2048xf32>
    %dot_general3A_27 = tpu.matmul %convert_element_type3A_26, %get3A_22, %dot_general3A {dimension_numbers = #tpu.dot_dimension_numbers<[1], [0], [0], [1], [0, 0, 1, 1], [], []>, transpose_lhs_hint = false} : vector<1024x512xbf16>, vector<512x2048xbf16>, vector<1024x2048xf32> -> vector<1024x2048xf32>
    %add3A = arith.addf %get3A_25, %dot_general3A_27 : vector<1024x2048xf32>
    %swap3A_28 = arith.constant 0 : index
    %swap3A_29 = arith.constant 0 : index
    %swap3A_30 = vector.load %arg10[%swap3A_28, %swap3A_29] : memref<1024x2048xf32, #tpu.memory_space<vmem>>, vector<1024x2048xf32>
    tpu.vector_store %arg10[%swap3A_28, %swap3A_29], %add3A {strides = array<i32>} : memref<1024x2048xf32, #tpu.memory_space<vmem>>, vector<1024x2048xf32>,
    %get3A_31 = arith.constant 0 : index
    %get3A_32 = arith.constant 0 : index
    %get3A_33 = vector.load %arg11[%get3A_31, %get3A_32] : memref<1024x2048xf32, #tpu.memory_space<vmem>>, vector<1024x2048xf32>
    %convert_element_type3A_34 = arith.truncf %select_n3A_15 : vector<1024x512xf32> to vector<1024x512xbf16>
    %dot_general3A_35 = arith.constant dense<0.000000e+00> : vector<1024x2048xf32>
    %dot_general3A_36 = tpu.matmul %convert_element_type3A_34, %get3A_22, %dot_general3A_35 {dimension_numbers = #tpu.dot_dimension_numbers<[1], [0], [0], [1], [0, 0, 1, 1], [], []>, transpose_lhs_hint = false} : vector<1024x512xbf16>, vector<512x2048xbf16>, vector<1024x2048xf32> -> vector<1024x2048xf32>
    %add3A_37 = arith.addf %get3A_33, %dot_general3A_36 : vector<1024x2048xf32>
    %swap3A_38 = arith.constant 0 : index
    %swap3A_39 = arith.constant 0 : index
    %swap3A_40 = vector.load %arg11[%swap3A_38, %swap3A_39] : memref<1024x2048xf32, #tpu.memory_space<vmem>>, vector<1024x2048xf32>
    tpu.vector_store %arg11[%swap3A_38, %swap3A_39], %add3A_37 {strides = array<i32>} : memref<1024x2048xf32, #tpu.memory_space<vmem>>, vector<1024x2048xf32>,
    %eq3A_41 = arith.constant 63 : i32
    %eq3A_42 = arith.cmpi eq, %arg1, %eq3A_41 : i32
    %convert_element_type3A_43 = arith.extui %eq3A_42 : i1 to i32
    %cond3A_44 = arith.constant 0 : i32
    %cond3A_45 = arith.cmpi ne, %convert_element_type3A_43, %cond3A_44 : i32
    scf.if %cond3A_45 {
      %get3A_46 = arith.constant 0 : index
      %get3A_47 = arith.constant 0 : index
      %get3A_48 = vector.load %arg8[%get3A_46, %get3A_47] : memref<1024x1xf32, #tpu.memory_space<vmem>>, vector<1024x1xf32>
      %get3A_49 = arith.constant 0 : index
      %get3A_50 = arith.constant 0 : index
      %get3A_51 = vector.load %arg7[%get3A_49, %get3A_50] : memref<1024x1xf32, #tpu.memory_space<vmem>>, vector<1024x1xf32>
      %get3A_52 = arith.constant 0 : index
      %get3A_53 = arith.constant 0 : index
      %get3A_54 = vector.load %arg4[%get3A_52, %get3A_53] : memref<1x2048xf32, #tpu.memory_space<vmem>>, vector<1x2048xf32>
      %get3A_55 = arith.constant 0 : index
      %get3A_56 = arith.constant 0 : index
      %get3A_57 = vector.load %arg10[%get3A_55, %get3A_56] : memref<1024x2048xf32, #tpu.memory_space<vmem>>, vector<1024x2048xf32>
      %add3A_58 = vector.broadcast %get3A_54 : vector<1x2048xf32> to vector<1024x2048xf32>
      %add3A_59 = arith.addf %get3A_57, %add3A_58 : vector<1024x2048xf32>
      %mul3A = vector.broadcast %get3A_48 : vector<1024x1xf32> to vector<1024x2048xf32>
      %mul3A_60 = arith.mulf %add3A_59, %mul3A : vector<1024x2048xf32>
      %add3A_61 = vector.broadcast %get3A_51 : vector<1024x1xf32> to vector<1024x2048xf32>
      %add3A_62 = arith.addf %mul3A_60, %add3A_61 : vector<1024x2048xf32>
      %swap3A_63 = arith.constant 0 : index
      %swap3A_64 = arith.constant 0 : index
      %swap3A_65 = vector.load %arg10[%swap3A_63, %swap3A_64] : memref<1024x2048xf32, #tpu.memory_space<vmem>>, vector<1024x2048xf32>
      tpu.vector_store %arg10[%swap3A_63, %swap3A_64], %add3A_62 {strides = array<i32>} : memref<1024x2048xf32, #tpu.memory_space<vmem>>, vector<1024x2048xf32>,
      %get3A_66 = arith.constant 0 : index
      %get3A_67 = arith.constant 0 : index
      %get3A_68 = vector.load %arg11[%get3A_66, %get3A_67] : memref<1024x2048xf32, #tpu.memory_space<vmem>>, vector<1024x2048xf32>
      %add3A_69 = vector.broadcast %get3A_54 : vector<1x2048xf32> to vector<1024x2048xf32>
      %add3A_70 = arith.addf %get3A_68, %add3A_69 : vector<1024x2048xf32>
      %mul3A_71 = vector.broadcast %get3A_48 : vector<1024x1xf32> to vector<1024x2048xf32>
      %mul3A_72 = arith.mulf %add3A_70, %mul3A_71 : vector<1024x2048xf32>
      %add3A_73 = vector.broadcast %get3A_51 : vector<1024x1xf32> to vector<1024x2048xf32>
      %add3A_74 = arith.addf %mul3A_72, %add3A_73 : vector<1024x2048xf32>
      %swap3A_75 = arith.constant 0 : index
      %swap3A_76 = arith.constant 0 : index
      %swap3A_77 = vector.load %arg11[%swap3A_75, %swap3A_76] : memref<1024x2048xf32, #tpu.memory_space<vmem>>, vector<1024x2048xf32>
      tpu.vector_store %arg11[%swap3A_75, %swap3A_76], %add3A_74 {strides = array<i32>} : memref<1024x2048xf32, #tpu.memory_space<vmem>>, vector<1024x2048xf32>,
    } else {
    }
    return
  }
  func.func @transform_0(%arg0: i32, %arg1: i32) -> (i32, i32) {
    %c0_i32 = arith.constant 0 : i32
    return %arg0, %arg1 : i32, i32
  }
  func.func @transform_1(%arg0: i32, %arg1: i32) -> (i32, i32) {
    %c0_i32 = arith.constant 0 : i32
    %c0_i32_0 = arith.constant 0 : i32
    return %arg1, %c0_i32 : i32, i32
  }
  func.func @transform_2(%arg0: i32, %arg1: i32) -> (i32, i32) {
    %c0_i32 = arith.constant 0 : i32
    %c0_i32_0 = arith.constant 0 : i32
    %c0_i32_1 = arith.constant 0 : i32
    return %c0_i32, %c0_i32_0 : i32, i32
  }
  func.func @transform_3(%arg0: i32, %arg1: i32) -> (i32, i32) {
    %c0_i32 = arith.constant 0 : i32
    %c0_i32_0 = arith.constant 0 : i32
    return %arg0, %c0_i32 : i32, i32
  }
  func.func @transform_4(%arg0: i32, %arg1: i32) -> (i32, i32) {
    %c0_i32 = arith.constant 0 : i32
    %c0_i32_0 = arith.constant 0 : i32
    return %arg0, %c0_i32 : i32, i32
  }
  func.func @transform_5(%arg0: i32, %arg1: i32) -> (i32, i32) {
    %c0_i32 = arith.constant 0 : i32
    %c0_i32_0 = arith.constant 0 : i32
    return %arg0, %c0_i32 : i32, i32
  }
  func.func @transform_6(%arg0: i32, %arg1: i32) -> (i32, i32) {
    %c0_i32 = arith.constant 0 : i32
    %c0_i32_0 = arith.constant 0 : i32
    return %arg0, %c0_i32 : i32, i32
  }
  func.func @transform_7(%arg0: i32, %arg1: i32) -> (i32, i32) {
    %c0_i32 = arith.constant 0 : i32
    return %arg0, %arg1 : i32, i32
  }
  func.func @transform_8(%arg0: i32, %arg1: i32) -> (i32, i32) {
    %c0_i32 = arith.constant 0 : i32
    %c0_i32_0 = arith.constant 0 : i32
    return %arg0, %c0_i32 : i32, i32
  }
  func.func @transform_9(%arg0: i32, %arg1: i32) -> (i32, i32) {
    %c0_i32 = arith.constant 0 : i32
    %c0_i32_0 = arith.constant 0 : i32
    return %arg0, %c0_i32 : i32, i32
  }
}

</mosaic_0001>

<sc_bundles>
// kernel: kernel.5.cloned.1.call-start
scs
__scs_entry_jumppad:
0x0: {  	(pc) =	sbr.rel $0x88, $3  }
0x1: {  	(tag) =	ssettag $0x0;
	lr =	simm.s32 $0x1  }
0x2: {  	[smem:$0x3F9C] =	sst lr;
	_ =	strace $0xD0000000  }
0x3: {  	_ = 	snop  }
0x4: {  	_ = 	snop  }
0x5: {  	_ = 	snop  }
0x6: {  	_ = 	snop  }
0x7: {  	_ = 	snop  }
__scs_overlays_trampoline_lowered:
0x8: {  	[smem:$0x3FAB] =	sst s0  }
0x9: {  	[smem:$0x3FAC] =	sst s1  }
0xa: {  	[smem:$0x3FAD] =	sst s2  }
0xb: {  	[smem:$0x3FAE] =	sst s3  }
0xc: {  	[smem:$0x3FAF] =	sst s4  }
0xd: {  	[smem:$0x3FB0] =	sst s5  }
0xe: {  	[smem:$0x3FB1] =	sst s6  }
0xf: {  	[smem:$0x3FB2] =	sst s7  }
0x10: {  	[smem:$0x3FB3] =	sst s8  }
0x11: {  	[smem:$0x3FB4] =	sst s9;
	s0 =	simm.s32 @!p0 $0x0  }
0x12: {  	s1 =	sld [smem:$0x3F9A];
	s0 =	simm.s32 @p0 $0x1  }
0x13: {  	[smem:$0x3FB5] =	sst s0;
	s0 =	simm.s32 @!p1 $0x0  }
0x14: {  	s2 =	sld [smem:$0x3F99];
	s0 =	simm.s32 @p1 $0x1  }
0x15: {  	[smem:$0x3FB6] =	sst s0;
	s0 =	simm.s32 @!p2 $0x0  }
0x16: {  	s3 =	sld [smem:$0x3FDB];
	s0 =	simm.s32 @p2 $0x1  }
0x17: {  	s4 =	simm.s32 $0x1BF5;
	[smem:$0x3FB8] =	sst s0  }
0x18: {  	s0 =	sld [smem:$0x3F9B];
	_ =	swait.ge [sflag:s4], $0x0  }
0x19: {  	s7 =	sld [smem:$0x3F9C]  }
0x1a: {  	s8 =	sadd.s32 $0xFFFFE003, lr  }
0x1b: {  	s9 =	sadd.s32 $0xFFFFFEF7, lr;
	s5 =	simm.s32 $0xFFFFFFFF;
	p2 =	slt.u32 s8, $0xFFFFF086  }
0x1c: {  	p1 =	slt.u32 s9, $0xF7A;
	s5 =	simm.s32 @!p2 $0x0  }
0x1d: {  	s5 =	simm.s32 @p1 $0x1;
	p0 =	seq.s32 s7, s2  }
0x1e: {  	s7 =	smul.u32 @!p0 $0xF7A, s2;
	p2 =	seq.s32 @!p0 s5, $0x0  }
0x1f: {  	s9 =	smul.u32 $0xF7A, s1;
	s8 =	simm.s32 @!p0 $0x1BF5;
	p2 =	por !p2, p0  }
0x20: {  	[sflag:s8] =	ssyncset.s32 @!p0 $0xFFFFF086;
	s6 =	sadd.s32 @!p0 s3, s7;
	s7 =	simm.s32 @!p0 $0x108  }
0x21: {  	s3 =	sadd.s32 s3, s9;
	s6 =	sadd.s32 @!p0 $0x88, s6;
	s7 =	simm.s32 @p2 $0x1082  }
0x22: {  	[simem:s7], [sflag:s8] =	dma.local @!p0 [hbm:s6], $0xF7A  }
0x23: {  	s9 =	sor.u32 $0xD0000000, s2;
	s6 =	simm.s32 $0x108;
	_ =	swait.ge @!p0 [sflag:s8], $0x0  }
0x24: {  	s3 =	sadd.s32 $0x88, s3;
	s6 =	simm.s32 @!p1 $0x1082;
	[sflag:s4] =	ssyncset.s32 $0xFFFFF086  }
0x25: {  	[simem:s6], [sflag:s4] =	dma.local [hbm:s3], $0xF7A  }
0x26: {  	[smem:$0x3F9C] =	sst s1;
	(tag) =	ssettag s2;
	_ =	strace s9  }
0x27: {  	s1 =	sld [smem:$0x3FAC]  }
0x28: {  	s2 =	sld [smem:$0x3FAD]  }
0x29: {  	s4 =	sld [smem:$0x3FAF]  }
0x2a: {  	p0 =	seq.s32 s5, $0x0;
	s5 =	sld [smem:$0x3FB0]  }
0x2b: {  	s6 =	sld [smem:$0x3FB1]  }
0x2c: {  	s7 =	sld [smem:$0x3FB2]  }
0x2d: {  	s3 =	simm.s32 $0x108;
	s8 =	sld [smem:$0x3FB3]  }
0x2e: {  	s3 =	simm.s32 @!p0 $0x1082;
	s9 =	sld [smem:$0x3FB4]  }
0x2f: {  	lr =	sadd.s32 s0, s3;
	s0 =	sld [smem:$0x3FAB]  }
0x30: {  	s3 =	sld [smem:$0x3FAE]  }
0x31: {  	[smem:$0x3FB7] =	sst s10  }
0x32: {  	s10 =	sld [smem:$0x3FB5];
	_ =	sdelay $0x3  }
0x33: {  	p0 =	seq.s32 s10, $0x1;
	s10 =	sld [smem:$0x3FB7];
	_ =	sdelay $0x3  }
0x34: {  	[smem:$0x3FB7] =	sst s10  }
0x35: {  	s10 =	sld [smem:$0x3FB6];
	_ =	sdelay $0x3  }
0x36: {  	p1 =	seq.s32 s10, $0x1;
	s10 =	sld [smem:$0x3FB7];
	_ =	sdelay $0x3  }
0x37: {  	[smem:$0x3FB7] =	sst s10  }
0x38: {  	s10 =	sld [smem:$0x3FB8]  }
0x39: {  	_ = 	snop;
	(pc) =	sbr.ind lr, $3  }
0x3a: {  	_ = 	snop  }
0x3b: {  	_ = 	snop  }
0x3c: {  	p2 =	seq.s32 s10, $0x1;
	s10 =	sld [smem:$0x3FB7]  }
0x3d: {  	_ =	shalt  }
0x3e: {  	_ =	shalt  }
0x3f: {  	_ =	shalt  }
0x40: {  	_ =	shalt  }
0x41: {  	_ =	shalt  }
0x42: {  	_ =	shalt  }
0x43: {  	_ =	shalt  }
0x44: {  	_ =	shalt  }
0x45: {  	_ =	shalt  }
0x46: {  	_ =	shalt  }
0x47: {  	_ =	shalt  }
0x48: {  	_ =	shalt  }
0x49: {  	_ =	shalt  }
0x4a: {  	_ =	shalt  }
0x4b: {  	_ =	shalt  }
0x4c: {  	_ =	shalt  }
0x4d: {  	_ =	shalt  }
0x4e: {  	_ =	shalt  }
0x4f: {  	_ =	shalt  }
0x50: {  	_ =	shalt  }
0x51: {  	_ =	shalt  }
0x52: {  	_ =	shalt  }
0x53: {  	_ =	shalt  }
0x54: {  	_ =	shalt  }
0x55: {  	_ =	shalt  }
0x56: {  	_ =	shalt  }
0x57: {  	_ =	shalt  }
0x58: {  	_ =	shalt  }
0x59: {  	_ =	shalt  }
0x5a: {  	_ =	shalt  }
0x5b: {  	_ =	shalt  }
0x5c: {  	_ =	shalt  }
0x5d: {  	_ =	shalt  }
0x5e: {  	_ =	shalt  }
0x5f: {  	_ =	shalt  }
0x60: {  	_ =	shalt  }
0x61: {  	_ =	shalt  }
0x62: {  	_ =	shalt  }
0x63: {  	_ =	shalt  }
0x64: {  	_ =	shalt  }
0x65: {  	_ =	shalt  }
0x66: {  	_ =	shalt  }
0x67: {  	_ =	shalt  }
0x68: {  	_ =	shalt  }
0x69: {  	_ =	shalt  }
0x6a: {  	_ =	shalt  }
0x6b: {  	_ =	shalt  }
0x6c: {  	_ =	shalt  }
0x6d: {  	_ =	shalt  }
0x6e: {  	_ =	shalt  }
0x6f: {  	_ =	shalt  }
0x70: {  	_ =	shalt  }
0x71: {  	_ =	shalt  }
0x72: {  	_ =	shalt  }
0x73: {  	_ =	shalt  }
0x74: {  	_ =	shalt  }
0x75: {  	_ =	shalt  }
0x76: {  	_ =	shalt  }
0x77: {  	_ =	shalt  }
0x78: {  	_ =	shalt  }
0x79: {  	_ =	shalt  }
0x7a: {  	_ =	shalt  }
0x7b: {  	_ =	shalt  }
0x7c: {  	_ =	shalt  }
0x7d: {  	_ =	shalt  }
0x7e: {  	_ =	shalt  }
0x7f: {  	_ =	shalt  }
0x80: {  	_ =	shalt  }
0x81: {  	_ =	shalt  }
0x82: {  	_ =	shalt  }
0x83: {  	_ =	shalt  }
0x84: {  	_ =	shalt  }
0x85: {  	_ =	shalt  }
0x86: {  	_ =	shalt  }
0x87: {  	_ =	shalt  }
.Lfunc_end0:
.L_simem_size_0:
called_computation_lowered:
.L_overlay_start_0:
0x88: {  	s2 =	sld [smem:$0x3FD9]  }
0x89: {  	s3 =	sld [smem:$0x3FFE];
	_ =	sdelay $0x1  }
0x8a: {  	s1 =	srdreg.scid  }
0x8b: {  	s0 =	sand.u32 $0x1, s1  }
0x8c: {  	s14 =	sshll.u32 s0, $0xA;
	s2 =	sadd.s32 s3, s2  }
0x8d: {  	s2 =	sadd.s32 s2, s14  }
0x8e: {  	[smem:$0x3FC3] =	sst s2  }
0x8f: {  	_ = 	snop  }
0x90: {  	s2 =	sld [smem:$0x3FD0];
	_ =	sdelay $0x2  }
0x91: {  	s15 =	simm.s32 $0xA;
	s4 =	simm.s32 $0x10  }
0x92: {  	[smem:s4], [sflag:s15] =	dma.local [hbm:s2], $0x1  }
0x93: {  	_ =	swait.eq [sflag:s15], $0x1  }
0x94: {  	[sflag:s15] =	ssyncset.done $0x0  }
0x95: {  	s16 =	sld [smem:$0x10];
	[sflag:s15] =	ssyncadd.s32 $0xFFFFFFFF  }
0x96: {  	s17 =	sld [smem:$0x11];
	(tm) =	ssettm $0x1  }
0x97: {  	s18 =	sld [smem:$0x3FFB];
	_ =	sdelay $0x3  }
0x98: {  	_ =	strace s18  }
0x99: {  	s4 =	sld [smem:$0x3FFC];
	_ =	sdelay $0x3  }
0x9a: {  	_ =	strace s4  }
0x9b: {  	s4 =	sld [smem:$0x3FFD];
	_ =	sdelay $0x3  }
0x9c: {  	_ =	strace s4  }
0x9d: {  	_ =	strace $0x8FFFFFFF  }
0x9e: {  	s19 =	sld [smem:$0x3FDB];
	_ =	sdelay $0x1  }
0x9f: {  	s5 =	simm.s32 $_scs_section_size  }
0xa0: {  	s6 =	simm.s32 $_size__tile_overlayer_lowered;
	s7 =	simm.s32 $_tile_overlayer_lowered  }
0xa1: {  	s22 =	simm.s32 $0x1BFF;
	s21 =	sshll.u32 s7, $0x1;
	s4 =	sadd.s32 s5, s19  }
0xa2: {  	s8 =	simm.s32 $0x0;
	s20 =	sshll.u32 s6, $0x1;
	s6 =	sadd.s32 s21, s4  }
0xa3: {  	[timem:s8], [sflag:s22] =	dma.local [hbm:s6], s20  }
0xa4: {  	_ =	swait.ge [sflag:s22], s20  }
0xa5: {  	s5 =	ssub.s32 $0x0, s20;
	[sflag:s22] =	ssyncset.done $0x0  }
0xa6: {  	[sflag:s22] =	ssyncadd.s32 s5;
	_ =	sdelay $0x1  }
0xa7: {  	s23 =	simm.s32 $0x1B8B  }
0xa8: {  	_ =	swait.ge [sflag:s23], $0x1  }
0xa9: {  	[sflag:s23] =	ssyncset.done $0x0  }
0xaa: {  	s25 =	simm.s32 $0x1B8E;
	s24 =	sld [smem:$0x3FFE];
	[sflag:s23] =	ssyncadd.s32 $0xFFFFFFFF  }
0xab: {  	s26 =	simm.s32 $execute0_lowered;
	[smem:$0x3FD2] =	sst s25  }
0xac: {  	s6 =	sshll.u32 s26, $0x1;
	_ =	strace $0x80000046;
	[dreg:$0x1] =	wrdreg $0xFFFFFFFF  }
0xad: {  	s28 =	simm.s32 $_size_execute0_lowered;
	s4 =	sadd.s32 s4, s6;
	[dreg:$0x0] =	wrdreg $0x0  }
0xae: {  	s6 =	sshll.u32 s28, $0x1;
	[dreg:$0x2] =	wrdreg s4  }
0xaf: {  	[dreg:$0x3] =	wrdreg s6  }
0xb0: {  	[dreg:$0x4] =	wrdreg $0xC0  }
0xb1: {  	_ =	task [dreg:s8], $0x5FFFF  }
0xb2: {  	[dreg:$0x1] =	wrdreg $0xFFFFFFFF  }
0xb3: {  	[dreg:$0x0] =	wrdreg $0x60  }
0xb4: {  	[dreg:$0x2] =	wrdreg s24  }
0xb5: {  	[dreg:$0x3] =	wrdreg s17  }
0xb6: {  	[dreg:$0x4] =	wrdreg s16  }
0xb7: {  	[dreg:$0x5] =	wrdreg $0x9  }
0xb8: {  	_ =	task.clear_ibuf [dreg:s8], $0x6FFFF;
	_ =	strace $0x90000046  }
0xb9: {  	s29 =	simm.s32 $0x9;
	_ =	strace $0x80000048  }
0xba: {  	_ =	swait.ge [sflag:s29], $0x1  }
0xbb: {  	[sflag:s29] =	ssyncadd.s32 $0xFFFFFFFF  }
0xbc: {  	_ =	strace $0x90000048  }
0xbd: {  	_ =	sfence  }
0xbe: {  	s30 =	sld [smem:$0x0];
	_ =	sdelay $0x2  }
0xbf: {  	s31 =	sshll.u32 s1, $0xD;
	s1 =	sshrl.u32 s1, $0x2  }
0xc0: {  	s3 =	sand.u32 $0x4000, s31;
	s1 =	sadd.s32 s1, s30  }
0xc1: {  	s0 =	sor.u32 s3, s0;
	s1 =	sshll.u32 s1, $0x11  }
0xc2: {  	s0 =	sor.u32 s1, s0  }
0xc3: {  	s0 =	sadd.s32 $0x8F2B, s0  }
0xc4: {  	[sflag:s0] =	ssyncadd.remote.s32 $0x1  }
0xc5: {  	_ =	sfence.sel $0xFFFF  }
0xc6: {  	[dreg:$0x0] =	wrdreg $0xFFFFFFFF;
	(pc) =	sbr.abs _section_cstart, $3  }
0xc7: {  	[dreg:$0x1] =	wrdreg $0xFFFFFFFF  }
0xc8: {  	_ =	task.clear_ibuf [dreg:s8], $0x2FFFF;
	_ =	strace $0x9FFFFFFF  }
0xc9: {  	(tm) =	ssettm $0x7FFFFFFF  }
tec
execute0_lowered:
.L_overlay_start_1:
0x0: {  	(tag) =	ssettag $0x1  }
0x1: {  	s4 =	rddreg [dreg:$0x0]  }
0x2: {  	s6 =	rddreg [dreg:$0x1]  }
0x3: {  	s7 =	rddreg [dreg:$0x2];
	s3 =	srdreg.scid;
	s2 =	simm.s32 $0x0  }
0x4: {  	s1 =	stileid.u32;
	s10 =	simm.s32 $0x400;
	s11 =	simm.s32 $0x1  }
0x5: {  	s12 =	simm.s32 $0x8000;
	s13 =	simm.s32 $0x18000;
	s14 =	simm.s32 $0x10000  }
0x6: {  	s15 =	simm.s32 $0x80000;
	s16 =	simm.s32 $0x2;
	s17 =	simm.s32 $0x1C000  }
0x7: {  	s18 =	simm.s32 $0x3;
	s19 =	simm.s32 $0x1C080;
	s20 =	simm.s32 $0x0  }
0x8: {  	s3 =	sand.u32 $0x1, s3;
	[smem:$0x7FF] =	sst s2;
	s5 =	sshll.u32 s1, $0x8  }
.Ltmp0:
0x9: {  	s4 =	sadd.s32 $0x1200, s4;
	s8 =	sshll.u32 s3, $0x7;
	(pc) =	sbr.rel .LBB2_1-.Ltmp0, $4  }
0xa: {  	v0 =	vlaneseq.u32;
	_ =	strace $0x80000047;
	s9 =	ssub.s32 $0x2, s3;
	s3 =	sor.u32 s8, s5  }
0xb: {  	v2 =	vand.u32 $0x3, v0;
	s30 =	sshrl.u32 s9, $0x1;
	s8 =	sshll.u32 s3, $0xC;
	s31 =	sshrl.u32 s3, $0x3  }
0xc: {  	v2 =	vmul.u32 $0x1000, v2;
	s9 =	ssub.s32 s9, s30;
	s5 =	sadd.s32 s4, s8;
	s6 =	sadd.s32 s6, s31  }
0xd: {  	v1 =	vimm.s32 $0x0;
	v3 =	vimm.s32 $0x1;
	v4 =	vimm.s32 $0x80000000;
	s7 =	sadd.s32 s7, s31;
	s8 =	smax.u32 s9, $0x1;
	s9 =	simm.s32 $0x80  }
.LBB2_67:
0xe: {  	_ =	swait.ge [sflag:s11], $0x8000  }
0xf: {  	[sflag:s11] =	ssyncset.done $0x0  }
0x10: {  	[sflag:s11] =	ssyncadd.s32 $0xFFFF8000  }
0x11: {  	[hbm4b:s6+s2] =	stream.linear.scatter [tilespmem:s17], [sflag:$0x3], $0x80, $0x38;
	[tilespmem:$0x1C100] =	vst v63  }
0x12: {  	s20 =	sadd.s32 $0x1, s20;
	_ =	swait.ge [sflag:s18], $0x80  }
0x13: {  	p0 =	sne.s32 s20, s8;
	[sflag:s18] =	ssyncset.done $0x0  }
.Ltmp1:
0x14: {  	[sflag:s18] =	ssyncadd.s32 $0xFFFFFF80;
	(pc) =	sbr.rel @!p0 .LBB2_68-.Ltmp1, $4  }
0x15: {  	[hbm4b:s7+s2] =	stream.linear.scatter [tilespmem:s19], [sflag:$0x3], $0x80, $0x38;
	[tilespmem:$0x1C100] =	vst v63  }
0x16: {  	_ =	swait.ge [sflag:s18], $0x80  }
0x17: {  	[sflag:s18] =	ssyncset.done $0x0  }
0x18: {  	[sflag:s18] =	ssyncadd.s32 $0xFFFFFF80  }
.LBB2_1:
.Ltmp2:
0x19: {  	(pc) =	sbr.rel .LBB2_2-.Ltmp2, $3  }
0x1a: {  	_ =	sdelay $0x1  }
0x1b: {  	[tilespmem:s2], [sflag:$0x1] =	stream.strided.gather [hbm4b:s5+s9], $0x8000, s10, s9, $0x38;
	[tilespmem:$0x1C100] =	vst v63  }
0x1c: {  	s21 =	simm.s32 $0x0  }
.LBB2_66:
0x1d: {  	v5 =	vld [tilespmem:s23+$0x1C000]  }
0x1e: {  	v7 =	vld [tilespmem:s23+$0x1C080];
	s21 =	sadd.s32 $0x1, s21  }
0x1f: {  	s0 =	sand.u32 $0xF, s22;
	vm0 =	vgt.s32 v8, $0xFFFFFFFF;
	p0 =	sne.s32 s21, $0x40  }
.Ltmp3:
0x20: {  	vm15 =	vgt.s32 v6, $0xFFFFFFFF;
	v8 =	vsel vm0, $0xFFFFFFFF, v4;
	v6 =	vmov s0;
	(pc) =	sbr.rel @!p0 .LBB2_67-.Ltmp3, $4  }
0x21: {  	v8 =	vxor.u32 v9, v8;
	vm1 =	veq.s32 v6, v0;
	v6 =	vsel vm15, $0xFFFFFFFF, v4  }
0x22: {  	v6 =	vxor.u32 v11, v6;
	v5 =	vsel vm1, v8, v5  }
0x23: {  	[tilespmem:s23+$0x1C000] =	vst v5;
	v5 =	vsel vm1, v6, v7  }
0x24: {  	[tilespmem:s23+$0x1C080] =	vst v5  }
.LBB2_2:
0x25: {  	s24 =	sshll.u32 s21, $0x1;
	s22 =	sshllo.u32 s21, $0x1  }
0x26: {  	s23 =	sadd.s32 s3, s24;
	s25 =	sshll.u32 s22, $0x4  }
0x27: {  	_ =	swait.ge [sflag:s11], $0x8000;
	s23 =	sshll.u32 s23, $0xC;
	s25 =	sand.u32 $0x70, s25  }
0x28: {  	[sflag:s11] =	ssyncset.done $0x0;
	s23 =	sand.u32 $0xFF8000, s23;
	s25 =	sadd.s32 s4, s25  }
0x29: {  	[sflag:s11] =	ssyncadd.s32 $0xFFFF8000;
	s23 =	sadd.s32 s23, s25  }
0x2a: {  	[tilespmem:s12], [sflag:$0x2] =	stream.strided.gather [hbm4b:s23+s9], $0x8000, s10, s9, $0x38;
	[tilespmem:$0x1C100] =	vst v63  }
0x2b: {  	s23 =	simm.s32 $0x18040  }
0x2c: {  	[tilespmem:s23+$0xFFFFFFC0] =	vst v1  }
0x2d: {  	[tilespmem:s23+$0x30] =	vst v1  }
0x2e: {  	[tilespmem:s23+$0x20] =	vst v1  }
0x2f: {  	[tilespmem:s23+$0x10] =	vst v1  }
0x30: {  	[tilespmem:s23+$0x0] =	vst v1  }
0x31: {  	[tilespmem:s23+$0xFFFFFFF0] =	vst v1  }
0x32: {  	s26 =	simm.s32 $0x0;
	[tilespmem:s23+$0xFFFFFFE0] =	vst v1  }
.LBB2_3:
0x33: {  	s26 =	sadd.s32 $0x8, s26;
	[tilespmem:s23+$0xFFFFFFD0] =	vst v1;
	s23 =	sadd.s32 $0x80, s23;
	s25 =	simm.s32 $0x40  }
0x34: {  	[tilespmem:s23+$0xFFFFFFC0] =	vst v1;
	p0 =	slt.u32 s26, $0x3F8  }
0x35: {  	[tilespmem:s23+$0x30] =	vst v1  }
.Ltmp4:
0x36: {  	[tilespmem:s23+$0x20] =	vst v1;
	(pc) =	sbr.rel @p0 .LBB2_3-.Ltmp4, $4  }
0x37: {  	[tilespmem:s23+$0x10] =	vst v1  }
0x38: {  	[tilespmem:s23+$0x0] =	vst v1  }
0x39: {  	[tilespmem:s23+$0xFFFFFFF0] =	vst v1  }
0x3a: {  	[tilespmem:s23+$0xFFFFFFE0] =	vst v1  }
0x3b: {  	[tilespmem:s23+$0xFFFFFFD0] =	vst v1  }
0x3c: {  	v6 =	vld [tilespmem:s25+$0x30]  }
0x3d: {  	v7 =	vld [tilespmem:s25+$0xFFFFFFD0]  }
0x3e: {  	v8 =	vld [tilespmem:s25+$0xFFFFFFE0]  }
0x3f: {  	v10 =	vld [tilespmem:s25+$0x0]  }
0x40: {  	v11 =	vld [tilespmem:s25+$0x10]  }
0x41: {  	v13 =	vld [tilespmem:s25+$0x20];
	_ =	sdelay $0x2  }
0x42: {  	v5 =	vshra.s32 v6, $0x1F  }
0x43: {  	v9 =	vld [tilespmem:s25+$0xFFFFFFF0];
	v12 =	vshra.s32 v7, $0x1F;
	v16 =	vshra.s32 v8, $0x1F;
	v17 =	vshra.s32 v10, $0x1F  }
0x44: {  	v15 =	vld [tilespmem:s25+$0xFFFFFFC0];
	v19 =	vshra.s32 v11, $0x1F;
	v20 =	vshra.s32 v13, $0x1F;
	v14 =	vor.u32 $0x80000000, v5  }
0x45: {  	v5 =	vimm.s32 $0xFFFFFFFF;
	v12 =	vor.u32 $0x80000000, v12;
	v6 =	vxor.u32 v6, v14  }
0x46: {  	v17 =	vor.u32 $0x80000000, v17;
	v19 =	vor.u32 $0x80000000, v19;
	v6 =	vshrl.u32 v6, $0x14  }
0x47: {  	v20 =	vor.u32 $0x80000000, v20;
	v14 =	vor.u32 $0x80000000, v16;
	v18 =	vand.u32 $0xF80, v6  }
0x48: {  	v16 =	vshra.s32 v9, $0x1F;
	v6 =	vand.u32 $0x7F, v6;
	v18 =	vor.u32 v2, v18  }
0x49: {  	v7 =	vxor.u32 v7, v12;
	v18 =	vor.u32 v6, v18;
	v6 =	vshra.s32 v15, $0x1F  }
0x4a: {  	v13 =	vxor.u32 v13, v20;
	v16 =	vor.u32 $0x80000000, v16;
	v6 =	vor.u32 $0x80000000, v6  }
0x4b: {  	v8 =	vxor.u32 v8, v14;
	v14 =	vxor.u32 v10, v17;
	v6 =	vxor.u32 v15, v6  }
0x4c: {  	v12 =	vshrl.u32 v7, $0x14;
	v9 =	vxor.u32 v9, v16;
	v10 =	vshrl.u32 v6, $0x14  }
0x4d: {  	v6 =	vxor.u32 v11, v19;
	v11 =	vshrl.u32 v8, $0x14;
	v8 =	vshrl.u32 v9, $0x14  }
0x4e: {  	v9 =	vshrl.u32 v14, $0x14;
	v14 =	vand.u32 $0xF80, v12;
	v7 =	vshrl.u32 v6, $0x14  }
0x4f: {  	v6 =	vshrl.u32 v13, $0x14;
	v13 =	vand.u32 $0xF80, v10;
	v16 =	vand.u32 $0xF80, v11  }
0x50: {  	v17 =	vand.u32 $0xF80, v8;
	v21 =	vand.u32 $0xF80, v9;
	v14 =	vor.u32 v2, v14  }
0x51: {  	v19 =	vand.u32 $0xF80, v7;
	[tilespmem:v18+s13+$0x0] =	vst.idx.add.s32.msk $0xffff, v3;
	v15 =	vor.u32 v2, v13;
	v20 =	vand.u32 $0xF80, v6  }
0x52: {  	s23 =	simm.s32 $0x1A010;
	s28 =	simm.s32 $0xC0;
	s25 =	simm.s32 $0x0;
	v18 =	vor.u32 v2, v16;
	v17 =	vor.u32 v2, v17;
	v13 =	vor.u32 v2, v21  }
.LBB2_5:
0x53: {  	v21 =	vld [tilespmem:s28+$0x30];
	s25 =	sadd.s32 $0x8, s25;
	v10 =	vand.u32 $0x7F, v10;
	v16 =	vor.u32 v2, v19;
	v19 =	vor.u32 v2, v20  }
0x54: {  	v12 =	vand.u32 $0x7F, v12;
	v11 =	vand.u32 $0x7F, v11;
	v8 =	vand.u32 $0x7F, v8;
	v20 =	vld [tilespmem:s28+$0xFFFFFFD0];
	p0 =	slt.u32 s25, $0x7F8  }
0x55: {  	v9 =	vand.u32 $0x7F, v9;
	v7 =	vand.u32 $0x7F, v7;
	v6 =	vand.u32 $0x7F, v6;
	v22 =	vld [tilespmem:s28+$0xFFFFFFE0]  }
0x56: {  	v10 =	vor.u32 v10, v15;
	v12 =	vor.u32 v12, v14;
	v11 =	vor.u32 v11, v18;
	v23 =	vld [tilespmem:s28+$0xFFFFFFF0]  }
0x57: {  	v8 =	vor.u32 v8, v17;
	v9 =	vor.u32 v9, v13;
	v7 =	vor.u32 v7, v16;
	v14 =	vld [tilespmem:s28+$0x0]  }
0x58: {  	v16 =	vimm.s32 $0x0;
	v6 =	vor.u32 v6, v19;
	v13 =	vld [tilespmem:s28+$0x10];
	v15 =	vshra.s32 v21, $0x1F  }
0x59: {  	v17 =	vshra.s32 v20, $0x1F;
	v18 =	vld [tilespmem:s28+$0x20];
	v15 =	vor.u32 $0x80000000, v15  }
0x5a: {  	v19 =	vld [tilespmem:s28+$0xFFFFFFC0];
	v17 =	vor.u32 $0x80000000, v17;
	v24 =	vshra.s32 v22, $0x1F;
	v15 =	vxor.u32 v21, v15  }
0x5b: {  	v21 =	vor.u32 $0x80000000, v24;
	v24 =	vshra.s32 v23, $0x1F;
	v15 =	vshrl.u32 v15, $0x14;
	[tilespmem:v10+s13+$0x0] =	vst.idx.add.s32.msk $0xffff, v3  }
0x5c: {  	v10 =	vor.u32 $0x80000000, v24;
	v24 =	vshra.s32 v14, $0x1F;
	v25 =	vand.u32 $0xF80, v15;
	[tilespmem:v12+s13+$0x0] =	vst.idx.add.s32.msk $0xffff, v3  }
0x5d: {  	v15 =	vand.u32 $0x7F, v15;
	v12 =	vshra.s32 v13, $0x1F;
	v25 =	vor.u32 v2, v25;
	[tilespmem:v11+s13+$0x0] =	vst.idx.add.s32.msk $0xffff, v3  }
0x5e: {  	v11 =	vor.u32 $0x80000000, v24;
	v24 =	vshra.s32 v18, $0x1F;
	v15 =	vor.u32 v15, v25;
	[tilespmem:v8+s13+$0x0] =	vst.idx.add.s32.msk $0xffff, v3  }
0x5f: {  	v12 =	vor.u32 $0x80000000, v12;
	v8 =	vshra.s32 v19, $0x1F;
	v24 =	vor.u32 $0x80000000, v24;
	[tilespmem:v9+s13+$0x0] =	vst.idx.add.s32.msk $0xffff, v3  }
0x60: {  	v9 =	vxor.u32 v20, v17;
	v17 =	vxor.u32 v22, v21;
	v8 =	vor.u32 $0x80000000, v8;
	[tilespmem:v7+s13+$0x0] =	vst.idx.add.s32.msk $0xffff, v3  }
0x61: {  	v14 =	vxor.u32 v14, v11;
	v7 =	vxor.u32 v19, v8;
	v8 =	vxor.u32 v23, v10  }
0x62: {  	v10 =	vshrl.u32 v7, $0x14;
	v7 =	vxor.u32 v13, v12;
	v13 =	vxor.u32 v18, v24;
	[tilespmem:v6+s13+$0x0] =	vst.idx.add.s32.msk $0xffff, v3  }
0x63: {  	s26 =	simm.s32 $0x0;
	v11 =	vshrl.u32 v17, $0x14;
	v12 =	vshrl.u32 v9, $0x14;
	v8 =	vshrl.u32 v8, $0x14;
	[tilespmem:v15+s13+$0x0] =	vst.idx.add.s32.msk $0xffff, v3  }
.Ltmp5:
0x64: {  	v9 =	vshrl.u32 v14, $0x14;
	v7 =	vshrl.u32 v7, $0x14;
	v6 =	vshrl.u32 v13, $0x14;
	(pc) =	sbr.rel @p0 .LBB2_5-.Ltmp5, $4  }
0x65: {  	v17 =	vand.u32 $0xF80, v11;
	v13 =	vand.u32 $0xF80, v10;
	v14 =	vand.u32 $0xF80, v12  }
0x66: {  	v21 =	vand.u32 $0xF80, v8;
	v22 =	vand.u32 $0xF80, v9;
	v19 =	vand.u32 $0xF80, v7  }
0x67: {  	v15 =	vor.u32 v2, v13;
	v14 =	vor.u32 v2, v14;
	v20 =	vand.u32 $0xF80, v6  }
0x68: {  	s28 =	sadd.s32 $0x80, s28;
	v18 =	vor.u32 v2, v17;
	v17 =	vor.u32 v2, v21;
	v13 =	vor.u32 v2, v22  }
0x69: {  	v10 =	vand.u32 $0x7F, v10  }
0x6a: {  	v12 =	vand.u32 $0x7F, v12;
	v10 =	vor.u32 v10, v15  }
0x6b: {  	v11 =	vand.u32 $0x7F, v11;
	v12 =	vor.u32 v12, v14  }
0x6c: {  	v8 =	vand.u32 $0x7F, v8;
	v11 =	vor.u32 v11, v18  }
0x6d: {  	v9 =	vand.u32 $0x7F, v9;
	v8 =	vor.u32 v8, v17  }
0x6e: {  	v7 =	vand.u32 $0x7F, v7;
	v14 =	vor.u32 v2, v19;
	v9 =	vor.u32 v9, v13  }
0x6f: {  	v6 =	vand.u32 $0x7F, v6;
	v13 =	vor.u32 v2, v20;
	v7 =	vor.u32 v7, v14;
	[tilespmem:v10+s13+$0x0] =	vst.idx.add.s32.msk $0xffff, v3  }
0x70: {  	v6 =	vor.u32 v6, v13;
	[tilespmem:v12+s13+$0x0] =	vst.idx.add.s32.msk $0xffff, v3  }
0x71: {  	[tilespmem:v11+s13+$0x0] =	vst.idx.add.s32.msk $0xffff, v3  }
0x72: {  	[tilespmem:v8+s13+$0x0] =	vst.idx.add.s32.msk $0xffff, v3  }
0x73: {  	[tilespmem:v9+s13+$0x0] =	vst.idx.add.s32.msk $0xffff, v3  }
0x74: {  	[tilespmem:v7+s13+$0x0] =	vst.idx.add.s32.msk $0xffff, v3  }
0x75: {  	[tilespmem:v6+s13+$0x0] =	vst.idx.add.s32.msk $0xffff, v3  }
0x76: {  	v6 =	vld [tilespmem:s23+$0xFFFFDFF0]  }
0x77: {  	v7 =	vld [tilespmem:s23+$0x0]  }
0x78: {  	v8 =	vld [tilespmem:s23+$0xFFFFF000]  }
0x79: {  	s25 =	sand.u32 $0xFC0, s26;
	v9 =	vld [tilespmem:s23+$0xFFFFE000]  }
0x7a: {  	v10 =	vld [tilespmem:s25+$0x19000]  }
0x7b: {  	v11 =	vld [tilespmem:s25+$0x1A000]  }
0x7c: {  	v12 =	vld [tilespmem:s25+$0x1B000]  }
0x7d: {  	v13 =	vld [tilespmem:s23+$0x10]  }
0x7e: {  	v15 =	vld [tilespmem:s23+$0xFFFFF020]  }
0x7f: {  	v19 =	vld [tilespmem:s23+$0x1000]  }
0x80: {  	v17 =	vld [tilespmem:s23+$0xFFFFE010]  }
0x81: {  	v18 =	vld [tilespmem:s23+$0xFFFFF010];
	v6 =	vadd.s32 v6, v10  }
0x82: {  	v20 =	vld [tilespmem:s23+$0xFFFFE020];
	v8 =	vadd.s32 v9, v8;
	v6 =	vadd.s32 v11, v6  }
0x83: {  	v10 =	vld [tilespmem:s23+$0x1010];
	v7 =	vadd.s32 v7, v8;
	v6 =	vadd.s32 v12, v6  }
0x84: {  	v14 =	vld [tilespmem:s23+$0x20];
	v24 =	vadd.s32 v19, v7;
	(xrf0) =	vadd.scan.msk.s32 $0xffff, v6  }
0x85: {  	v9 =	vld [tilespmem:s23+$0x1020];
	(xrf0) =	vadd.scan.msk.s32 $0xffff, v24  }
0x86: {  	v8 =	vadd.s32 v17, v18  }
0x87: {  	v8 =	vadd.s32 v13, v8  }
0x88: {  	v7 =	vadd.s32 v20, v15;
	v11 =	vadd.s32 v10, v8  }
0x89: {  	v7 =	vadd.s32 v14, v7;
	(xrf0) =	vadd.scan.msk.s32 $0xffff, v11  }
0x8a: {  	v7 =	vadd.s32 v9, v7;
	v8, _, _ =	vpop (xrf0)  }
0x8b: {  	(xrf0) =	vadd.scan.msk.s32 $0xffff, v7;
	(v2sf) =	vpush v8, $0xF;
	v26, _, _ =	vpop (xrf0)  }
0x8c: {  	(v2sf) =	vpush v26, $0xF;
	_ =	sdelay $0x1  }
0x8d: {  	s29 =	simm.s32 $0x1A050  }
0x8e: {  	s23 =	simm.s32 $0x40;
	v17 =	vld [tilespmem:s29+$0xFFFFE000];
	v9, _, _ =	vpop (xrf0)  }
0x8f: {  	s31 =	sand.u32 $0xFC0, s23;
	v13 =	vld [tilespmem:s29+$0xFFFFDFF0];
	(v2sf) =	vpush v9, $0xF  }
0x90: {  	v18 =	vld [tilespmem:s31+$0x19000];
	v12, _, _ =	vpop (xrf0)  }
0x91: {  	v15 =	vld [tilespmem:s29+$0xFFFFF000];
	(v2sf) =	vpush v12, $0xF;
	_ =	sdelay $0x1  }
0x92: {  	v19 =	vld [tilespmem:s31+$0x1A000];
	v10 =	vmov s26  }
0x93: {  	v14 =	vld [tilespmem:s29+$0x0];
	v10 =	vsub.s32 $0x8000, v10  }
0x94: {  	v10 =	vbroadcast v10, $0x0;
	v13 =	vadd.s32 v13, v18;
	v18 =	vld [tilespmem:s29+$0xFFFFF020]  }
0x95: {  	v15 =	vadd.s32 v17, v15;
	v17 =	vld [tilespmem:s29+$0xFFFFE020]  }
0x96: {  	v10 =	vsub.s32 v10, v8  }
0x97: {  	v20 =	vor.u32 s26, v0;
	v13 =	vadd.s32 v19, v13;
	v6 =	vadd.s32 v6, v10  }
0x98: {  	s30 =	simm.s32 $0x20;
	v14 =	vadd.s32 v14, v15;
	vm0 =	vgt.s32 v6, $0xFF;
	vm1 =	vgt.s32 v6, $0x3F;
	v6 =	vld [tilespmem:s31+$0x1B000];
	s28 =	spop (v2sf)  }
0x99: {  	v8 =	vor.u32 s30, v0;
	vm2 =	vlt.s32 v10, $0x100;
	vm3 =	vlt.s32 v10, $0x40;
	s28 =	sadd.s32 $0x0, s28;
	s0 =	spop (v2sf)  }
0x9a: {  	v23 =	vnsel vm3, $0x0, v10;
	v27 =	vnsel vm2, $0x0, v10;
	v17 =	vadd.s32 v17, v18;
	s25 =	sadd.s32 s28, s0  }
0x9b: {  	v21 =	vld [tilespmem:s29+$0x10];
	v28 =	vnsel vm1, $0xFFFFFFFF, v20;
	vm7 =	vmmov vm0;
	v10 =	vmov s25  }
0x9c: {  	v22 =	vld [tilespmem:s29+$0x20];
	vm6 =	vgt.s32 v16, v27;
	vm8 =	vgt.s32 v16, v23;
	v10 =	vsub.s32 $0x0, v10  }
0x9d: {  	v15 =	vld [tilespmem:s29+$0xFFFFE010];
	vm5 =	vgt.s32 v5, v28;
	v6 =	vadd.s32 v6, v13;
	s31 =	spop (v2sf);
	v10 =	vbroadcast v10, $0x0  }
0x9e: {  	v19 =	vld [tilespmem:s29+$0xFFFFF010];
	v31 =	vnsel vm7, $0xFFFFFFFF, v20;
	v23 =	vsel vm8, v16, v23;
	v16 =	vsel vm6, v16, v27;
	(xrf0) =	vadd.scan.msk.s32 $0xffff, v6;
	s26 =	sadd.s32 s25, s31  }
0x9f: {  	v29 =	vld [tilespmem:s29+$0x1000];
	vm8 =	vgt.s32 v5, v31;
	s0 =	spop (v2sf);
	v25 =	vmov s26;
	v9 =	vsub.s32 v10, v9  }
0xa0: {  	v27 =	vsel vm5, v5, v28;
	s25 =	sadd.s32 s26, s0;
	v10 =	vadd.s32 $0x8000, v9;
	v9 =	vsub.s32 $0x0, v25;
	v25 =	vld [tilespmem:s29+$0x1010]  }
0xa1: {  	v18 =	vld [tilespmem:s29+$0x1020];
	v13 =	vmov s25;
	v11 =	vadd.s32 v11, v10;
	v9 =	vbroadcast v9, $0x0  }
0xa2: {  	v13 =	vsub.s32 $0x8000, v13;
	vm1 =	vgt.s32 v11, $0x3F;
	vm2 =	vgt.s32 v11, $0xFF  }
0xa3: {  	v9 =	vsub.s32 v9, v12;
	v12 =	vbroadcast v13, $0x0;
	v13 =	vadd.s32 v15, v19  }
0xa4: {  	v30 =	vadd.s32 $0x8000, v9;
	v9 =	vadd.s32 v29, v14;
	v13 =	vadd.s32 v21, v13;
	v14, _, _ =	vpop (xrf0)  }
0xa5: {  	s0 =	simm.s32 $0x10;
	v11 =	vadd.s32 v22, v17;
	v15 =	vadd.s32 v25, v13;
	(xrf0) =	vadd.scan.msk.s32 $0xffff, v9;
	(v2sf) =	vpush v14, $0xF  }
0xa6: {  	v32 =	vor.u32 s0, v0;
	v17 =	vmov s28;
	v11 =	vadd.s32 v18, v11;
	(xrf0) =	vadd.scan.msk.s32 $0xffff, v15  }
0xa7: {  	s31 =	simm.s32 $0x60;
	vm0 =	vlt.s32 v10, $0x40;
	vm13 =	vlt.s32 v10, $0x100;
	v17 =	vsub.s32 $0x0, v17;
	(xrf0) =	vadd.scan.msk.s32 $0xffff, v11  }
0xa8: {  	v19 =	vnsel vm13, $0x0, v10;
	v21 =	vor.u32 s31, v0;
	v33 =	vbroadcast v17, $0x0  }
0xa9: {  	s31 =	simm.s32 $0x30;
	v29 =	vadd.s32 v7, v30;
	v7 =	vsub.s32 v12, v14;
	vm9 =	vlt.s32 v30, $0x40  }
0xaa: {  	vm10 =	vlt.s32 v30, $0x100;
	v25 =	vor.u32 s31, v0;
	v13 =	vor.u32 s23, v0  }
0xab: {  	v6 =	vadd.s32 v6, v7;
	vm3 =	vgt.s32 v29, $0xFF;
	vm12 =	vlt.s32 v7, $0x100;
	v14, _, _ =	vpop (xrf0)  }
0xac: {  	vm14 =	vlt.s32 v7, $0x40;
	v17 =	vnsel vm9, $0x0, v30;
	(v2sf) =	vpush v14, $0xF;
	v22, _, _ =	vpop (xrf0)  }
0xad: {  	v18 =	vnsel vm10, $0x0, v30;
	v30 =	vsub.s32 v33, v26;
	(v2sf) =	vpush v22, $0xF;
	v20, _, _ =	vpop (xrf0)  }
0xae: {  	vm7 =	vgt.s32 v29, $0x3F;
	v26 =	vsel vm8, v5, v31;
	(v2sf) =	vpush v20, $0xF  }
0xaf: {  	vm4 =	vgt.s32 v6, $0xFF;
	vm11 =	vgt.s32 v6, $0x3F;
	v6 =	vnsel vm14, $0x0, v7  }
0xb0: {  	v7 =	vnsel vm12, $0x0, v7;
	v30 =	vadd.s32 $0x8000, v30;
	v12 =	vnsel vm11, $0xFFFFFFFF, v13  }
0xb1: {  	v24 =	vadd.s32 v24, v30;
	vm5 =	vlt.s32 v30, $0x40;
	vm6 =	vlt.s32 v30, $0x100  }
0xb2: {  	vm8 =	vgt.s32 v24, $0x3F;
	v5 =	vnsel vm5, $0x0, v30;
	vm5 =	vgt.s32 v24, $0xFF  }
0xb3: {  	v24 =	vnsel vm6, $0x0, v30;
	v29 =	vnsel vm8, $0xFFFFFFFF, v32;
	v28 =	vnsel vm5, $0xFFFFFFFF, v32  }
0xb4: {  	s26 =	simm.s32 $0x80;
	s28 =	simm.s32 $0x1A090;
	vm6 =	vgt.s32 v16, v24;
	vm9 =	vgt.s32 v27, v29;
	vm8 =	vgt.s32 v26, v28;
	s30 =	spop (v2sf)  }
.LBB2_7:
0xb5: {  	s31 =	sand.u32 $0xFC0, s26;
	vm10 =	vgt.s32 v23, v5  }
0xb6: {  	v30 =	vld [tilespmem:s28+$0xFFFFDFF0];
	p0 =	sne.s32 s26, $0xFC0;
	v31 =	vnsel vm7, $0xFFFFFFFF, v25;
	v25 =	vnsel vm3, $0xFFFFFFFF, v25;
	vm5 =	vmmov vm4;
	s29 =	smov.u32 s26;
	s26 =	sadd.s32 $0x40, s26  }
0xb7: {  	v10 =	vnsel vm0, $0x0, v10;
	v32 =	vld [tilespmem:s28+$0x0];
	v5 =	vsel vm10, v23, v5;
	v23 =	vnsel vm2, $0xFFFFFFFF, v8  }
0xb8: {  	v16 =	vsel vm6, v16, v24;
	v24 =	vnsel vm1, $0xFFFFFFFF, v8;
	v8 =	vmovc v21;
	v33 =	vld [tilespmem:s28+$0xFFFFF000];
	vm0 =	vgt.s32 v5, v10  }
0xb9: {  	v27 =	vsel vm9, v27, v29;
	v26 =	vsel vm8, v26, v28;
	v21 =	vld [tilespmem:s28+$0xFFFFE000];
	v5 =	vsel vm0, v5, v10  }
0xba: {  	vm2 =	vgt.s32 v16, v19;
	vm1 =	vgt.s32 v26, v23;
	vm0 =	vgt.s32 v27, v24;
	v10 =	vld [tilespmem:s31+$0x19000]  }
0xbb: {  	s30 =	sadd.s32 s25, s30;
	v16 =	vsel vm2, v16, v19;
	v23 =	vsel vm1, v26, v23;
	v24 =	vsel vm0, v27, v24;
	v28 =	vld [tilespmem:s31+$0x1A000];
	s25 =	spop (v2sf)  }
0xbc: {  	vm2 =	vgt.s32 v16, v18;
	vm1 =	vgt.s32 v23, v25;
	vm0 =	vgt.s32 v24, v31;
	v19 =	vld [tilespmem:s31+$0x1B000];
	s25 =	sadd.s32 s30, s25;
	s31 =	spop (v2sf)  }
0xbd: {  	v24 =	vsel vm0, v24, v31;
	vm0 =	vgt.s32 v5, v17;
	v26 =	vld [tilespmem:s28+$0x10];
	v27 =	vmov s25;
	s31 =	sadd.s32 s25, s31;
	s25 =	spop (v2sf)  }
0xbe: {  	v16 =	vsel vm2, v16, v18;
	v31 =	vsel vm1, v23, v25;
	v29 =	vld [tilespmem:s28+$0x20];
	v27 =	vsub.s32 $0x0, v27;
	s25 =	sadd.s32 s31, s25  }
0xbf: {  	v18 =	vadd.s32 v21, v33;
	v10 =	vadd.s32 v30, v10;
	v21 =	vld [tilespmem:s28+$0xFFFFF020];
	v23 =	vbroadcast v27, $0x0  }
0xc0: {  	v5 =	vsel vm0, v5, v17;
	v18 =	vadd.s32 v32, v18;
	v10 =	vadd.s32 v28, v10;
	v25 =	vld [tilespmem:s28+$0xFFFFE020]  }
0xc1: {  	vm6 =	vgt.s32 v24, v12;
	v17 =	vadd.s32 v19, v10;
	v10 =	vmov s25;
	v19 =	vld [tilespmem:s28+$0xFFFFE010]  }
0xc2: {  	vm7 =	vgt.s32 v16, v7;
	v22 =	vsub.s32 v23, v22;
	v23 =	vmov s31;
	v27 =	vld [tilespmem:s28+$0xFFFFF010];
	(xrf0) =	vadd.scan.msk.s32 $0xffff, v17  }
0xc3: {  	v28 =	vsub.s32 $0x8000, v10;
	v10 =	vadd.s32 $0x8000, v22;
	v22 =	vsub.s32 $0x0, v23;
	v30 =	vld [tilespmem:s28+$0x1000]  }
0xc4: {  	v15 =	vadd.s32 v15, v10;
	vm0 =	vlt.s32 v10, $0x40;
	v22 =	vbroadcast v22, $0x0;
	v23 =	vld [tilespmem:s28+$0x1010]  }
0xc5: {  	vm1 =	vgt.s32 v15, $0x3F;
	vm2 =	vgt.s32 v15, $0xFF;
	v21 =	vadd.s32 v25, v21;
	v25 =	vld [tilespmem:s28+$0x1020]  }
0xc6: {  	vm8 =	vgt.s32 v5, v6;
	v15 =	vsub.s32 v22, v20;
	v21 =	vadd.s32 v29, v21  }
0xc7: {  	v20 =	vbroadcast v28, $0x0;
	v19 =	vadd.s32 v19, v27;
	v27 =	vadd.s32 $0x8000, v15  }
0xc8: {  	v28 =	vadd.s32 v30, v18;
	v15 =	vadd.s32 v26, v19;
	v18, _, _ =	vpop (xrf0);
	v26 =	vadd.s32 v11, v27  }
0xc9: {  	v19 =	vsub.s32 v20, v18;
	v15 =	vadd.s32 v23, v15;
	(v2sf) =	vpush v18, $0xF;
	(xrf0) =	vadd.scan.msk.s32 $0xffff, v28  }
0xca: {  	vm3 =	vgt.s32 v26, $0xFF;
	v17 =	vadd.s32 v17, v19;
	v11 =	vadd.s32 v25, v21;
	(xrf0) =	vadd.scan.msk.s32 $0xffff, v15  }
0xcb: {  	vm10 =	vlt.s32 v27, $0x40;
	vm9 =	vlt.s32 v27, $0x100;
	vm4 =	vgt.s32 v17, $0xFF;
	(xrf0) =	vadd.scan.msk.s32 $0xffff, v11  }
0xcc: {  	s31 =	sadd.s32 $0x20, s29;
	vm13 =	vlt.s32 v10, $0x100;
	vm12 =	vlt.s32 v19, $0x100;
	vm11 =	vgt.s32 v17, $0x3F  }
0xcd: {  	s0 =	sadd.s32 $0x30, s23;
	vm14 =	vlt.s32 v19, $0x40;
	v21 =	vor.u32 s31, v0;
	s31 =	sadd.s32 $0x10, s23;
	s23 =	smov.u32 s29  }
0xce: {  	v29 =	vnsel vm5, $0xFFFFFFFF, v13;
	v25 =	vor.u32 s0, v0;
	v30 =	vor.u32 s31, v0  }
0xcf: {  	v13 =	vor.u32 s23, v0;
	v32 =	vnsel vm14, $0x0, v19;
	v33 =	vnsel vm12, $0x0, v19;
	v34, _, _ =	vpop (xrf0)  }
0xd0: {  	v17 =	vmov s30;
	v19 =	vnsel vm13, $0x0, v10;
	(v2sf) =	vpush v34, $0xF;
	v22, _, _ =	vpop (xrf0)  }
0xd1: {  	v35 =	vnsel vm11, $0xFFFFFFFF, v13;
	v17 =	vsub.s32 $0x0, v17;
	(v2sf) =	vpush v22, $0xF;
	v20, _, _ =	vpop (xrf0)  }
0xd2: {  	v36 =	vbroadcast v17, $0x0;
	v17 =	vnsel vm10, $0x0, v27;
	(v2sf) =	vpush v20, $0xF  }
0xd3: {  	vm5 =	vgt.s32 v31, v29;
	v23 =	vsel vm8, v5, v6;
	v18 =	vnsel vm9, $0x0, v27;
	v6 =	vmovc v32  }
0xd4: {  	v16 =	vsel vm7, v16, v7;
	vm7 =	vgt.s32 v26, $0x3F;
	v7 =	vmovc v33;
	v5 =	vsub.s32 v36, v14;
	v14 =	vmovc v34  }
.Ltmp6:
0xd5: {  	v26 =	vsel vm5, v31, v29;
	v27 =	vsel vm6, v24, v12;
	v12 =	vmovc v35;
	v24 =	vadd.s32 $0x8000, v5;
	(pc) =	sbr.rel @p0 .LBB2_7-.Ltmp6, $4  }
0xd6: {  	v29 =	vadd.s32 v9, v24;
	vm5 =	vlt.s32 v24, $0x40;
	vm6 =	vlt.s32 v24, $0x100;
	v9 =	vmovc v28  }
0xd7: {  	vm8 =	vgt.s32 v29, $0x3F;
	v5 =	vnsel vm5, $0x0, v24;
	vm5 =	vgt.s32 v29, $0xFF  }
0xd8: {  	v24 =	vnsel vm6, $0x0, v24;
	v29 =	vnsel vm8, $0xFFFFFFFF, v30;
	v28 =	vnsel vm5, $0xFFFFFFFF, v30;
	s30 =	spop (v2sf)  }
0xd9: {  	s28 =	sadd.s32 $0x40, s28;
	vm6 =	vgt.s32 v16, v24;
	vm9 =	vgt.s32 v27, v29;
	vm8 =	vgt.s32 v26, v28  }
0xda: {  	_ = 	snop  }
0xdb: {  	v30 =	vnsel vm7, $0xFFFFFFFF, v25  }
0xdc: {  	v27 =	vsel vm9, v27, v29;
	v60 =	vnsel vm2, $0xFFFFFFFF, v8;
	v8 =	vnsel vm1, $0xFFFFFFFF, v8  }
0xdd: {  	v25 =	vnsel vm3, $0xFFFFFFFF, v25;
	v26 =	vsel vm8, v26, v28;
	vm1 =	vgt.s32 v27, v8  }
0xde: {  	vm3 =	vmmov vm4;
	s0 =	sadd.s32 s25, s30;
	vm2 =	vgt.s32 v26, v60;
	v8 =	vsel vm1, v27, v8  }
0xdf: {  	v63 =	vmov s0;
	v26 =	vsel vm2, v26, v60;
	vm1 =	vgt.s32 v8, v30;
	s31 =	spop (v2sf)  }
0xe0: {  	v13 =	vnsel vm3, $0xFFFFFFFF, v13;
	vm2 =	vgt.s32 v26, v25;
	v8 =	vsel vm1, v8, v30;
	s25 =	sadd.s32 s0, s31  }
0xe1: {  	v25 =	vsel vm2, v26, v25;
	v26 =	vsub.s32 $0x0, v63;
	s26 =	spop (v2sf);
	v61 =	vmov s25  }
0xe2: {  	v26 =	vbroadcast v26, $0x0;
	vm1 =	vgt.s32 v8, v12;
	s25 =	sadd.s32 s25, s26;
	v27 =	vsub.s32 $0x0, v61  }
0xe3: {  	vm3 =	vgt.s32 v25, v13;
	v62 =	vmov s25;
	v27 =	vbroadcast v27, $0x0  }
0xe4: {  	v8 =	vsel vm1, v8, v12;
	v14 =	vsub.s32 v26, v14;
	v28 =	vsub.s32 $0x0, v62  }
0xe5: {  	s26 =	sadd.s32 $0x30, s23;
	v14 =	vadd.s32 $0x8000, v14;
	v22 =	vsub.s32 v27, v22;
	v27 =	vbroadcast v28, $0x0  }
0xe6: {  	v26 =	vor.u32 s26, v0;
	v9 =	vadd.s32 v9, v14;
	v22 =	vadd.s32 $0x8000, v22  }
0xe7: {  	vm8 =	vgt.s32 v9, $0x3F;
	v15 =	vadd.s32 v15, v22;
	v20 =	vsub.s32 v27, v20  }
0xe8: {  	s25 =	sadd.s32 $0x10, s23;
	vm1 =	vgt.s32 v9, $0xFF;
	vm2 =	vgt.s32 v15, $0x3F;
	v20 =	vadd.s32 $0x8000, v20  }
0xe9: {  	vm4 =	vgt.s32 v15, $0xFF;
	v15 =	vor.u32 s25, v0;
	v11 =	vadd.s32 v11, v20  }
0xea: {  	v9 =	vnsel vm8, $0xFFFFFFFF, v15;
	v12 =	vnsel vm1, $0xFFFFFFFF, v15;
	vm5 =	vgt.s32 v11, $0xFF  }
0xeb: {  	vm7 =	vgt.s32 v11, $0x3F;
	v11 =	vsel vm3, v25, v13;
	vm1 =	vgt.s32 v8, v9  }
0xec: {  	v13 =	vnsel vm2, $0xFFFFFFFF, v21;
	vm3 =	vgt.s32 v11, v12;
	v8 =	vsel vm1, v8, v9  }
0xed: {  	v9 =	vnsel vm4, $0xFFFFFFFF, v21;
	v11 =	vsel vm3, v11, v12;
	vm1 =	vgt.s32 v8, v13  }
0xee: {  	v12 =	vnsel vm7, $0xFFFFFFFF, v26;
	vm2 =	vgt.s32 v11, v9;
	v8 =	vsel vm1, v8, v13  }
0xef: {  	v13 =	vnsel vm5, $0xFFFFFFFF, v26;
	v9 =	vsel vm2, v11, v9;
	vm1 =	vgt.s32 v8, v12  }
0xf0: {  	vm2 =	vgt.s32 v9, v13;
	v8 =	vsel vm1, v8, v12  }
0xf1: {  	v9 =	vsel vm2, v9, v13;
	v8 =	vxor.u32 $0x80000000, v8  }
0xf2: {  	(xrf0) =	vmax.scan.msk.u32 $0xffff, v8;
	v8 =	vxor.u32 $0x80000000, v9  }
0xf3: {  	(xrf0) =	vmax.scan.msk.u32 $0xffff, v8;
	_ =	sdelay $0x4  }
0xf4: {  	vm4 =	vlt.s32 v20, $0x100;
	vm1 =	vgt.s32 v23, v5;
	v8, _, _ =	vpop (xrf0)  }
0xf5: {  	v5 =	vsel vm1, v23, v5;
	v9 =	vnsel vm0, $0x0, v10;
	(v2sf) =	vpush v8, $0xF;
	v8, _, _ =	vpop (xrf0)  }
0xf6: {  	vm1 =	vgt.s32 v5, v9;
	(v2sf) =	vpush v8, $0xF;
	v8 =	vsel vm6, v16, v24  }
0xf7: {  	vm3 =	vlt.s32 v20, $0x40;
	v5 =	vsel vm1, v5, v9;
	vm0 =	vgt.s32 v8, v19  }
0xf8: {  	s0 =	simm.s32 $0x40;
	vm5 =	vlt.s32 v22, $0x100;
	vm1 =	vgt.s32 v5, v17;
	v8 =	vsel vm0, v8, v19  }
0xf9: {  	v9 =	vnsel vm5, $0x0, v22;
	v5 =	vsel vm1, v5, v17;
	v19 =	vld [tilespmem:s0+$0xFFFFFFE0];
	vm0 =	vgt.s32 v8, v18  }
0xfa: {  	vm1 =	vlt.s32 v22, $0x40;
	v17 =	vimm.s32 $0x0;
	v8 =	vsel vm0, v8, v18  }
0xfb: {  	v15 =	vld [tilespmem:s0+$0x10];
	vm2 =	vgt.s32 v5, v6;
	vm6 =	vlt.s32 v14, $0x100;
	vm0 =	vgt.s32 v8, v7  }
0xfc: {  	v7 =	vsel vm0, v8, v7;
	vm0 =	vlt.s32 v14, $0x40;
	v8 =	vnsel vm6, $0x0, v14  }
0xfd: {  	v5 =	vsel vm2, v5, v6;
	v16 =	vld [tilespmem:s0+$0x30];
	v6 =	vnsel vm0, $0x0, v14;
	vm0 =	vgt.s32 v7, v8  }
0xfe: {  	v23 =	vshra.s32 v19, $0x1F;
	vm2 =	vgt.s32 v5, v6;
	v7 =	vsel vm0, v7, v8  }
0xff: {  	v10 =	vld [tilespmem:s0+$0xFFFFFFD0];
	v8 =	vnsel vm4, $0x0, v20;
	v23 =	vor.u32 $0x80000000, v23;
	v5 =	vsel vm2, v5, v6  }
0x100: {  	v14 =	vld [tilespmem:s0+$0xFFFFFFF0];
	v6 =	vnsel vm1, $0x0, v22;
	vm0 =	vgt.s32 v7, v9;
	v22 =	vshra.s32 v15, $0x1F  }
0x101: {  	v12 =	vld [tilespmem:s0+$0x20];
	vm1 =	vgt.s32 v5, v6;
	v7 =	vsel vm0, v7, v9;
	v9 =	vnsel vm3, $0x0, v20  }
0x102: {  	v20 =	vshra.s32 v16, $0x1F;
	v5 =	vsel vm1, v5, v6;
	vm0 =	vgt.s32 v7, v8  }
0x103: {  	v20 =	vor.u32 $0x80000000, v20;
	vm1 =	vgt.s32 v5, v9;
	v6 =	vsel vm0, v7, v8  }
0x104: {  	s29 =	spop (v2sf);
	v13 =	vld [tilespmem:s0+$0xFFFFFFC0];
	vm0 =	vlt.s32 v17, $0x7FF;
	v8 =	vsel vm1, v5, v9;
	v9 =	vshra.s32 v10, $0x1F  }
0x105: {  	v24 =	vshra.s32 v14, $0x1F;
	v5 =	vmul.u32 $0x800, v0;
	s25 =	spop (v2sf);
	v9 =	vor.u32 $0x80000000, v9  }
0x106: {  	v18 =	vnsel vm0, $0x7FF, v17;
	s30 =	sxor.u32 $0x80000000, s25;
	s23 =	spop (v2sf);
	v9 =	vxor.u32 v10, v9;
	v10 =	vshra.s32 v12, $0x1F  }
0x107: {  	v25 =	vadd.s32 v5, v18;
	v7 =	vmov s30;
	s31 =	sxor.u32 $0x80000000, s23;
	v21 =	vshrl.u32 v9, $0x14  }
0x108: {  	v18 =	vld [tilespmem:s0+$0x0];
	v10 =	vor.u32 $0x80000000, v10;
	v11 =	vmov s31;
	vm0 =	veq.s32 v21, v7  }
0x109: {  	v10 =	vxor.u32 v12, v10;
	vm1 =	veq.s32 v21, v11;
	v21 =	vshra.s32 v13, $0x1F  }
0x10a: {  	v12 =	vor.u32 $0x80000000, v24;
	vm0 =	vmor vm0, vm1;
	v21 =	vor.u32 $0x80000000, v21  }
0x10b: {  	v12 =	vxor.u32 v14, v12;
	v26 =	vsel vm0, $0x1, v1;
	v27 =	vxor.u32 v13, v21  }
0x10c: {  	v13 =	vxor.u32 v19, v23;
	v21 =	vor.u32 $0x80000000, v22;
	v22 =	vshrl.u32 v12, $0x14  }
0x10d: {  	v14 =	vshra.s32 v18, $0x1F;
	v19 =	vshrl.u32 v13, $0x14;
	v23 =	vshrl.u32 v27, $0x14  }
0x10e: {  	v14 =	vor.u32 $0x80000000, v14;
	v15 =	vxor.u32 v15, v21;
	vm1 =	veq.s32 v19, v11  }
0x10f: {  	vm2 =	veq.s32 v19, v7;
	vm3 =	veq.s32 v23, v7;
	v14 =	vxor.u32 v18, v14  }
0x110: {  	v19 =	vshrl.u32 v15, $0x14;
	vm5 =	veq.s32 v23, v11;
	vm1 =	vmor vm2, vm1  }
0x111: {  	v18 =	vshrl.u32 v14, $0x14;
	vm4 =	veq.s32 v19, v11;
	vm8 =	veq.s32 v19, v7  }
0x112: {  	vm10 =	vmor vm3, vm5;
	vm3 =	veq.s32 v22, v7;
	vm5 =	veq.s32 v22, v11  }
0x113: {  	v22 =	vshrl.u32 v10, $0x14;
	v21 =	vsel vm1, $0x1, v1;
	vm2 =	veq.s32 v18, v7  }
0x114: {  	vm6 =	veq.s32 v18, v11;
	v18 =	vsel vm10, $0x1, v1;
	vm3 =	vmor vm3, vm5  }
0x115: {  	vm5 =	veq.s32 v22, v11;
	vm2 =	vmor vm2, vm6;
	v23 =	vadd.s32 v18, v17  }
0x116: {  	v17 =	vxor.u32 v16, v20;
	vm6 =	vmor vm8, vm4;
	vm4 =	veq.s32 v22, v7  }
0x117: {  	vm9 =	vlt.s32 v23, $0x7FF;
	v19 =	vadd.s32 v26, v23;
	v16 =	vsel vm2, $0x1, v1  }
0x118: {  	v20 =	vshrl.u32 v17, $0x14;
	v22 =	vsel vm6, $0x1, v1;
	vm4 =	vmor vm4, vm5  }
0x119: {  	vm7 =	vlt.s32 v19, $0x7FF;
	v18 =	vadd.s32 v21, v19;
	v21 =	vsel vm3, $0x1, v1  }
0x11a: {  	vm11 =	veq.s32 v20, v7;
	v23 =	vnsel vm9, $0x7FF, v23;
	v21 =	vadd.s32 v21, v18  }
0x11b: {  	vm13 =	veq.s32 v20, v11;
	v24 =	vadd.s32 v16, v21;
	v16 =	vsel vm4, $0x1, v1  }
0x11c: {  	vm8 =	vlt.s32 v18, $0x7FF;
	vm5 =	vmor vm11, vm13;
	v20 =	vadd.s32 v22, v24  }
0x11d: {  	vm9 =	vlt.s32 v21, $0x7FF;
	[tilespmem:v25+s14+$0x0] =	vst.idx.msk vm10, v27;
	v25 =	vsel vm5, $0x1, v1;
	v22 =	vadd.s32 v16, v20  }
0x11e: {  	s28 =	simm.s32 $0xC0;
	s26 =	simm.s32 $0x0;
	vm12 =	vlt.s32 v24, $0x7FF;
	vm11 =	vlt.s32 v20, $0x7FF;
	vm10 =	vlt.s32 v22, $0x7FF;
	v16 =	vmovc v5  }
.LBB2_9:
0x11f: {  	v26 =	vld [tilespmem:s28+$0xFFFFFFD0];
	s26 =	sadd.s32 $0x8, s26;
	v23 =	vadd.s32 v16, v23;
	v19 =	vnsel vm7, $0x7FF, v19;
	v24 =	vnsel vm12, $0x7FF, v24  }
0x120: {  	v25 =	vadd.s32 v25, v22;
	v27 =	vld [tilespmem:s28+$0x30];
	p0 =	slt.u32 s26, $0x7F8;
	v19 =	vadd.s32 v16, v19;
	v24 =	vadd.s32 v16, v24  }
0x121: {  	v18 =	vnsel vm8, $0x7FF, v18;
	v21 =	vnsel vm9, $0x7FF, v21;
	vm7 =	vlt.s32 v25, $0x7FF;
	v28 =	vld [tilespmem:s28+$0x20]  }
0x122: {  	v18 =	vadd.s32 v16, v18;
	v21 =	vadd.s32 v16, v21;
	v29 =	vld [tilespmem:s28+$0x10]  }
0x123: {  	v30 =	vnsel vm7, $0x7FF, v25;
	v31 =	vld [tilespmem:s28+$0xFFFFFFF0]  }
0x124: {  	v32 =	vld [tilespmem:s28+$0xFFFFFFC0];
	v33 =	vshra.s32 v26, $0x1F;
	[tilespmem:v23+s14+$0x0] =	vst.idx.msk vm0, v9;
	v9 =	vnsel vm11, $0x7FF, v20;
	v20 =	vnsel vm10, $0x7FF, v22  }
0x125: {  	v22 =	vor.u32 $0x80000000, v33;
	v23 =	vld [tilespmem:s28+$0xFFFFFFE0];
	v33 =	vshra.s32 v27, $0x1F;
	[tilespmem:v24+s14+$0x0] =	vst.idx.msk vm6, v15;
	v15 =	vadd.s32 v16, v9  }
0x126: {  	v9 =	vxor.u32 v26, v22;
	v22 =	vshra.s32 v28, $0x1F;
	[tilespmem:v19+s14+$0x0] =	vst.idx.msk vm1, v13;
	v13 =	vadd.s32 v16, v20  }
0x127: {  	v24 =	vor.u32 $0x80000000, v33;
	v16 =	vmovc v5;
	v19 =	vshrl.u32 v9, $0x14;
	v20 =	vshra.s32 v29, $0x1F;
	[tilespmem:v18+s14+$0x0] =	vst.idx.msk vm3, v12  }
0x128: {  	v12 =	vor.u32 $0x80000000, v22;
	vm0 =	veq.s32 v19, v7;
	vm1 =	veq.s32 v19, v11;
	[tilespmem:v21+s14+$0x0] =	vst.idx.msk vm2, v14  }
0x129: {  	v21 =	vadd.s32 v16, v30;
	v14 =	vshra.s32 v32, $0x1F;
	vm0 =	vmor vm0, vm1;
	v18 =	vld [tilespmem:s28+$0x0]  }
0x12a: {  	v22 =	vshra.s32 v31, $0x1F;
	v14 =	vor.u32 $0x80000000, v14;
	v19 =	vshra.s32 v23, $0x1F;
	[tilespmem:v15+s14+$0x0] =	vst.idx.msk vm4, v10  }
0x12b: {  	v26 =	vsel vm0, $0x1, v1;
	v10 =	vxor.u32 v28, v12;
	v15 =	vor.u32 $0x80000000, v19;
	[tilespmem:v13+s14+$0x0] =	vst.idx.msk vm5, v17  }
0x12c: {  	v12 =	vor.u32 $0x80000000, v22;
	v28 =	vxor.u32 v32, v14;
	v13 =	vxor.u32 v23, v15  }
0x12d: {  	v12 =	vxor.u32 v31, v12;
	v15 =	vor.u32 $0x80000000, v20;
	v14 =	vshrl.u32 v13, $0x14  }
0x12e: {  	v17 =	vshrl.u32 v12, $0x14;
	vm1 =	veq.s32 v14, v11;
	v19 =	vshra.s32 v18, $0x1F  }
0x12f: {  	v20 =	vshrl.u32 v28, $0x14;
	vm2 =	veq.s32 v14, v7;
	v14 =	vor.u32 $0x80000000, v19  }
0x130: {  	vm3 =	veq.s32 v20, v7;
	v15 =	vxor.u32 v29, v15;
	v14 =	vxor.u32 v18, v14  }
0x131: {  	vm1 =	vmor vm2, vm1;
	v19 =	vshrl.u32 v15, $0x14;
	v18 =	vshrl.u32 v14, $0x14  }
0x132: {  	v22 =	vsel vm1, $0x1, v1;
	vm4 =	veq.s32 v19, v11;
	vm2 =	veq.s32 v18, v7  }
0x133: {  	vm5 =	veq.s32 v20, v11;
	vm8 =	veq.s32 v19, v7;
	vm6 =	veq.s32 v18, v11  }
0x134: {  	vm5 =	vmor vm3, vm5;
	vm3 =	veq.s32 v17, v7;
	vm2 =	vmor vm2, vm6  }
0x135: {  	v20 =	vshrl.u32 v10, $0x14;
	v18 =	vsel vm5, $0x1, v1;
	vm6 =	veq.s32 v17, v11  }
0x136: {  	vm9 =	veq.s32 v20, v11;
	v23 =	vadd.s32 v18, v25;
	vm3 =	vmor vm3, vm6  }
0x137: {  	v17 =	vxor.u32 v27, v24;
	vm10 =	vlt.s32 v23, $0x7FF;
	v19 =	vadd.s32 v26, v23  }
0x138: {  	vm7 =	vlt.s32 v19, $0x7FF;
	v18 =	vadd.s32 v22, v19;
	v22 =	vsel vm2, $0x1, v1  }
0x139: {  	vm6 =	vmor vm8, vm4;
	vm4 =	veq.s32 v20, v7;
	v20 =	vshrl.u32 v17, $0x14  }
0x13a: {  	v25 =	vsel vm6, $0x1, v1;
	[tilespmem:v21+s14+$0x0] =	vst.idx.msk vm5, v28;
	v21 =	vsel vm3, $0x1, v1;
	vm5 =	veq.s32 v20, v7  }
.Ltmp7:
0x13b: {  	v23 =	vnsel vm10, $0x7FF, v23;
	vm10 =	veq.s32 v20, v11;
	v21 =	vadd.s32 v21, v18;
	(pc) =	sbr.rel @p0 .LBB2_9-.Ltmp7, $4  }
0x13c: {  	vm4 =	vmor vm4, vm9;
	vm8 =	vlt.s32 v18, $0x7FF;
	v24 =	vadd.s32 v22, v21  }
0x13d: {  	vm9 =	vlt.s32 v21, $0x7FF;
	v22 =	vsel vm4, $0x1, v1;
	v20 =	vadd.s32 v25, v24  }
0x13e: {  	vm5 =	vmor vm5, vm10;
	vm12 =	vlt.s32 v24, $0x7FF;
	v22 =	vadd.s32 v22, v20  }
0x13f: {  	s28 =	sadd.s32 $0x80, s28;
	v25 =	vsel vm5, $0x1, v1;
	vm11 =	vlt.s32 v20, $0x7FF;
	vm10 =	vlt.s32 v22, $0x7FF  }
0x140: {  	v7 =	vadd.s32 v25, v22  }
0x141: {  	vm13 =	vlt.s32 v7, $0x800  }
0x142: {  	v8 =	vxor.u32 $0x80000000, v8;
	v7 =	vnsel vm13, $0x800, v7  }
0x143: {  	(xrf0) =	vmax.scan.msk.u32 $0xffff, v8;
	v8 =	vxor.u32 $0x80000000, v7  }
0x144: {  	(xrf0) =	vmax.scan.msk.u32 $0xffff, v8;
	_ =	sdelay $0x4  }
0x145: {  	v8, _, _ =	vpop (xrf0)  }
0x146: {  	(v2sf) =	vpush v8, $0xF;
	v8, _, _ =	vpop (xrf0)  }
0x147: {  	(v2sf) =	vpush v8, $0xF;
	_ =	sdelay $0x5  }
0x148: {  	v11 =	vnsel vm12, $0x7FF, v24;
	v8 =	vadd.s32 v16, v23  }
0x149: {  	v19 =	vnsel vm7, $0x7FF, v19;
	v11 =	vadd.s32 v16, v11  }
0x14a: {  	v18 =	vnsel vm8, $0x7FF, v18;
	v19 =	vadd.s32 v16, v19  }
0x14b: {  	v21 =	vnsel vm9, $0x7FF, v21;
	v18 =	vadd.s32 v16, v18  }
0x14c: {  	v20 =	vnsel vm11, $0x7FF, v20;
	v21 =	vadd.s32 v16, v21  }
0x14d: {  	[tilespmem:v8+s14+$0x0] =	vst.idx.msk vm0, v9;
	v8 =	vnsel vm10, $0x7FF, v22;
	v9 =	vadd.s32 v16, v20  }
0x14e: {  	[tilespmem:v11+s14+$0x0] =	vst.idx.msk vm6, v15;
	v8 =	vadd.s32 v16, v8  }
.Ltmp8:
0x14f: {  	[tilespmem:v19+s14+$0x0] =	vst.idx.msk vm1, v13;
	(pc) =	sbr.rel .LBB2_11-.Ltmp8, $4  }
0x150: {  	[tilespmem:v18+s14+$0x0] =	vst.idx.msk vm3, v12;
	s0 =	spop (v2sf)  }
0x151: {  	[tilespmem:v21+s14+$0x0] =	vst.idx.msk vm2, v14;
	s0 =	sxor.u32 $0x80000000, s0;
	s26 =	spop (v2sf)  }
0x152: {  	s25 =	sshll.u32 s25, $0x14;
	[tilespmem:v9+s14+$0x0] =	vst.idx.msk vm4, v10;
	s0 =	ssub.s32 $0x40, s0;
	s26 =	sxor.u32 $0x80000000, s26  }
0x153: {  	s28 =	simm.s32 $0x0;
	v9 =	vmov s25;
	s25 =	simm.s32 $0x0;
	[tilespmem:v8+s14+$0x0] =	vst.idx.msk vm5, v17;
	v10 =	vmov s0;
	p0 =	slt.s32 s26, $0x1  }
.LBB2_13:
0x154: {  	v14 =	vimm.s32 $0x0;
	s29 =	simm.s32 $0x0  }
.LBB2_20:
0x155: {  	_ =	sdelay $0x3  }
0x156: {  	v13 =	vld.idx.msk [tilespmem:v13+s14+$0x0], $0xffff;
	_ =	sdelay $0x1  }
0x157: {  	v17 =	vmov @p1 s31;
	v16 =	vshrl.u32 @p1 v16, v12  }
0x158: {  	vm0 =	vlt.s32 @p1 v17, v7;
	vm1 =	veq.s32 @p1 v16, v11  }
0x159: {  	vm0 =	vmand @p1 vm0, vm1  }
0x15a: {  	v62 =	vmov s29;
	v16 =	vmpcnt.ones.xlane @p1 vm0;
	v61 =	vshrl.u32 v13, v12  }
0x15b: {  	v14 =	vadd.s32 @p2 v14, v15;
	vm14 =	vlt.s32 v62, v7;
	vm15 =	veq.s32 v61, v11  }
0x15c: {  	v12 =	vpsel p2, v14, v9;
	v11 =	vpsel p1, v16, v0;
	vm0 =	vmand vm14, vm15  }
0x15d: {  	v11 =	vadd.s32 @p1 v12, v11;
	v63 =	vmpcnt.ones.xlane vm0  }
0x15e: {  	v9 =	vpsel p1, v11, v9  }
0x15f: {  	v9 =	vadd.s32 v9, v63  }
.LBB2_21:
0x160: {  	s0 =	sshrl.u32 s15, s28;
	s28 =	sadd.s32 $0x1, s28  }
0x161: {  	p1 =	sne.s32 s28, $0x14  }
.Ltmp9:
0x162: {  	_ = 	snop;
	(pc) =	sbr.rel @!p1 .LBB2_22-.Ltmp9, $4  }
0x163: {  	_ = 	snop  }
0x164: {  	vm0 =	vgt.s32 v10, v9;
	v11 =	vmov s0  }
0x165: {  	v12 =	vnsel vm0, $0x0, v9;
	v11 =	vsel vm0, $0x0, v11  }
0x166: {  	v10 =	vsub.s32 v10, v12;
	v9 =	vor.u32 v8, v11  }
.LBB2_11:
.Ltmp10:
0x167: {  	(pc) =	sbr.rel @p0 .LBB2_21-.Ltmp10, $2  }
0x168: {  	_ =	sdelay $0x2  }
0x169: {  	v8 =	vmov v9;
	v9 =	vimm.s32 $0x0  }
0x16a: {  	p3 =	sne.s32 s26, $0x1  }
.Ltmp11:
0x16b: {  	_ = 	snop;
	(pc) =	sbr.rel @!p3 .LBB2_13-.Ltmp11, $4  }
0x16c: {  	_ = 	snop  }
0x16d: {  	s0 =	ssub.s32 $0x13, s28  }
0x16e: {  	v11 =	vshrl.u32 v8, s0  }
0x16f: {  	s29 =	simm.s32 $0x1;
	v13 =	vadd.s32 s25, v5;
	p1 =	por $0x0, $0x0;
	p2 =	por $0x0, $0x0;
	v12 =	vmov s0;
	v11 =	vor.u32 $0x1, v11  }
0x170: {  	p3 =	sne.s32 s26, $0x2  }
.Ltmp12:
0x171: {  	_ = 	snop;
	(pc) =	sbr.rel @!p3 .LBB2_15-.Ltmp12, $2  }
0x172: {  	_ =	sdelay $0x2  }
0x173: {  	v16 =	vld.idx.msk [tilespmem:v13+s14+$0x0], $0xffff;
	s30 =	simm.s32 $0x2;
	v13 =	vadd.s32 s29, v5;
	p1 =	por $0x1, $0x1  }
0x174: {  	_ =	sdelay $0x1  }
0x175: {  	p3 =	sne.s32 s26, $0x3  }
.Ltmp13:
0x176: {  	_ = 	snop;
	(pc) =	sbr.rel @!p3 .LBB2_17-.Ltmp13, $4  }
0x177: {  	v14 =	vmov s25;
	v15 =	vshrl.u32 v16, v12  }
0x178: {  	vm0 =	vlt.s32 v14, v7;
	vm1 =	veq.s32 v15, v11  }
0x179: {  	v16 =	vld.idx.msk [tilespmem:v13+s14+$0x0], $0xffff;
	v13 =	vadd.s32 s30, v5;
	vm0 =	vmand vm0, vm1  }
0x17a: {  	s31 =	simm.s32 $0x3;
	p2 =	por $0x1, $0x1;
	v14 =	vimm.s32 $0x0;
	v15 =	vmpcnt.ones.xlane vm0  }
.LBB2_18:
0x17b: {  	s0 =	smov.u32 s31;
	s31 =	sadd.s32 $0x1, s31  }
0x17c: {  	p3 =	sne.s32 s26, s31  }
.Ltmp14:
0x17d: {  	v14 =	vadd.s32 v14, v15;
	(pc) =	sbr.rel @p3 .LBB2_18-.Ltmp14, $4  }
0x17e: {  	v15 =	vmov s29;
	v17 =	vshrl.u32 v16, v12;
	s29 =	smov.u32 s30;
	v16 =	vld.idx.msk [tilespmem:v13+s14+$0x0], $0xffff  }
0x17f: {  	s30 =	smov.u32 s0;
	v13 =	vadd.s32 s0, v5;
	vm0 =	vlt.s32 v15, v7;
	vm1 =	veq.s32 v17, v11  }
0x180: {  	vm0 =	vmand vm0, vm1  }
0x181: {  	v15 =	vmpcnt.ones.xlane vm0  }
.Ltmp15:
0x182: {  	(pc) =	sbr.rel .LBB2_20-.Ltmp15, $2  }
0x183: {  	_ =	sdelay $0x2  }
0x184: {  	s31 =	smov.u32 s29;
	s29 =	smov.u32 s30  }
.LBB2_15:
.Ltmp16:
0x185: {  	(pc) =	sbr.rel .LBB2_20-.Ltmp16, $2  }
0x186: {  	_ =	sdelay $0x2  }
0x187: {  	v14 =	vimm.s32 $0x0;
	s31 =	simm.s32 $0x0  }
.LBB2_17:
.Ltmp17:
0x188: {  	(pc) =	sbr.rel .LBB2_20-.Ltmp17, $2  }
0x189: {  	_ =	sdelay $0x2  }
0x18a: {  	v14 =	vimm.s32 $0x0;
	s31 =	simm.s32 $0x1;
	s29 =	simm.s32 $0x2  }
.LBB2_22:
0x18b: {  	v6 =	vxor.u32 $0x80000000, v6  }
0x18c: {  	(xrf0) =	vmax.scan.msk.u32 $0xffff, v6;
	_ =	sdelay $0x5  }
0x18d: {  	v6, _, _ =	vpop (xrf0)  }
0x18e: {  	(v2sf) =	vpush v6, $0xF;
	_ =	sdelay $0xd  }
.Ltmp18:
0x18f: {  	_ = 	snop;
	(pc) =	sbr.rel .LBB2_23-.Ltmp18, $4  }
0x190: {  	s0 =	spop (v2sf)  }
0x191: {  	s0 =	sxor.u32 $0x80000000, s0  }
0x192: {  	s23 =	sshll.u32 s23, $0x14;
	s0 =	ssub.s32 $0x100, s0  }
0x193: {  	s25 =	simm.s32 $0x0;
	v11 =	vmov s23;
	s23 =	simm.s32 $0x0;
	v10 =	vmov s0  }
.LBB2_25:
0x194: {  	v15 =	vimm.s32 $0x0;
	s28 =	simm.s32 $0x0  }
.LBB2_32:
0x195: {  	_ =	sdelay $0x3  }
0x196: {  	v14 =	vld.idx.msk [tilespmem:v14+s14+$0x0], $0xffff;
	_ =	sdelay $0x1  }
0x197: {  	v18 =	vmov @p1 s30;
	v17 =	vshrl.u32 @p1 v17, v13  }
0x198: {  	vm0 =	vlt.s32 @p1 v18, v7;
	vm1 =	veq.s32 @p1 v17, v12  }
0x199: {  	vm0 =	vmand @p1 vm0, vm1  }
0x19a: {  	v62 =	vmov s28;
	v17 =	vmpcnt.ones.xlane @p1 vm0;
	v61 =	vshrl.u32 v14, v13  }
0x19b: {  	v15 =	vadd.s32 @p2 v15, v16;
	vm14 =	vlt.s32 v62, v7;
	vm15 =	veq.s32 v61, v12  }
0x19c: {  	v13 =	vpsel p2, v15, v11;
	v12 =	vpsel p1, v17, v0;
	vm0 =	vmand vm14, vm15  }
0x19d: {  	v12 =	vadd.s32 @p1 v13, v12;
	v63 =	vmpcnt.ones.xlane vm0  }
0x19e: {  	v11 =	vpsel p1, v12, v11  }
0x19f: {  	v11 =	vadd.s32 v11, v63  }
.LBB2_33:
0x1a0: {  	s0 =	sshrl.u32 s15, s25;
	s25 =	sadd.s32 $0x1, s25  }
0x1a1: {  	p1 =	sne.s32 s25, $0x14  }
.Ltmp19:
0x1a2: {  	_ = 	snop;
	(pc) =	sbr.rel @!p1 .LBB2_34-.Ltmp19, $4  }
0x1a3: {  	_ = 	snop  }
0x1a4: {  	vm0 =	vgt.s32 v10, v11;
	v12 =	vmov s0  }
0x1a5: {  	v13 =	vnsel vm0, $0x0, v11;
	v12 =	vsel vm0, $0x0, v12  }
0x1a6: {  	v10 =	vsub.s32 v10, v13;
	v11 =	vor.u32 v6, v12  }
.LBB2_23:
.Ltmp20:
0x1a7: {  	(pc) =	sbr.rel @p0 .LBB2_33-.Ltmp20, $2  }
0x1a8: {  	_ =	sdelay $0x2  }
0x1a9: {  	v6 =	vmov v11;
	v11 =	vimm.s32 $0x0  }
0x1aa: {  	p3 =	sne.s32 s26, $0x1  }
.Ltmp21:
0x1ab: {  	_ = 	snop;
	(pc) =	sbr.rel @!p3 .LBB2_25-.Ltmp21, $4  }
0x1ac: {  	_ = 	snop  }
0x1ad: {  	s0 =	ssub.s32 $0x13, s25  }
0x1ae: {  	v12 =	vshrl.u32 v6, s0  }
0x1af: {  	s28 =	simm.s32 $0x1;
	v14 =	vadd.s32 s23, v5;
	p1 =	por $0x0, $0x0;
	p2 =	por $0x0, $0x0;
	v13 =	vmov s0;
	v12 =	vor.u32 $0x1, v12  }
0x1b0: {  	p3 =	sne.s32 s26, $0x2  }
.Ltmp22:
0x1b1: {  	_ = 	snop;
	(pc) =	sbr.rel @!p3 .LBB2_27-.Ltmp22, $2  }
0x1b2: {  	_ =	sdelay $0x2  }
0x1b3: {  	v17 =	vld.idx.msk [tilespmem:v14+s14+$0x0], $0xffff;
	s29 =	simm.s32 $0x2;
	v14 =	vadd.s32 s28, v5;
	p1 =	por $0x1, $0x1  }
0x1b4: {  	_ =	sdelay $0x1  }
0x1b5: {  	p3 =	sne.s32 s26, $0x3  }
.Ltmp23:
0x1b6: {  	_ = 	snop;
	(pc) =	sbr.rel @!p3 .LBB2_29-.Ltmp23, $4  }
0x1b7: {  	v15 =	vmov s23;
	v16 =	vshrl.u32 v17, v13  }
0x1b8: {  	vm0 =	vlt.s32 v15, v7;
	vm1 =	veq.s32 v16, v12  }
0x1b9: {  	v17 =	vld.idx.msk [tilespmem:v14+s14+$0x0], $0xffff;
	v14 =	vadd.s32 s29, v5;
	vm0 =	vmand vm0, vm1  }
0x1ba: {  	s30 =	simm.s32 $0x3;
	p2 =	por $0x1, $0x1;
	v15 =	vimm.s32 $0x0;
	v16 =	vmpcnt.ones.xlane vm0  }
.LBB2_30:
0x1bb: {  	s0 =	smov.u32 s30;
	s30 =	sadd.s32 $0x1, s30  }
0x1bc: {  	p3 =	sne.s32 s26, s30  }
.Ltmp24:
0x1bd: {  	v15 =	vadd.s32 v15, v16;
	(pc) =	sbr.rel @p3 .LBB2_30-.Ltmp24, $4  }
0x1be: {  	v16 =	vmov s28;
	v18 =	vshrl.u32 v17, v13;
	s28 =	smov.u32 s29;
	v17 =	vld.idx.msk [tilespmem:v14+s14+$0x0], $0xffff  }
0x1bf: {  	s29 =	smov.u32 s0;
	v14 =	vadd.s32 s0, v5;
	vm0 =	vlt.s32 v16, v7;
	vm1 =	veq.s32 v18, v12  }
0x1c0: {  	vm0 =	vmand vm0, vm1  }
0x1c1: {  	v16 =	vmpcnt.ones.xlane vm0  }
.Ltmp25:
0x1c2: {  	(pc) =	sbr.rel .LBB2_32-.Ltmp25, $2  }
0x1c3: {  	_ =	sdelay $0x2  }
0x1c4: {  	s30 =	smov.u32 s28;
	s28 =	smov.u32 s29  }
.LBB2_27:
.Ltmp26:
0x1c5: {  	(pc) =	sbr.rel .LBB2_32-.Ltmp26, $2  }
0x1c6: {  	_ =	sdelay $0x2  }
0x1c7: {  	v15 =	vimm.s32 $0x0;
	s30 =	simm.s32 $0x0  }
.LBB2_29:
.Ltmp27:
0x1c8: {  	(pc) =	sbr.rel .LBB2_32-.Ltmp27, $2  }
0x1c9: {  	_ =	sdelay $0x2  }
0x1ca: {  	v15 =	vimm.s32 $0x0;
	s30 =	simm.s32 $0x1;
	s28 =	simm.s32 $0x2  }
.LBB2_34:
0x1cb: {  	s23 =	sand.u32 $0x70, s24  }
0x1cc: {  	v7 =	vld [tilespmem:s23+$0x1C000]  }
0x1cd: {  	v10 =	vld [tilespmem:s23+$0x1C080]  }
0x1ce: {  	s0 =	sand.u32 $0xE, s24;
	vm0 =	vgt.s32 v8, $0xFFFFFFFF  }
0x1cf: {  	vm15 =	vgt.s32 v6, $0xFFFFFFFF;
	v8 =	vsel vm0, $0xFFFFFFFF, v4;
	v6 =	vmov s0  }
0x1d0: {  	v8 =	vxor.u32 v9, v8;
	vm1 =	veq.s32 v6, v0;
	v6 =	vsel vm15, $0xFFFFFFFF, v4  }
0x1d1: {  	s30 =	smin.u32 s24, $0x7D;
	v6 =	vxor.u32 v11, v6;
	v7 =	vsel vm1, v8, v7  }
0x1d2: {  	s0 =	sadd.s32 $0x2, s30;
	v6 =	vsel vm1, v6, v10;
	[tilespmem:s23+$0x1C000] =	vst v7  }
0x1d3: {  	s31 =	sadd.s32 s3, s0;
	s0 =	sshll.u32 s0, $0x4;
	[tilespmem:s23+$0x1C080] =	vst v6  }
0x1d4: {  	s24 =	sshll.u32 s31, $0xC;
	s0 =	sand.u32 $0x70, s0;
	_ =	swait.ge [sflag:s16], $0x8000  }
0x1d5: {  	s24 =	sand.u32 $0x1FF8000, s24;
	s0 =	sadd.s32 s4, s0;
	[sflag:s16] =	ssyncset.done $0x0  }
0x1d6: {  	s0 =	sadd.s32 s24, s0;
	s24 =	simm.s32 $0x18040;
	[sflag:s16] =	ssyncadd.s32 $0xFFFF8000  }
0x1d7: {  	[tilespmem:s2], [sflag:$0x1] =	stream.strided.gather [hbm4b:s0+s9], $0x8000, s10, s9, $0x38;
	[tilespmem:$0x1C100] =	vst v63  }
0x1d8: {  	[tilespmem:s24+$0xFFFFFFC0] =	vst v1  }
0x1d9: {  	[tilespmem:s24+$0x30] =	vst v1  }
0x1da: {  	[tilespmem:s24+$0x20] =	vst v1  }
0x1db: {  	[tilespmem:s24+$0x10] =	vst v1  }
0x1dc: {  	[tilespmem:s24+$0x0] =	vst v1  }
0x1dd: {  	[tilespmem:s24+$0xFFFFFFF0] =	vst v1  }
0x1de: {  	s26 =	simm.s32 $0x0;
	[tilespmem:s24+$0xFFFFFFE0] =	vst v1  }
.LBB2_35:
0x1df: {  	s26 =	sadd.s32 $0x8, s26;
	[tilespmem:s24+$0xFFFFFFD0] =	vst v1;
	s24 =	sadd.s32 $0x80, s24;
	s25 =	simm.s32 $0x8040  }
0x1e0: {  	[tilespmem:s24+$0xFFFFFFC0] =	vst v1;
	p0 =	slt.u32 s26, $0x3F8  }
0x1e1: {  	[tilespmem:s24+$0x30] =	vst v1  }
.Ltmp28:
0x1e2: {  	[tilespmem:s24+$0x20] =	vst v1;
	(pc) =	sbr.rel @p0 .LBB2_35-.Ltmp28, $4  }
0x1e3: {  	[tilespmem:s24+$0x10] =	vst v1  }
0x1e4: {  	[tilespmem:s24+$0x0] =	vst v1  }
0x1e5: {  	[tilespmem:s24+$0xFFFFFFF0] =	vst v1  }
0x1e6: {  	[tilespmem:s24+$0xFFFFFFE0] =	vst v1  }
0x1e7: {  	[tilespmem:s24+$0xFFFFFFD0] =	vst v1  }
0x1e8: {  	v6 =	vld [tilespmem:s25+$0x30]  }
0x1e9: {  	v7 =	vld [tilespmem:s25+$0xFFFFFFD0]  }
0x1ea: {  	v8 =	vld [tilespmem:s25+$0xFFFFFFE0]  }
0x1eb: {  	v10 =	vld [tilespmem:s25+$0x0]  }
0x1ec: {  	v11 =	vld [tilespmem:s25+$0x10]  }
0x1ed: {  	v14 =	vld [tilespmem:s25+$0x20];
	_ =	sdelay $0x2  }
0x1ee: {  	v9 =	vld [tilespmem:s25+$0xFFFFFFF0]  }
0x1ef: {  	v12 =	vshra.s32 v6, $0x1F;
	v13 =	vshra.s32 v7, $0x1F;
	v16 =	vshra.s32 v8, $0x1F  }
0x1f0: {  	v17 =	vshra.s32 v10, $0x1F;
	v19 =	vshra.s32 v11, $0x1F;
	v20 =	vshra.s32 v14, $0x1F  }
0x1f1: {  	v15 =	vld [tilespmem:s25+$0xFFFFFFC0];
	v12 =	vor.u32 $0x80000000, v12;
	v13 =	vor.u32 $0x80000000, v13;
	v17 =	vor.u32 $0x80000000, v17  }
0x1f2: {  	v19 =	vor.u32 $0x80000000, v19;
	v20 =	vor.u32 $0x80000000, v20;
	v6 =	vxor.u32 v6, v12  }
0x1f3: {  	v12 =	vor.u32 $0x80000000, v16;
	v16 =	vshra.s32 v9, $0x1F;
	v6 =	vshrl.u32 v6, $0x14  }
0x1f4: {  	v7 =	vxor.u32 v7, v13;
	v14 =	vxor.u32 v14, v20;
	v18 =	vand.u32 $0xF80, v6  }
0x1f5: {  	v16 =	vor.u32 $0x80000000, v16;
	v6 =	vand.u32 $0x7F, v6;
	v18 =	vor.u32 v2, v18  }
0x1f6: {  	v8 =	vxor.u32 v8, v12;
	v18 =	vor.u32 v6, v18;
	v6 =	vshra.s32 v15, $0x1F  }
0x1f7: {  	v12 =	vshrl.u32 v7, $0x14;
	v13 =	vxor.u32 v9, v16;
	v6 =	vor.u32 $0x80000000, v6  }
0x1f8: {  	v6 =	vxor.u32 v15, v6;
	v15 =	vxor.u32 v10, v17;
	v10 =	vshrl.u32 v8, $0x14  }
0x1f9: {  	v8 =	vshrl.u32 v13, $0x14;
	v9 =	vshrl.u32 v6, $0x14;
	v6 =	vxor.u32 v11, v19  }
0x1fa: {  	v11 =	vshrl.u32 v15, $0x14;
	v15 =	vand.u32 $0xF80, v10;
	v16 =	vand.u32 $0xF80, v8  }
0x1fb: {  	v7 =	vshrl.u32 v6, $0x14;
	v6 =	vshrl.u32 v14, $0x14;
	v13 =	vand.u32 $0xF80, v9  }
0x1fc: {  	v14 =	vand.u32 $0xF80, v12;
	v17 =	vand.u32 $0xF80, v11;
	v19 =	vor.u32 v2, v15  }
0x1fd: {  	v16 =	vor.u32 v2, v16;
	v20 =	vand.u32 $0xF80, v7;
	[tilespmem:v18+s13+$0x0] =	vst.idx.add.s32.msk $0xffff, v3;
	v18 =	vor.u32 v2, v13  }
0x1fe: {  	s24 =	simm.s32 $0x0;
	s26 =	simm.s32 $0x80C0;
	v14 =	vor.u32 v2, v14;
	v21 =	vand.u32 $0xF80, v6;
	v13 =	vor.u32 v2, v17  }
.LBB2_37:
0x1ff: {  	v22 =	vld [tilespmem:s26+$0x30];
	s24 =	sadd.s32 $0x8, s24;
	v9 =	vand.u32 $0x7F, v9;
	v15 =	vor.u32 v2, v20;
	v17 =	vor.u32 v2, v21  }
0x200: {  	v12 =	vand.u32 $0x7F, v12;
	v10 =	vand.u32 $0x7F, v10;
	v8 =	vand.u32 $0x7F, v8;
	v20 =	vld [tilespmem:s26+$0xFFFFFFD0];
	p0 =	slt.u32 s24, $0x7F8  }
0x201: {  	v11 =	vand.u32 $0x7F, v11;
	v7 =	vand.u32 $0x7F, v7;
	v6 =	vand.u32 $0x7F, v6;
	v21 =	vld [tilespmem:s26+$0xFFFFFFE0]  }
0x202: {  	v9 =	vor.u32 v9, v18;
	v12 =	vor.u32 v12, v14;
	v10 =	vor.u32 v10, v19;
	v23 =	vld [tilespmem:s26+$0xFFFFFFF0]  }
0x203: {  	v8 =	vor.u32 v8, v16;
	v11 =	vor.u32 v11, v13;
	v7 =	vor.u32 v7, v15;
	v14 =	vld [tilespmem:s26+$0x0]  }
0x204: {  	v15 =	vimm.s32 $0x0;
	v6 =	vor.u32 v6, v17;
	v13 =	vld [tilespmem:s26+$0x10];
	v16 =	vshra.s32 v22, $0x1F  }
0x205: {  	v17 =	vimm.s32 $0xFFFFFFFF;
	v18 =	vshra.s32 v20, $0x1F;
	v19 =	vld [tilespmem:s26+$0x20];
	v16 =	vor.u32 $0x80000000, v16  }
0x206: {  	v24 =	vld [tilespmem:s26+$0xFFFFFFC0];
	v18 =	vor.u32 $0x80000000, v18;
	v25 =	vshra.s32 v21, $0x1F;
	v16 =	vxor.u32 v22, v16  }
0x207: {  	v22 =	vor.u32 $0x80000000, v25;
	v25 =	vshra.s32 v23, $0x1F;
	v16 =	vshrl.u32 v16, $0x14;
	[tilespmem:v9+s13+$0x0] =	vst.idx.add.s32.msk $0xffff, v3  }
0x208: {  	v9 =	vor.u32 $0x80000000, v25;
	v25 =	vshra.s32 v14, $0x1F;
	v26 =	vand.u32 $0xF80, v16;
	[tilespmem:v12+s13+$0x0] =	vst.idx.add.s32.msk $0xffff, v3  }
0x209: {  	v16 =	vand.u32 $0x7F, v16;
	v12 =	vshra.s32 v13, $0x1F;
	v26 =	vor.u32 v2, v26;
	[tilespmem:v10+s13+$0x0] =	vst.idx.add.s32.msk $0xffff, v3  }
0x20a: {  	v10 =	vor.u32 $0x80000000, v25;
	v25 =	vshra.s32 v19, $0x1F;
	v16 =	vor.u32 v16, v26;
	[tilespmem:v8+s13+$0x0] =	vst.idx.add.s32.msk $0xffff, v3  }
0x20b: {  	v12 =	vor.u32 $0x80000000, v12;
	v8 =	vshra.s32 v24, $0x1F;
	v25 =	vor.u32 $0x80000000, v25;
	[tilespmem:v11+s13+$0x0] =	vst.idx.add.s32.msk $0xffff, v3  }
0x20c: {  	v11 =	vxor.u32 v20, v18;
	v18 =	vxor.u32 v21, v22;
	v8 =	vor.u32 $0x80000000, v8;
	[tilespmem:v7+s13+$0x0] =	vst.idx.add.s32.msk $0xffff, v3  }
0x20d: {  	v14 =	vxor.u32 v14, v10;
	v7 =	vxor.u32 v24, v8;
	v8 =	vxor.u32 v23, v9  }
0x20e: {  	v9 =	vshrl.u32 v7, $0x14;
	v7 =	vxor.u32 v13, v12;
	v13 =	vxor.u32 v19, v25;
	[tilespmem:v6+s13+$0x0] =	vst.idx.add.s32.msk $0xffff, v3  }
0x20f: {  	s25 =	simm.s32 $0x0;
	s28 =	simm.s32 $0x1A010;
	v10 =	vshrl.u32 v18, $0x14;
	v12 =	vshrl.u32 v11, $0x14;
	v8 =	vshrl.u32 v8, $0x14;
	[tilespmem:v16+s13+$0x0] =	vst.idx.add.s32.msk $0xffff, v3  }
.Ltmp29:
0x210: {  	v11 =	vshrl.u32 v14, $0x14;
	v7 =	vshrl.u32 v7, $0x14;
	v6 =	vshrl.u32 v13, $0x14;
	(pc) =	sbr.rel @p0 .LBB2_37-.Ltmp29, $4  }
0x211: {  	v13 =	vand.u32 $0xF80, v9;
	v14 =	vand.u32 $0xF80, v12;
	v16 =	vand.u32 $0xF80, v10  }
0x212: {  	v22 =	vand.u32 $0xF80, v8;
	v23 =	vand.u32 $0xF80, v11;
	v20 =	vand.u32 $0xF80, v7  }
0x213: {  	v18 =	vor.u32 v2, v13;
	v14 =	vor.u32 v2, v14;
	v21 =	vand.u32 $0xF80, v6  }
0x214: {  	s26 =	sadd.s32 $0x80, s26;
	v19 =	vor.u32 v2, v16;
	v16 =	vor.u32 v2, v22;
	v13 =	vor.u32 v2, v23  }
0x215: {  	v9 =	vand.u32 $0x7F, v9  }
0x216: {  	v12 =	vand.u32 $0x7F, v12;
	v9 =	vor.u32 v9, v18  }
0x217: {  	v10 =	vand.u32 $0x7F, v10;
	v12 =	vor.u32 v12, v14  }
0x218: {  	v8 =	vand.u32 $0x7F, v8;
	v10 =	vor.u32 v10, v19  }
0x219: {  	v11 =	vand.u32 $0x7F, v11;
	v8 =	vor.u32 v8, v16  }
0x21a: {  	v7 =	vand.u32 $0x7F, v7;
	v14 =	vor.u32 v2, v20;
	v11 =	vor.u32 v11, v13  }
0x21b: {  	v6 =	vand.u32 $0x7F, v6;
	v13 =	vor.u32 v2, v21;
	v7 =	vor.u32 v7, v14;
	[tilespmem:v9+s13+$0x0] =	vst.idx.add.s32.msk $0xffff, v3  }
0x21c: {  	v6 =	vor.u32 v6, v13;
	[tilespmem:v12+s13+$0x0] =	vst.idx.add.s32.msk $0xffff, v3  }
0x21d: {  	[tilespmem:v10+s13+$0x0] =	vst.idx.add.s32.msk $0xffff, v3  }
0x21e: {  	[tilespmem:v8+s13+$0x0] =	vst.idx.add.s32.msk $0xffff, v3  }
0x21f: {  	[tilespmem:v11+s13+$0x0] =	vst.idx.add.s32.msk $0xffff, v3  }
0x220: {  	[tilespmem:v7+s13+$0x0] =	vst.idx.add.s32.msk $0xffff, v3  }
0x221: {  	[tilespmem:v6+s13+$0x0] =	vst.idx.add.s32.msk $0xffff, v3  }
0x222: {  	v6 =	vld [tilespmem:s28+$0xFFFFDFF0]  }
0x223: {  	v7 =	vld [tilespmem:s28+$0x0]  }
0x224: {  	v8 =	vld [tilespmem:s28+$0xFFFFF000]  }
0x225: {  	s0 =	sand.u32 $0xFC0, s25;
	v9 =	vld [tilespmem:s28+$0xFFFFE000]  }
0x226: {  	v10 =	vld [tilespmem:s0+$0x19000]  }
0x227: {  	v11 =	vld [tilespmem:s0+$0x1A000]  }
0x228: {  	v12 =	vld [tilespmem:s0+$0x1B000]  }
0x229: {  	v13 =	vld [tilespmem:s28+$0x10]  }
0x22a: {  	v16 =	vld [tilespmem:s28+$0xFFFFF020]  }
0x22b: {  	v20 =	vld [tilespmem:s28+$0x1000]  }
0x22c: {  	v18 =	vld [tilespmem:s28+$0xFFFFE010]  }
0x22d: {  	v19 =	vld [tilespmem:s28+$0xFFFFF010];
	v6 =	vadd.s32 v6, v10  }
0x22e: {  	v21 =	vld [tilespmem:s28+$0xFFFFE020];
	v8 =	vadd.s32 v9, v8;
	v6 =	vadd.s32 v11, v6  }
0x22f: {  	v10 =	vld [tilespmem:s28+$0x1010];
	v7 =	vadd.s32 v7, v8;
	v6 =	vadd.s32 v12, v6  }
0x230: {  	v14 =	vld [tilespmem:s28+$0x20];
	v25 =	vadd.s32 v20, v7;
	(xrf0) =	vadd.scan.msk.s32 $0xffff, v6  }
0x231: {  	v9 =	vld [tilespmem:s28+$0x1020];
	(xrf0) =	vadd.scan.msk.s32 $0xffff, v25  }
0x232: {  	v8 =	vadd.s32 v18, v19  }
0x233: {  	v8 =	vadd.s32 v13, v8  }
0x234: {  	v7 =	vadd.s32 v21, v16;
	v11 =	vadd.s32 v10, v8  }
0x235: {  	v7 =	vadd.s32 v14, v7;
	(xrf0) =	vadd.scan.msk.s32 $0xffff, v11  }
0x236: {  	v7 =	vadd.s32 v9, v7;
	v8, _, _ =	vpop (xrf0)  }
0x237: {  	(xrf0) =	vadd.scan.msk.s32 $0xffff, v7;
	(v2sf) =	vpush v8, $0xF;
	v27, _, _ =	vpop (xrf0)  }
0x238: {  	(v2sf) =	vpush v27, $0xF;
	_ =	sdelay $0x1  }
0x239: {  	s24 =	simm.s32 $0x40;
	s0 =	simm.s32 $0x1A050  }
0x23a: {  	s28 =	sand.u32 $0xFC0, s24;
	v18 =	vld [tilespmem:s0+$0xFFFFE000];
	v9, _, _ =	vpop (xrf0)  }
0x23b: {  	v19 =	vld [tilespmem:s28+$0x19000];
	(v2sf) =	vpush v9, $0xF  }
0x23c: {  	v13 =	vld [tilespmem:s0+$0xFFFFDFF0];
	v12, _, _ =	vpop (xrf0)  }
0x23d: {  	v16 =	vld [tilespmem:s0+$0xFFFFF000];
	(v2sf) =	vpush v12, $0xF;
	_ =	sdelay $0x1  }
0x23e: {  	v20 =	vld [tilespmem:s28+$0x1A000];
	v10 =	vmov s25  }
0x23f: {  	v14 =	vld [tilespmem:s0+$0x0];
	v10 =	vsub.s32 $0x8000, v10  }
0x240: {  	v10 =	vbroadcast v10, $0x0;
	v13 =	vadd.s32 v13, v19;
	v19 =	vld [tilespmem:s0+$0xFFFFF020]  }
0x241: {  	v16 =	vadd.s32 v18, v16;
	v18 =	vld [tilespmem:s0+$0xFFFFE020]  }
0x242: {  	v10 =	vsub.s32 v10, v8  }
0x243: {  	v21 =	vor.u32 s25, v0;
	v13 =	vadd.s32 v20, v13;
	v6 =	vadd.s32 v6, v10  }
0x244: {  	s29 =	simm.s32 $0x20;
	v14 =	vadd.s32 v14, v16;
	vm0 =	vgt.s32 v6, $0xFF;
	vm1 =	vgt.s32 v6, $0x3F;
	v6 =	vld [tilespmem:s28+$0x1B000];
	s26 =	spop (v2sf)  }
0x245: {  	v8 =	vor.u32 s29, v0;
	vm2 =	vlt.s32 v10, $0x100;
	vm3 =	vlt.s32 v10, $0x40;
	s26 =	sadd.s32 $0x0, s26;
	s28 =	spop (v2sf)  }
0x246: {  	v24 =	vnsel vm3, $0x0, v10;
	v28 =	vnsel vm2, $0x0, v10;
	v18 =	vadd.s32 v18, v19;
	s29 =	sadd.s32 s26, s28  }
0x247: {  	v22 =	vld [tilespmem:s0+$0x10];
	v29 =	vnsel vm1, $0xFFFFFFFF, v21;
	vm7 =	vmmov vm0;
	v10 =	vmov s29  }
0x248: {  	v23 =	vld [tilespmem:s0+$0x20];
	vm6 =	vgt.s32 v15, v28;
	vm8 =	vgt.s32 v15, v24;
	v10 =	vsub.s32 $0x0, v10  }
0x249: {  	v16 =	vld [tilespmem:s0+$0xFFFFE010];
	vm5 =	vgt.s32 v17, v29;
	v6 =	vadd.s32 v6, v13;
	s28 =	spop (v2sf);
	v10 =	vbroadcast v10, $0x0  }
0x24a: {  	v20 =	vld [tilespmem:s0+$0xFFFFF010];
	v32 =	vnsel vm7, $0xFFFFFFFF, v21;
	v24 =	vsel vm8, v15, v24;
	v15 =	vsel vm6, v15, v28;
	(xrf0) =	vadd.scan.msk.s32 $0xffff, v6;
	s28 =	sadd.s32 s29, s28  }
0x24b: {  	v30 =	vld [tilespmem:s0+$0x1000];
	vm8 =	vgt.s32 v17, v32;
	s31 =	spop (v2sf);
	v26 =	vmov s28;
	v9 =	vsub.s32 v10, v9  }
0x24c: {  	v28 =	vsel vm5, v17, v29;
	s25 =	sadd.s32 s28, s31;
	v10 =	vadd.s32 $0x8000, v9;
	v9 =	vsub.s32 $0x0, v26;
	v26 =	vld [tilespmem:s0+$0x1010]  }
0x24d: {  	v19 =	vld [tilespmem:s0+$0x1020];
	v13 =	vmov s25;
	v11 =	vadd.s32 v11, v10;
	v9 =	vbroadcast v9, $0x0  }
0x24e: {  	v13 =	vsub.s32 $0x8000, v13;
	vm1 =	vgt.s32 v11, $0x3F;
	vm2 =	vgt.s32 v11, $0xFF  }
0x24f: {  	v9 =	vsub.s32 v9, v12;
	v12 =	vbroadcast v13, $0x0;
	v13 =	vadd.s32 v16, v20  }
0x250: {  	v31 =	vadd.s32 $0x8000, v9;
	v9 =	vadd.s32 v30, v14;
	v13 =	vadd.s32 v22, v13;
	v14, _, _ =	vpop (xrf0)  }
0x251: {  	s31 =	simm.s32 $0x10;
	v11 =	vadd.s32 v23, v18;
	v16 =	vadd.s32 v26, v13;
	(xrf0) =	vadd.scan.msk.s32 $0xffff, v9;
	(v2sf) =	vpush v14, $0xF  }
0x252: {  	v33 =	vor.u32 s31, v0;
	v18 =	vmov s26;
	v11 =	vadd.s32 v19, v11;
	(xrf0) =	vadd.scan.msk.s32 $0xffff, v16  }
0x253: {  	s29 =	simm.s32 $0x60;
	vm0 =	vlt.s32 v10, $0x40;
	vm13 =	vlt.s32 v10, $0x100;
	v18 =	vsub.s32 $0x0, v18;
	(xrf0) =	vadd.scan.msk.s32 $0xffff, v11  }
0x254: {  	v20 =	vnsel vm13, $0x0, v10;
	v22 =	vor.u32 s29, v0;
	v34 =	vbroadcast v18, $0x0  }
0x255: {  	s28 =	simm.s32 $0x30;
	v30 =	vadd.s32 v7, v31;
	v12 =	vsub.s32 v12, v14;
	vm9 =	vlt.s32 v31, $0x40  }
0x256: {  	vm10 =	vlt.s32 v31, $0x100;
	v26 =	vor.u32 s28, v0;
	v13 =	vor.u32 s24, v0  }
0x257: {  	v6 =	vadd.s32 v6, v12;
	vm3 =	vgt.s32 v30, $0xFF;
	vm12 =	vlt.s32 v12, $0x100;
	v14, _, _ =	vpop (xrf0)  }
0x258: {  	vm14 =	vlt.s32 v12, $0x40;
	v18 =	vnsel vm9, $0x0, v31;
	(v2sf) =	vpush v14, $0xF;
	v23, _, _ =	vpop (xrf0)  }
0x259: {  	v19 =	vnsel vm10, $0x0, v31;
	v31 =	vsub.s32 v34, v27;
	(v2sf) =	vpush v23, $0xF;
	v21, _, _ =	vpop (xrf0)  }
0x25a: {  	vm7 =	vgt.s32 v30, $0x3F;
	v27 =	vsel vm8, v17, v32;
	(v2sf) =	vpush v21, $0xF  }
0x25b: {  	vm4 =	vgt.s32 v6, $0xFF;
	vm11 =	vgt.s32 v6, $0x3F;
	v7 =	vnsel vm14, $0x0, v12  }
0x25c: {  	v6 =	vnsel vm12, $0x0, v12;
	v31 =	vadd.s32 $0x8000, v31;
	v12 =	vnsel vm11, $0xFFFFFFFF, v13  }
0x25d: {  	v25 =	vadd.s32 v25, v31;
	vm5 =	vlt.s32 v31, $0x40;
	vm6 =	vlt.s32 v31, $0x100  }
0x25e: {  	vm8 =	vgt.s32 v25, $0x3F;
	v17 =	vnsel vm5, $0x0, v31;
	vm5 =	vgt.s32 v25, $0xFF  }
0x25f: {  	v25 =	vnsel vm6, $0x0, v31;
	v30 =	vnsel vm8, $0xFFFFFFFF, v33;
	v29 =	vnsel vm5, $0xFFFFFFFF, v33  }
0x260: {  	s26 =	simm.s32 $0x80;
	s28 =	simm.s32 $0x1A090;
	vm6 =	vgt.s32 v15, v25;
	vm9 =	vgt.s32 v28, v30;
	vm8 =	vgt.s32 v27, v29;
	s30 =	spop (v2sf)  }
.LBB2_39:
0x261: {  	s0 =	sand.u32 $0xFC0, s26;
	vm10 =	vgt.s32 v24, v17  }
0x262: {  	v31 =	vld [tilespmem:s28+$0xFFFFDFF0];
	p0 =	sne.s32 s26, $0xFC0;
	v32 =	vnsel vm7, $0xFFFFFFFF, v26;
	v26 =	vnsel vm3, $0xFFFFFFFF, v26;
	vm5 =	vmmov vm4;
	s29 =	smov.u32 s26;
	s26 =	sadd.s32 $0x40, s26  }
0x263: {  	v10 =	vnsel vm0, $0x0, v10;
	v33 =	vld [tilespmem:s28+$0x0];
	v17 =	vsel vm10, v24, v17;
	v24 =	vnsel vm2, $0xFFFFFFFF, v8  }
0x264: {  	v15 =	vsel vm6, v15, v25;
	v25 =	vnsel vm1, $0xFFFFFFFF, v8;
	v8 =	vmovc v22;
	v34 =	vld [tilespmem:s28+$0xFFFFF000];
	vm0 =	vgt.s32 v17, v10  }
0x265: {  	v28 =	vsel vm9, v28, v30;
	v27 =	vsel vm8, v27, v29;
	v22 =	vld [tilespmem:s28+$0xFFFFE000];
	v10 =	vsel vm0, v17, v10  }
0x266: {  	vm2 =	vgt.s32 v15, v20;
	vm1 =	vgt.s32 v27, v24;
	vm0 =	vgt.s32 v28, v25;
	v17 =	vld [tilespmem:s0+$0x19000]  }
0x267: {  	s30 =	sadd.s32 s25, s30;
	v15 =	vsel vm2, v15, v20;
	v24 =	vsel vm1, v27, v24;
	v25 =	vsel vm0, v28, v25;
	v29 =	vld [tilespmem:s0+$0x1A000];
	s25 =	spop (v2sf)  }
0x268: {  	vm2 =	vgt.s32 v15, v19;
	vm1 =	vgt.s32 v24, v26;
	vm0 =	vgt.s32 v25, v32;
	v20 =	vld [tilespmem:s0+$0x1B000];
	s0 =	sadd.s32 s30, s25;
	s25 =	spop (v2sf)  }
0x269: {  	v25 =	vsel vm0, v25, v32;
	vm0 =	vgt.s32 v10, v18;
	v27 =	vld [tilespmem:s28+$0x10];
	v28 =	vmov s0;
	s0 =	sadd.s32 s0, s25;
	s25 =	spop (v2sf)  }
0x26a: {  	v15 =	vsel vm2, v15, v19;
	v32 =	vsel vm1, v24, v26;
	v30 =	vld [tilespmem:s28+$0x20];
	v28 =	vsub.s32 $0x0, v28;
	s25 =	sadd.s32 s0, s25  }
0x26b: {  	v19 =	vadd.s32 v22, v34;
	v17 =	vadd.s32 v31, v17;
	v22 =	vld [tilespmem:s28+$0xFFFFF020];
	v24 =	vbroadcast v28, $0x0  }
0x26c: {  	v19 =	vadd.s32 v33, v19;
	v28 =	vsel vm0, v10, v18;
	v17 =	vadd.s32 v29, v17;
	v26 =	vld [tilespmem:s28+$0xFFFFE020]  }
0x26d: {  	vm6 =	vgt.s32 v25, v12;
	v10 =	vmov s25;
	v17 =	vadd.s32 v20, v17;
	v18 =	vld [tilespmem:s28+$0xFFFFE010]  }
0x26e: {  	vm7 =	vgt.s32 v15, v6;
	v23 =	vsub.s32 v24, v23;
	v24 =	vmov s0;
	v20 =	vld [tilespmem:s28+$0xFFFFF010];
	(xrf0) =	vadd.scan.msk.s32 $0xffff, v17  }
0x26f: {  	v29 =	vsub.s32 $0x8000, v10;
	v10 =	vadd.s32 $0x8000, v23;
	v23 =	vsub.s32 $0x0, v24;
	v31 =	vld [tilespmem:s28+$0x1000]  }
0x270: {  	v16 =	vadd.s32 v16, v10;
	vm0 =	vlt.s32 v10, $0x40;
	v23 =	vbroadcast v23, $0x0;
	v24 =	vld [tilespmem:s28+$0x1010]  }
0x271: {  	vm1 =	vgt.s32 v16, $0x3F;
	vm2 =	vgt.s32 v16, $0xFF;
	v22 =	vadd.s32 v26, v22;
	v26 =	vld [tilespmem:s28+$0x1020]  }
0x272: {  	vm8 =	vgt.s32 v28, v7;
	v16 =	vsub.s32 v23, v21;
	v22 =	vadd.s32 v30, v22  }
0x273: {  	v21 =	vbroadcast v29, $0x0;
	v29 =	vadd.s32 $0x8000, v16;
	v20 =	vadd.s32 v18, v20  }
0x274: {  	v30 =	vadd.s32 v31, v19;
	v16 =	vadd.s32 v27, v20;
	v18, _, _ =	vpop (xrf0);
	v27 =	vadd.s32 v11, v29  }
0x275: {  	v19 =	vsub.s32 v21, v18;
	v16 =	vadd.s32 v24, v16;
	(v2sf) =	vpush v18, $0xF;
	(xrf0) =	vadd.scan.msk.s32 $0xffff, v30  }
0x276: {  	vm3 =	vgt.s32 v27, $0xFF;
	v17 =	vadd.s32 v17, v19;
	v11 =	vadd.s32 v26, v22;
	(xrf0) =	vadd.scan.msk.s32 $0xffff, v16  }
0x277: {  	vm10 =	vlt.s32 v29, $0x40;
	vm9 =	vlt.s32 v29, $0x100;
	vm4 =	vgt.s32 v17, $0xFF;
	(xrf0) =	vadd.scan.msk.s32 $0xffff, v11  }
0x278: {  	s0 =	sadd.s32 $0x20, s29;
	vm13 =	vlt.s32 v10, $0x100;
	vm12 =	vlt.s32 v19, $0x100;
	vm11 =	vgt.s32 v17, $0x3F  }
0x279: {  	s31 =	sadd.s32 $0x30, s24;
	vm14 =	vlt.s32 v19, $0x40;
	v22 =	vor.u32 s0, v0;
	s0 =	sadd.s32 $0x10, s24;
	s24 =	smov.u32 s29  }
0x27a: {  	v26 =	vor.u32 s31, v0;
	v17 =	vnsel vm5, $0xFFFFFFFF, v13;
	v31 =	vor.u32 s0, v0  }
0x27b: {  	v13 =	vor.u32 s24, v0;
	v33 =	vnsel vm14, $0x0, v19;
	v34 =	vnsel vm12, $0x0, v19;
	v35, _, _ =	vpop (xrf0)  }
0x27c: {  	v20 =	vnsel vm13, $0x0, v10;
	v18 =	vmov s30;
	(v2sf) =	vpush v35, $0xF;
	v23, _, _ =	vpop (xrf0)  }
0x27d: {  	v18 =	vsub.s32 $0x0, v18;
	v36 =	vnsel vm11, $0xFFFFFFFF, v13;
	(v2sf) =	vpush v23, $0xF;
	v21, _, _ =	vpop (xrf0)  }
0x27e: {  	v37 =	vbroadcast v18, $0x0;
	v18 =	vnsel vm10, $0x0, v29;
	(v2sf) =	vpush v21, $0xF  }
0x27f: {  	v24 =	vsel vm8, v28, v7;
	v19 =	vnsel vm9, $0x0, v29;
	vm5 =	vgt.s32 v32, v17;
	v7 =	vmovc v33  }
0x280: {  	v15 =	vsel vm7, v15, v6;
	vm7 =	vgt.s32 v27, $0x3F;
	v6 =	vmovc v34;
	v29 =	vsub.s32 v37, v14;
	v14 =	vmovc v35  }
.Ltmp30:
0x281: {  	v28 =	vsel vm6, v25, v12;
	v27 =	vsel vm5, v32, v17;
	v12 =	vmovc v36;
	v25 =	vadd.s32 $0x8000, v29;
	(pc) =	sbr.rel @p0 .LBB2_39-.Ltmp30, $4  }
0x282: {  	v29 =	vadd.s32 v9, v25;
	vm5 =	vlt.s32 v25, $0x40;
	vm6 =	vlt.s32 v25, $0x100;
	v9 =	vmovc v30  }
0x283: {  	vm8 =	vgt.s32 v29, $0x3F;
	v17 =	vnsel vm5, $0x0, v25;
	vm5 =	vgt.s32 v29, $0xFF  }
0x284: {  	v25 =	vnsel vm6, $0x0, v25;
	v30 =	vnsel vm8, $0xFFFFFFFF, v31;
	v29 =	vnsel vm5, $0xFFFFFFFF, v31;
	s30 =	spop (v2sf)  }
0x285: {  	s28 =	sadd.s32 $0x40, s28;
	vm6 =	vgt.s32 v15, v25;
	vm9 =	vgt.s32 v28, v30;
	vm8 =	vgt.s32 v27, v29  }
0x286: {  	_ = 	snop  }
0x287: {  	v31 =	vnsel vm7, $0xFFFFFFFF, v26  }
0x288: {  	v50 =	vnsel vm3, $0xFFFFFFFF, v26;
	vm3 =	vmmov vm4;
	v28 =	vsel vm9, v28, v30  }
0x289: {  	s0 =	sadd.s32 s25, s30;
	v51 =	vnsel vm2, $0xFFFFFFFF, v8;
	v8 =	vnsel vm1, $0xFFFFFFFF, v8;
	v27 =	vsel vm8, v27, v29  }
0x28a: {  	vm1 =	vgt.s32 v28, v8;
	vm2 =	vgt.s32 v27, v51;
	v56 =	vmov s0  }
0x28b: {  	v13 =	vnsel vm3, $0xFFFFFFFF, v13;
	v8 =	vsel vm1, v28, v8;
	v27 =	vsel vm2, v27, v51;
	s30 =	spop (v2sf)  }
0x28c: {  	v57 =	vsub.s32 $0x0, v56;
	vm1 =	vgt.s32 v8, v31;
	vm2 =	vgt.s32 v27, v50;
	s25 =	sadd.s32 s0, s30  }
0x28d: {  	v8 =	vsel vm1, v8, v31;
	v26 =	vsel vm2, v27, v50;
	s26 =	spop (v2sf);
	v52 =	vmov s25  }
0x28e: {  	v27 =	vbroadcast v57, $0x0;
	vm1 =	vgt.s32 v8, v12;
	s25 =	sadd.s32 s25, s26;
	v53 =	vsub.s32 $0x0, v52  }
0x28f: {  	vm3 =	vgt.s32 v26, v13;
	v54 =	vmov s25;
	v28 =	vbroadcast v53, $0x0  }
0x290: {  	v14 =	vsub.s32 v27, v14;
	v8 =	vsel vm1, v8, v12;
	v29 =	vsub.s32 $0x0, v54  }
0x291: {  	v14 =	vadd.s32 $0x8000, v14;
	s25 =	sadd.s32 $0x30, s24;
	v55 =	vbroadcast v29, $0x0;
	v23 =	vsub.s32 v28, v23  }
0x292: {  	v9 =	vadd.s32 v9, v14;
	v58 =	vor.u32 s25, v0;
	v23 =	vadd.s32 $0x8000, v23  }
0x293: {  	vm8 =	vgt.s32 v9, $0x3F;
	v21 =	vsub.s32 v55, v21;
	v16 =	vadd.s32 v16, v23  }
0x294: {  	s31 =	sadd.s32 $0x10, s24;
	vm1 =	vgt.s32 v9, $0xFF;
	v21 =	vadd.s32 $0x8000, v21;
	vm2 =	vgt.s32 v16, $0x3F  }
0x295: {  	vm4 =	vgt.s32 v16, $0xFF;
	v11 =	vadd.s32 v11, v21;
	v16 =	vor.u32 s31, v0  }
0x296: {  	vm5 =	vgt.s32 v11, $0xFF;
	vm7 =	vgt.s32 v11, $0x3F;
	v9 =	vnsel vm8, $0xFFFFFFFF, v16  }
0x297: {  	v11 =	vsel vm3, v26, v13;
	v12 =	vnsel vm1, $0xFFFFFFFF, v16;
	vm1 =	vgt.s32 v8, v9  }
0x298: {  	v13 =	vnsel vm2, $0xFFFFFFFF, v22;
	vm3 =	vgt.s32 v11, v12;
	v8 =	vsel vm1, v8, v9  }
0x299: {  	v9 =	vnsel vm4, $0xFFFFFFFF, v22;
	v11 =	vsel vm3, v11, v12;
	vm1 =	vgt.s32 v8, v13  }
0x29a: {  	v12 =	vnsel vm7, $0xFFFFFFFF, v58;
	vm2 =	vgt.s32 v11, v9;
	v8 =	vsel vm1, v8, v13  }
0x29b: {  	v13 =	vnsel vm5, $0xFFFFFFFF, v58;
	v9 =	vsel vm2, v11, v9;
	vm1 =	vgt.s32 v8, v12  }
0x29c: {  	vm2 =	vgt.s32 v9, v13;
	v8 =	vsel vm1, v8, v12  }
0x29d: {  	v9 =	vsel vm2, v9, v13;
	v8 =	vxor.u32 $0x80000000, v8  }
0x29e: {  	s26 =	simm.s32 $0x8040;
	(xrf0) =	vmax.scan.msk.u32 $0xffff, v8;
	v8 =	vxor.u32 $0x80000000, v9  }
0x29f: {  	v11 =	vld [tilespmem:s26+$0x30];
	(xrf0) =	vmax.scan.msk.u32 $0xffff, v8;
	_ =	sdelay $0x1  }
0x2a0: {  	vm1 =	vgt.s32 v24, v17  }
0x2a1: {  	v10 =	vnsel vm0, $0x0, v10;
	v9 =	vsel vm1, v24, v17  }
0x2a2: {  	vm3 =	vlt.s32 v23, $0x100;
	vm4 =	vlt.s32 v21, $0x40;
	vm1 =	vgt.s32 v9, v10  }
0x2a3: {  	vm5 =	vlt.s32 v21, $0x100;
	v17 =	vld [tilespmem:s26+$0x0];
	v22 =	vshra.s32 v11, $0x1F;
	v9 =	vsel vm1, v9, v10;
	v8, _, _ =	vpop (xrf0)  }
0x2a4: {  	v10 =	vnsel vm3, $0x0, v23;
	vm1 =	vgt.s32 v9, v18;
	(v2sf) =	vpush v8, $0xF;
	v8, _, _ =	vpop (xrf0)  }
0x2a5: {  	v9 =	vsel vm1, v9, v18;
	v18 =	vld [tilespmem:s26+$0xFFFFFFF0];
	(v2sf) =	vpush v8, $0xF;
	v8 =	vsel vm6, v15, v25  }
0x2a6: {  	vm3 =	vlt.s32 v14, $0x100;
	v22 =	vor.u32 $0x80000000, v22;
	vm0 =	vgt.s32 v8, v20  }
0x2a7: {  	v12 =	vnsel vm3, $0x0, v14;
	vm1 =	vlt.s32 v23, $0x40;
	v8 =	vsel vm0, v8, v20  }
0x2a8: {  	vm2 =	vgt.s32 v9, v7;
	v60 =	vshra.s32 v17, $0x1F;
	vm0 =	vgt.s32 v8, v19  }
0x2a9: {  	v7 =	vsel vm2, v9, v7;
	vm2 =	vlt.s32 v14, $0x40;
	v8 =	vsel vm0, v8, v19  }
0x2aa: {  	v25 =	vor.u32 $0x80000000, v60;
	v59 =	vshra.s32 v18, $0x1F;
	vm0 =	vgt.s32 v8, v6  }
0x2ab: {  	v20 =	vimm.s32 $0x0;
	v19 =	vld [tilespmem:s26+$0xFFFFFFE0];
	v6 =	vsel vm0, v8, v6;
	v8 =	vnsel vm2, $0x0, v14  }
0x2ac: {  	v24 =	vor.u32 $0x80000000, v59;
	vm0 =	vgt.s32 v6, v12;
	vm2 =	vgt.s32 v7, v8  }
0x2ad: {  	v13 =	vld [tilespmem:s26+$0x10];
	v7 =	vsel vm2, v7, v8;
	v8 =	vnsel vm1, $0x0, v23;
	v6 =	vsel vm0, v6, v12  }
0x2ae: {  	v9 =	vld [tilespmem:s26+$0x20];
	v14 =	vnsel vm4, $0x0, v21;
	vm0 =	vgt.s32 v7, v8;
	vm1 =	vgt.s32 v6, v10  }
0x2af: {  	v12 =	vnsel vm5, $0x0, v21;
	v7 =	vsel vm0, v7, v8;
	v6 =	vsel vm1, v6, v10;
	v8 =	vld [tilespmem:s26+$0xFFFFFFD0]  }
0x2b0: {  	vm2 =	vlt.s32 v20, $0x7FF;
	v23 =	vshra.s32 v19, $0x1F;
	v10 =	vld [tilespmem:s26+$0xFFFFFFC0];
	vm0 =	vgt.s32 v6, v12  }
0x2b1: {  	v23 =	vor.u32 $0x80000000, v23;
	v6 =	vsel vm0, v6, v12;
	v12 =	vnsel vm2, $0x7FF, v20  }
0x2b2: {  	vm1 =	vgt.s32 v7, v14;
	v21 =	vadd.s32 v5, v12;
	v12 =	vshra.s32 v13, $0x1F  }
0x2b3: {  	v7 =	vsel vm1, v7, v14;
	v14 =	vshra.s32 v9, $0x1F;
	v63 =	vor.u32 $0x80000000, v12  }
0x2b4: {  	s29 =	spop (v2sf);
	v12 =	vor.u32 $0x80000000, v14;
	v14 =	vxor.u32 v11, v22;
	v11 =	vxor.u32 v17, v25  }
0x2b5: {  	s25 =	spop (v2sf);
	v61 =	vshra.s32 v10, $0x1F;
	v62 =	vshra.s32 v8, $0x1F;
	v12 =	vxor.u32 v9, v12  }
0x2b6: {  	s30 =	sxor.u32 $0x80000000, s25;
	v9 =	vxor.u32 v18, v24;
	v13 =	vxor.u32 v13, v63;
	v25 =	vshrl.u32 v11, $0x14  }
0x2b7: {  	s24 =	spop (v2sf);
	v15 =	vmov s30;
	v27 =	vor.u32 $0x80000000, v62;
	v26 =	vor.u32 $0x80000000, v61  }
0x2b8: {  	s31 =	sxor.u32 $0x80000000, s24;
	v17 =	vshrl.u32 v13, $0x14;
	v18 =	vshrl.u32 v12, $0x14;
	v24 =	vshrl.u32 v9, $0x14  }
0x2b9: {  	v16 =	vmov s31;
	v22 =	vxor.u32 v10, v26;
	v8 =	vxor.u32 v8, v27  }
0x2ba: {  	v10 =	vxor.u32 v19, v23;
	v19 =	vshrl.u32 v14, $0x14;
	vm5 =	veq.s32 v18, v15  }
0x2bb: {  	vm3 =	veq.s32 v25, v15;
	vm4 =	veq.s32 v17, v15;
	vm2 =	veq.s32 v24, v15  }
0x2bc: {  	v23 =	vshrl.u32 v10, $0x14;
	v26 =	vshrl.u32 v22, $0x14;
	v27 =	vshrl.u32 v8, $0x14  }
0x2bd: {  	vm6 =	veq.s32 v19, v15;
	vm8 =	veq.s32 v18, v16;
	vm7 =	veq.s32 v19, v16  }
0x2be: {  	vm9 =	veq.s32 v17, v16;
	vm10 =	veq.s32 v24, v16;
	vm11 =	veq.s32 v25, v16  }
0x2bf: {  	vm0 =	veq.s32 v26, v15;
	vm1 =	veq.s32 v26, v16;
	vm12 =	veq.s32 v23, v15  }
0x2c0: {  	vm13 =	vmor vm0, vm1;
	vm0 =	veq.s32 v27, v15;
	vm1 =	veq.s32 v27, v16  }
0x2c1: {  	v17 =	vsel vm13, $0x1, v1;
	vm0 =	vmor vm0, vm1;
	vm1 =	veq.s32 v23, v16  }
0x2c2: {  	v17 =	vadd.s32 v17, v20;
	v18 =	vsel vm0, $0x1, v1;
	vm1 =	vmor vm12, vm1  }
0x2c3: {  	vm2 =	vmor vm2, vm10;
	v18 =	vadd.s32 v18, v17;
	v19 =	vsel vm1, $0x1, v1  }
0x2c4: {  	vm3 =	vmor vm3, vm11;
	v20 =	vsel vm2, $0x1, v1;
	v19 =	vadd.s32 v19, v18  }
0x2c5: {  	vm4 =	vmor vm4, vm9;
	v23 =	vsel vm3, $0x1, v1;
	v20 =	vadd.s32 v20, v19  }
0x2c6: {  	s28 =	simm.s32 $0x80C0;
	s26 =	simm.s32 $0x0;
	vm5 =	vmor vm5, vm8;
	[tilespmem:v21+s14+$0x0] =	vst.idx.msk vm13, v22;
	v21 =	vadd.s32 v23, v20;
	v22 =	vsel vm4, $0x1, v1  }
.LBB2_41:
0x2c7: {  	v23 =	vld [tilespmem:s28+$0x30];
	v22 =	vadd.s32 v22, v21;
	v24 =	vsel vm5, $0x1, v1;
	vm6 =	vmor vm6, vm7  }
0x2c8: {  	v25 =	vld [tilespmem:s28+$0x20];
	vm7 =	vlt.s32 v22, $0x7FF;
	v24 =	vadd.s32 v24, v22;
	v26 =	vsel vm6, $0x1, v1  }
0x2c9: {  	vm8 =	vlt.s32 v21, $0x7FF;
	v27 =	vld [tilespmem:s28+$0x10];
	vm9 =	vlt.s32 v24, $0x7FF;
	v26 =	vadd.s32 v26, v24  }
0x2ca: {  	vm10 =	vlt.s32 v18, $0x7FF;
	vm11 =	vlt.s32 v19, $0x7FF;
	vm12 =	vlt.s32 v20, $0x7FF;
	v28 =	vld [tilespmem:s28+$0x0]  }
0x2cb: {  	vm14 =	vlt.s32 v17, $0x7FF;
	vm13 =	vlt.s32 v26, $0x7FF;
	v24 =	vnsel vm9, $0x7FF, v24;
	v29 =	vld [tilespmem:s28+$0xFFFFFFF0]  }
0x2cc: {  	v20 =	vnsel vm12, $0x7FF, v20;
	v21 =	vnsel vm8, $0x7FF, v21;
	v22 =	vnsel vm7, $0x7FF, v22;
	v30 =	vld [tilespmem:s28+$0xFFFFFFE0]  }
0x2cd: {  	v17 =	vnsel vm14, $0x7FF, v17;
	v18 =	vnsel vm10, $0x7FF, v18;
	v19 =	vnsel vm11, $0x7FF, v19;
	v31 =	vld [tilespmem:s28+$0xFFFFFFD0]  }
0x2ce: {  	v22 =	vadd.s32 v5, v22;
	v33 =	vnsel vm13, $0x7FF, v26;
	v24 =	vadd.s32 v5, v24;
	v32 =	vld [tilespmem:s28+$0xFFFFFFC0]  }
0x2cf: {  	s26 =	sadd.s32 $0x8, s26;
	v19 =	vadd.s32 v5, v19;
	v20 =	vadd.s32 v5, v20;
	v21 =	vadd.s32 v5, v21  }
0x2d0: {  	p0 =	slt.u32 s26, $0x7F8;
	v17 =	vadd.s32 v5, v17;
	v18 =	vadd.s32 v5, v18;
	v33 =	vadd.s32 v5, v33  }
0x2d1: {  	v36 =	vshra.s32 v23, $0x1F;
	v35 =	vshra.s32 v25, $0x1F;
	v34 =	vshra.s32 v27, $0x1F  }
0x2d2: {  	v39 =	vshra.s32 v28, $0x1F;
	v38 =	vshra.s32 v29, $0x1F;
	v37 =	vshra.s32 v30, $0x1F  }
0x2d3: {  	v36 =	vor.u32 $0x80000000, v36;
	v41 =	vshra.s32 v31, $0x1F;
	v40 =	vshra.s32 v32, $0x1F;
	[tilespmem:v24+s14+$0x0] =	vst.idx.msk vm6, v14  }
0x2d4: {  	v34 =	vor.u32 $0x80000000, v34;
	v24 =	vor.u32 $0x80000000, v39;
	v14 =	vor.u32 $0x80000000, v35;
	[tilespmem:v22+s14+$0x0] =	vst.idx.msk vm5, v12  }
0x2d5: {  	v35 =	vor.u32 $0x80000000, v37;
	v37 =	vor.u32 $0x80000000, v38;
	v22 =	vor.u32 $0x80000000, v41;
	[tilespmem:v21+s14+$0x0] =	vst.idx.msk vm4, v13  }
0x2d6: {  	v12 =	vxor.u32 v25, v14;
	v14 =	vxor.u32 v23, v36;
	v21 =	vor.u32 $0x80000000, v40;
	[tilespmem:v20+s14+$0x0] =	vst.idx.msk vm3, v11  }
0x2d7: {  	v13 =	vxor.u32 v27, v34;
	v20 =	vxor.u32 v29, v37;
	v11 =	vxor.u32 v28, v24  }
0x2d8: {  	v23 =	vxor.u32 v30, v35;
	v22 =	vxor.u32 v31, v22;
	v21 =	vxor.u32 v32, v21  }
0x2d9: {  	v25 =	vshrl.u32 v12, $0x14;
	v27 =	vshrl.u32 v14, $0x14;
	v24 =	vshrl.u32 v13, $0x14;
	[tilespmem:v19+s14+$0x0] =	vst.idx.msk vm2, v9;
	v9 =	vmovc v20  }
0x2da: {  	v28 =	vshrl.u32 v11, $0x14;
	v19 =	vshrl.u32 v23, $0x14;
	v20 =	vshrl.u32 v9, $0x14;
	[tilespmem:v18+s14+$0x0] =	vst.idx.msk vm1, v10;
	v10 =	vmovc v23  }
0x2db: {  	vm6 =	veq.s32 v27, v15;
	v18 =	vshrl.u32 v21, $0x14;
	v23 =	vshrl.u32 v22, $0x14;
	[tilespmem:v17+s14+$0x0] =	vst.idx.msk vm0, v8;
	v8 =	vmovc v22  }
0x2dc: {  	vm5 =	veq.s32 v25, v15;
	vm8 =	veq.s32 v25, v16;
	vm7 =	veq.s32 v27, v16  }
0x2dd: {  	vm4 =	veq.s32 v24, v15;
	vm9 =	veq.s32 v24, v16;
	vm3 =	veq.s32 v28, v15  }
0x2de: {  	vm11 =	veq.s32 v28, v16;
	vm2 =	veq.s32 v20, v15;
	vm10 =	veq.s32 v20, v16  }
0x2df: {  	vm12 =	veq.s32 v19, v15;
	vm0 =	veq.s32 v18, v15;
	vm1 =	veq.s32 v18, v16  }
0x2e0: {  	vm13 =	vmor vm0, vm1;
	vm0 =	veq.s32 v23, v15;
	vm1 =	veq.s32 v23, v16  }
0x2e1: {  	v17 =	vsel vm13, $0x1, v1;
	vm0 =	vmor vm0, vm1;
	vm1 =	veq.s32 v19, v16  }
.Ltmp31:
0x2e2: {  	v17 =	vadd.s32 v17, v26;
	v18 =	vsel vm0, $0x1, v1;
	vm1 =	vmor vm12, vm1;
	(pc) =	sbr.rel @p0 .LBB2_41-.Ltmp31, $4  }
0x2e3: {  	vm2 =	vmor vm2, vm10;
	v18 =	vadd.s32 v18, v17;
	v19 =	vsel vm1, $0x1, v1  }
0x2e4: {  	vm3 =	vmor vm3, vm11;
	v20 =	vsel vm2, $0x1, v1;
	v19 =	vadd.s32 v19, v18  }
0x2e5: {  	vm4 =	vmor vm4, vm9;
	v22 =	vsel vm3, $0x1, v1;
	v20 =	vadd.s32 v20, v19  }
0x2e6: {  	s28 =	sadd.s32 $0x80, s28;
	vm5 =	vmor vm5, vm8;
	[tilespmem:v33+s14+$0x0] =	vst.idx.msk vm13, v21;
	v21 =	vadd.s32 v22, v20;
	v22 =	vsel vm4, $0x1, v1  }
0x2e7: {  	v15 =	vadd.s32 v22, v21;
	v16 =	vsel vm5, $0x1, v1;
	vm6 =	vmor vm6, vm7  }
0x2e8: {  	v16 =	vadd.s32 v16, v15;
	v60 =	vsel vm6, $0x1, v1  }
0x2e9: {  	v22 =	vadd.s32 v60, v16  }
0x2ea: {  	vm13 =	vlt.s32 v22, $0x800  }
0x2eb: {  	v23 =	vxor.u32 $0x80000000, v7;
	v7 =	vnsel vm13, $0x800, v22  }
0x2ec: {  	(xrf0) =	vmax.scan.msk.u32 $0xffff, v23;
	v22 =	vxor.u32 $0x80000000, v7  }
0x2ed: {  	(xrf0) =	vmax.scan.msk.u32 $0xffff, v22;
	_ =	sdelay $0x4  }
0x2ee: {  	v61, _, _ =	vpop (xrf0)  }
0x2ef: {  	(v2sf) =	vpush v61, $0xF;
	v62, _, _ =	vpop (xrf0)  }
0x2f0: {  	(v2sf) =	vpush v62, $0xF;
	_ =	sdelay $0x3  }
0x2f1: {  	vm15 =	vlt.s32 v21, $0x7FF  }
0x2f2: {  	vm12 =	vlt.s32 v20, $0x7FF;
	v21 =	vnsel vm15, $0x7FF, v21  }
0x2f3: {  	vm8 =	vlt.s32 v15, $0x7FF;
	v20 =	vnsel vm12, $0x7FF, v20;
	v21 =	vadd.s32 v5, v21  }
0x2f4: {  	vm15 =	vlt.s32 v17, $0x7FF;
	v15 =	vnsel vm8, $0x7FF, v15;
	v20 =	vadd.s32 v5, v20  }
0x2f5: {  	vm14 =	vlt.s32 v16, $0x7FF;
	v17 =	vnsel vm15, $0x7FF, v17;
	v15 =	vadd.s32 v5, v15  }
0x2f6: {  	v16 =	vnsel vm14, $0x7FF, v16;
	vm14 =	vlt.s32 v18, $0x7FF;
	v63 =	vadd.s32 v5, v17  }
0x2f7: {  	v16 =	vadd.s32 v5, v16;
	vm13 =	vlt.s32 v19, $0x7FF;
	v18 =	vnsel vm14, $0x7FF, v18  }
0x2f8: {  	v19 =	vnsel vm13, $0x7FF, v19;
	v18 =	vadd.s32 v5, v18;
	[tilespmem:v21+s14+$0x0] =	vst.idx.msk vm4, v13  }
0x2f9: {  	v19 =	vadd.s32 v5, v19;
	[tilespmem:v20+s14+$0x0] =	vst.idx.msk vm3, v11  }
.Ltmp32:
0x2fa: {  	[tilespmem:v15+s14+$0x0] =	vst.idx.msk vm5, v12;
	(pc) =	sbr.rel .LBB2_43-.Ltmp32, $4  }
0x2fb: {  	[tilespmem:v63+s14+$0x0] =	vst.idx.msk vm0, v8;
	s0 =	spop (v2sf)  }
0x2fc: {  	[tilespmem:v16+s14+$0x0] =	vst.idx.msk vm6, v14;
	s0 =	sxor.u32 $0x80000000, s0;
	s26 =	spop (v2sf)  }
0x2fd: {  	s25 =	sshll.u32 s25, $0x14;
	[tilespmem:v18+s14+$0x0] =	vst.idx.msk vm1, v10;
	s0 =	ssub.s32 $0x40, s0;
	s26 =	sxor.u32 $0x80000000, s26  }
0x2fe: {  	s28 =	simm.s32 $0x0;
	[tilespmem:v19+s14+$0x0] =	vst.idx.msk vm2, v9;
	v9 =	vmov s25;
	s25 =	simm.s32 $0x0;
	v10 =	vmov s0;
	p0 =	slt.s32 s26, $0x1  }
.LBB2_45:
0x2ff: {  	v14 =	vimm.s32 $0x0;
	s29 =	simm.s32 $0x0  }
.LBB2_52:
0x300: {  	_ =	sdelay $0x3  }
0x301: {  	v13 =	vld.idx.msk [tilespmem:v13+s14+$0x0], $0xffff;
	_ =	sdelay $0x1  }
0x302: {  	v17 =	vmov @p1 s31;
	v16 =	vshrl.u32 @p1 v16, v12  }
0x303: {  	vm0 =	vlt.s32 @p1 v17, v7;
	vm1 =	veq.s32 @p1 v16, v11  }
0x304: {  	vm0 =	vmand @p1 vm0, vm1  }
0x305: {  	v62 =	vmov s29;
	v16 =	vmpcnt.ones.xlane @p1 vm0;
	v61 =	vshrl.u32 v13, v12  }
0x306: {  	v14 =	vadd.s32 @p2 v14, v15;
	vm14 =	vlt.s32 v62, v7;
	vm15 =	veq.s32 v61, v11  }
0x307: {  	v12 =	vpsel p2, v14, v9;
	v11 =	vpsel p1, v16, v0;
	vm0 =	vmand vm14, vm15  }
0x308: {  	v11 =	vadd.s32 @p1 v12, v11;
	v63 =	vmpcnt.ones.xlane vm0  }
0x309: {  	v9 =	vpsel p1, v11, v9  }
0x30a: {  	v9 =	vadd.s32 v9, v63  }
.LBB2_53:
0x30b: {  	s0 =	sshrl.u32 s15, s28;
	s28 =	sadd.s32 $0x1, s28  }
0x30c: {  	p1 =	sne.s32 s28, $0x14  }
.Ltmp33:
0x30d: {  	_ = 	snop;
	(pc) =	sbr.rel @!p1 .LBB2_54-.Ltmp33, $4  }
0x30e: {  	_ = 	snop  }
0x30f: {  	vm0 =	vgt.s32 v10, v9;
	v11 =	vmov s0  }
0x310: {  	v12 =	vnsel vm0, $0x0, v9;
	v11 =	vsel vm0, $0x0, v11  }
0x311: {  	v10 =	vsub.s32 v10, v12;
	v9 =	vor.u32 v8, v11  }
.LBB2_43:
.Ltmp34:
0x312: {  	(pc) =	sbr.rel @p0 .LBB2_53-.Ltmp34, $2  }
0x313: {  	_ =	sdelay $0x2  }
0x314: {  	v8 =	vmov v9;
	v9 =	vimm.s32 $0x0  }
0x315: {  	p3 =	sne.s32 s26, $0x1  }
.Ltmp35:
0x316: {  	_ = 	snop;
	(pc) =	sbr.rel @!p3 .LBB2_45-.Ltmp35, $4  }
0x317: {  	_ = 	snop  }
0x318: {  	s0 =	ssub.s32 $0x13, s28  }
0x319: {  	v11 =	vshrl.u32 v8, s0  }
0x31a: {  	s29 =	simm.s32 $0x1;
	v13 =	vadd.s32 s25, v5;
	p1 =	por $0x0, $0x0;
	p2 =	por $0x0, $0x0;
	v12 =	vmov s0;
	v11 =	vor.u32 $0x1, v11  }
0x31b: {  	p3 =	sne.s32 s26, $0x2  }
.Ltmp36:
0x31c: {  	_ = 	snop;
	(pc) =	sbr.rel @!p3 .LBB2_47-.Ltmp36, $2  }
0x31d: {  	_ =	sdelay $0x2  }
0x31e: {  	v16 =	vld.idx.msk [tilespmem:v13+s14+$0x0], $0xffff;
	s30 =	simm.s32 $0x2;
	v13 =	vadd.s32 s29, v5;
	p1 =	por $0x1, $0x1  }
0x31f: {  	_ =	sdelay $0x1  }
0x320: {  	p3 =	sne.s32 s26, $0x3  }
.Ltmp37:
0x321: {  	_ = 	snop;
	(pc) =	sbr.rel @!p3 .LBB2_49-.Ltmp37, $4  }
0x322: {  	v14 =	vmov s25;
	v15 =	vshrl.u32 v16, v12  }
0x323: {  	vm0 =	vlt.s32 v14, v7;
	vm1 =	veq.s32 v15, v11  }
0x324: {  	v16 =	vld.idx.msk [tilespmem:v13+s14+$0x0], $0xffff;
	v13 =	vadd.s32 s30, v5;
	vm0 =	vmand vm0, vm1  }
0x325: {  	s31 =	simm.s32 $0x3;
	p2 =	por $0x1, $0x1;
	v14 =	vimm.s32 $0x0;
	v15 =	vmpcnt.ones.xlane vm0  }
.LBB2_50:
0x326: {  	s0 =	smov.u32 s31;
	s31 =	sadd.s32 $0x1, s31  }
0x327: {  	p3 =	sne.s32 s26, s31  }
.Ltmp38:
0x328: {  	v14 =	vadd.s32 v14, v15;
	(pc) =	sbr.rel @p3 .LBB2_50-.Ltmp38, $4  }
0x329: {  	v15 =	vmov s29;
	v17 =	vshrl.u32 v16, v12;
	s29 =	smov.u32 s30;
	v16 =	vld.idx.msk [tilespmem:v13+s14+$0x0], $0xffff  }
0x32a: {  	s30 =	smov.u32 s0;
	v13 =	vadd.s32 s0, v5;
	vm0 =	vlt.s32 v15, v7;
	vm1 =	veq.s32 v17, v11  }
0x32b: {  	vm0 =	vmand vm0, vm1  }
0x32c: {  	v15 =	vmpcnt.ones.xlane vm0  }
.Ltmp39:
0x32d: {  	(pc) =	sbr.rel .LBB2_52-.Ltmp39, $2  }
0x32e: {  	_ =	sdelay $0x2  }
0x32f: {  	s31 =	smov.u32 s29;
	s29 =	smov.u32 s30  }
.LBB2_47:
.Ltmp40:
0x330: {  	(pc) =	sbr.rel .LBB2_52-.Ltmp40, $2  }
0x331: {  	_ =	sdelay $0x2  }
0x332: {  	v14 =	vimm.s32 $0x0;
	s31 =	simm.s32 $0x0  }
.LBB2_49:
.Ltmp41:
0x333: {  	(pc) =	sbr.rel .LBB2_52-.Ltmp41, $2  }
0x334: {  	_ =	sdelay $0x2  }
0x335: {  	v14 =	vimm.s32 $0x0;
	s31 =	simm.s32 $0x1;
	s29 =	simm.s32 $0x2  }
.LBB2_54:
0x336: {  	v6 =	vxor.u32 $0x80000000, v6  }
0x337: {  	(xrf0) =	vmax.scan.msk.u32 $0xffff, v6;
	_ =	sdelay $0x5  }
0x338: {  	v6, _, _ =	vpop (xrf0)  }
0x339: {  	(v2sf) =	vpush v6, $0xF;
	_ =	sdelay $0xd  }
.Ltmp42:
0x33a: {  	_ = 	snop;
	(pc) =	sbr.rel .LBB2_55-.Ltmp42, $4  }
0x33b: {  	s0 =	spop (v2sf)  }
0x33c: {  	s0 =	sxor.u32 $0x80000000, s0  }
0x33d: {  	s24 =	sshll.u32 s24, $0x14;
	s0 =	ssub.s32 $0x100, s0  }
0x33e: {  	s25 =	simm.s32 $0x0;
	v11 =	vmov s24;
	s24 =	simm.s32 $0x0;
	v10 =	vmov s0  }
.LBB2_57:
0x33f: {  	v15 =	vimm.s32 $0x0;
	s28 =	simm.s32 $0x0  }
.LBB2_64:
0x340: {  	_ =	sdelay $0x3  }
0x341: {  	v14 =	vld.idx.msk [tilespmem:v14+s14+$0x0], $0xffff;
	_ =	sdelay $0x1  }
0x342: {  	v18 =	vmov @p1 s30;
	v17 =	vshrl.u32 @p1 v17, v13  }
0x343: {  	vm0 =	vlt.s32 @p1 v18, v7;
	vm1 =	veq.s32 @p1 v17, v12  }
0x344: {  	vm0 =	vmand @p1 vm0, vm1  }
0x345: {  	v62 =	vmov s28;
	v17 =	vmpcnt.ones.xlane @p1 vm0;
	v61 =	vshrl.u32 v14, v13  }
0x346: {  	v15 =	vadd.s32 @p2 v15, v16;
	vm14 =	vlt.s32 v62, v7;
	vm15 =	veq.s32 v61, v12  }
0x347: {  	v13 =	vpsel p2, v15, v11;
	v12 =	vpsel p1, v17, v0;
	vm0 =	vmand vm14, vm15  }
0x348: {  	v12 =	vadd.s32 @p1 v13, v12;
	v63 =	vmpcnt.ones.xlane vm0  }
0x349: {  	v11 =	vpsel p1, v12, v11  }
0x34a: {  	v11 =	vadd.s32 v11, v63  }
.LBB2_65:
0x34b: {  	s0 =	sshrl.u32 s15, s25;
	s25 =	sadd.s32 $0x1, s25  }
0x34c: {  	p1 =	sne.s32 s25, $0x14  }
.Ltmp43:
0x34d: {  	_ = 	snop;
	(pc) =	sbr.rel @!p1 .LBB2_66-.Ltmp43, $4  }
0x34e: {  	_ = 	snop  }
0x34f: {  	vm0 =	vgt.s32 v10, v11;
	v12 =	vmov s0  }
0x350: {  	v13 =	vnsel vm0, $0x0, v11;
	v12 =	vsel vm0, $0x0, v12  }
0x351: {  	v10 =	vsub.s32 v10, v13;
	v11 =	vor.u32 v6, v12  }
.LBB2_55:
.Ltmp44:
0x352: {  	(pc) =	sbr.rel @p0 .LBB2_65-.Ltmp44, $2  }
0x353: {  	_ =	sdelay $0x2  }
0x354: {  	v6 =	vmov v11;
	v11 =	vimm.s32 $0x0  }
0x355: {  	p3 =	sne.s32 s26, $0x1  }
.Ltmp45:
0x356: {  	_ = 	snop;
	(pc) =	sbr.rel @!p3 .LBB2_57-.Ltmp45, $4  }
0x357: {  	_ = 	snop  }
0x358: {  	s0 =	ssub.s32 $0x13, s25  }
0x359: {  	v12 =	vshrl.u32 v6, s0  }
0x35a: {  	s28 =	simm.s32 $0x1;
	v14 =	vadd.s32 s24, v5;
	p1 =	por $0x0, $0x0;
	p2 =	por $0x0, $0x0;
	v13 =	vmov s0;
	v12 =	vor.u32 $0x1, v12  }
0x35b: {  	p3 =	sne.s32 s26, $0x2  }
.Ltmp46:
0x35c: {  	_ = 	snop;
	(pc) =	sbr.rel @!p3 .LBB2_59-.Ltmp46, $2  }
0x35d: {  	_ =	sdelay $0x2  }
0x35e: {  	v17 =	vld.idx.msk [tilespmem:v14+s14+$0x0], $0xffff;
	s29 =	simm.s32 $0x2;
	v14 =	vadd.s32 s28, v5;
	p1 =	por $0x1, $0x1  }
0x35f: {  	_ =	sdelay $0x1  }
0x360: {  	p3 =	sne.s32 s26, $0x3  }
.Ltmp47:
0x361: {  	_ = 	snop;
	(pc) =	sbr.rel @!p3 .LBB2_61-.Ltmp47, $4  }
0x362: {  	v15 =	vmov s24;
	v16 =	vshrl.u32 v17, v13  }
0x363: {  	vm0 =	vlt.s32 v15, v7;
	vm1 =	veq.s32 v16, v12  }
0x364: {  	v17 =	vld.idx.msk [tilespmem:v14+s14+$0x0], $0xffff;
	v14 =	vadd.s32 s29, v5;
	vm0 =	vmand vm0, vm1  }
0x365: {  	s30 =	simm.s32 $0x3;
	p2 =	por $0x1, $0x1;
	v15 =	vimm.s32 $0x0;
	v16 =	vmpcnt.ones.xlane vm0  }
.LBB2_62:
0x366: {  	s0 =	smov.u32 s30;
	s30 =	sadd.s32 $0x1, s30  }
0x367: {  	p3 =	sne.s32 s26, s30  }
.Ltmp48:
0x368: {  	v15 =	vadd.s32 v15, v16;
	(pc) =	sbr.rel @p3 .LBB2_62-.Ltmp48, $4  }
0x369: {  	v16 =	vmov s28;
	v18 =	vshrl.u32 v17, v13;
	s28 =	smov.u32 s29;
	v17 =	vld.idx.msk [tilespmem:v14+s14+$0x0], $0xffff  }
0x36a: {  	s29 =	smov.u32 s0;
	v14 =	vadd.s32 s0, v5;
	vm0 =	vlt.s32 v16, v7;
	vm1 =	veq.s32 v18, v12  }
0x36b: {  	vm0 =	vmand vm0, vm1  }
0x36c: {  	v16 =	vmpcnt.ones.xlane vm0  }
.Ltmp49:
0x36d: {  	(pc) =	sbr.rel .LBB2_64-.Ltmp49, $2  }
0x36e: {  	_ =	sdelay $0x2  }
0x36f: {  	s30 =	smov.u32 s28;
	s28 =	smov.u32 s29  }
.LBB2_59:
.Ltmp50:
0x370: {  	(pc) =	sbr.rel .LBB2_64-.Ltmp50, $2  }
0x371: {  	_ =	sdelay $0x2  }
0x372: {  	v15 =	vimm.s32 $0x0;
	s30 =	simm.s32 $0x0  }
.LBB2_61:
.Ltmp51:
0x373: {  	(pc) =	sbr.rel .LBB2_64-.Ltmp51, $2  }
0x374: {  	_ =	sdelay $0x2  }
0x375: {  	v15 =	vimm.s32 $0x0;
	s30 =	simm.s32 $0x1;
	s28 =	simm.s32 $0x2  }
.LBB2_68:
0x376: {  	_ =	sfence.sel $0x180000  }
0x377: {  	[bflag:$0x0] =	sbarrier.arrive $0xFFFF  }
0x378: {  	_ =	strace $0x90000047  }
0x379: {  	[bflag:$0x2] =	sbarrier.arrive $0xFFFF  }
0x37a: {  	p0 =	sne.s32 s1, $0x0;
	s0 =	rddreg [dreg:$0x3]  }
0x37b: {  	s0 =	sadd.s32 @!p0 $0x100000, s0  }
0x37c: {  	[sflag:s0] =	ssyncadd.tile.s32 @!p0 $0x1;
	_ =	shalt  }
.Lfunc_end2:
_tile_overlayer_lowered:
.L_overlay_start_2:
0x37d: {  	(tag) =	ssettag $0x2  }
0x37e: {  	s0 =	rddreg [dreg:$0x0];
	s2 =	stileid.u32  }
0x37f: {  	s1 =	rddreg [dreg:$0x1];
	p0 =	sne.s32 s2, $0x0  }
0x380: {  	s3 =	rddreg [dreg:$0x2];
	[bflag:$0x3] =	sbarrier.arrive $0xFFFF;
	s2 =	simm.s32 @!p0 $0x1C03  }
0x381: {  	[timem:s3], [sflag:s2] =	dma.local @!p0 [hbm:s0], s1  }
0x382: {  	s0 =	simm.s32 @!p0 $0x3  }
0x383: {  	_ =	swait.ge @!p0 [sflag:s0], s1  }
0x384: {  	s1 =	ssub.s32 @!p0 $0x0, s1;
	[sflag:s0] =	ssyncset.done @!p0 $0x0  }
0x385: {  	[sflag:s0] =	ssyncadd.s32 @!p0 s1  }
0x386: {  	[bflag:$0x3] =	sbarrier.arrive $0xFFFF  }
0x387: {  	_ =	shalt  }

</sc_bundles>
